<compile_context>
chip_gen: v7x
topology: tpu7x:2x2x1
jax: 0.10.2.dev20260603
libtpu: 0.0.44.dev20260713+nightly
codegen_flags: <defaults>
</compile_context>

<pallas_src>
import functools

import jax
import jax.numpy as jnp
from jax import lax
from jax.experimental import pallas as pl
from jax.experimental.pallas import tpu as pltpu
from jax.experimental.pallas import tpu_sc as plsc

NC = 2
NS = 16
NW = NC * NS
LANES = 16
D = 128
B = 64
KBUF = 1


def _make_seg_sum(n_acc, n_chunks, with_deg):
    rows_per_tile = n_acc // NS
    RB = 64
    row_chunks = rows_per_tile // RB

    mesh = plsc.VectorSubcoreMesh(
        core_axis_name="c", subcore_axis_name="s",
        num_cores=NC, num_subcores=NS)

    out_type = [jax.ShapeDtypeStruct((NC, n_acc, D), jnp.float32)]
    if with_deg:
        out_type.append(jax.ShapeDtypeStruct((NC, n_acc), jnp.float32))

    K = KBUF
    scratch = (
        [pltpu.VMEM((B,), jnp.int32) for _ in range(K)]
        + [pltpu.VMEM((B,), jnp.int32) for _ in range(K)]
        + [pltpu.VMEM((B, D), jnp.float32) for _ in range(K)]
        + [pltpu.VMEM_SHARED((n_acc, D), jnp.float32)]
        + [pltpu.SemaphoreType.DMA for _ in range(3 * K)]
    )
    if with_deg:
        scratch += [
            pltpu.VMEM((B,), jnp.float32),
            pltpu.VMEM((rows_per_tile,), jnp.float32),
            pltpu.VMEM_SHARED((n_acc,), jnp.float32),
        ]

    def body(src_hbm, dst_hbm, y_hbm, acc_hbm, *rest):
        if with_deg:
            deg_hbm = rest[0]
            rest = rest[1:]
        srcb = rest[0:K]
        dstb = rest[K:2 * K]
        rows = rest[2 * K:3 * K]
        acc_sh = rest[3 * K]
        sems = rest[3 * K + 1:6 * K + 1]
        sems, semd, semg = sems[0:K], sems[K:2 * K], sems[2 * K:3 * K]
        if with_deg:
            ones_v, deg_v, deg_sh = rest[6 * K + 1:]
        rows0 = rows[0]
        cid = lax.axis_index("c")
        sid = lax.axis_index("s")
        wid = sid * NC + cid
        zeros16 = jnp.zeros((LANES,), jnp.float32)
        lanes_per_row = D // LANES

        base = wid * (n_chunks * B)

        def zb(i, carry):
            rows0[i // lanes_per_row,
                  pl.ds((i % lanes_per_row) * LANES, LANES)] = zeros16
            return carry
        lax.fori_loop(0, RB * lanes_per_row, zb, 0)
        for j in range(row_chunks):
            pltpu.sync_copy(rows0, acc_sh.at[pl.ds(sid * rows_per_tile + j * RB, RB)])
        if with_deg:
            ones16 = jnp.ones((LANES,), jnp.float32)

            def zo(i, carry):
                ones_v[pl.ds(i * LANES, LANES)] = ones16
                return carry
            lax.fori_loop(0, B // LANES, zo, 0)

            def zd(i, carry):
                deg_v[pl.ds(i * LANES, LANES)] = zeros16
                return carry
            lax.fori_loop(0, rows_per_tile // LANES, zd, 0)
            pltpu.sync_copy(deg_v, deg_sh.at[pl.ds(sid * rows_per_tile, rows_per_tile)])
        plsc.subcore_barrier()

        def scatter(buf, dbuf):
            pltpu.sync_copy(buf, acc_sh.at[dbuf], add=True)
            if with_deg:
                pltpu.sync_copy(ones_v, deg_sh.at[dbuf], add=True)

        def step(it, carry):
            g0 = it * K
            sd, dd, gd = [], [], []
            for k in range(K):
                off = base + (g0 + k) * B
                sd.append(pltpu.async_copy(
                    src_hbm.at[pl.ds(off, B)], srcb[k], sems[k]))
                dd.append(pltpu.async_copy(
                    dst_hbm.at[pl.ds(off, B)], dstb[k], semd[k]))
            for k in range(K):
                sd[k].wait()
                gd.append(pltpu.async_copy(
                    y_hbm.at[srcb[k]], rows[k], semg[k]))
            for k in range(K):
                gd[k].wait()
                dd[k].wait()
                scatter(rows[k], dstb[k])
            return carry
        lax.fori_loop(0, n_chunks // K, step, 0)

        plsc.subcore_barrier()

        for j in range(row_chunks):
            r0 = sid * rows_per_tile + j * RB
            pltpu.sync_copy(acc_sh.at[pl.ds(r0, RB)], rows0)
            pltpu.sync_copy(rows0, acc_hbm.at[cid, pl.ds(r0, RB)])
        if with_deg:
            r0 = sid * rows_per_tile
            pltpu.sync_copy(deg_sh.at[pl.ds(r0, rows_per_tile)], deg_v)
            pltpu.sync_copy(deg_v, deg_hbm.at[cid, pl.ds(r0, rows_per_tile)])

    return pl.kernel(body, out_type=out_type, mesh=mesh, scratch_types=scratch)


def _mm2(x, wa, wb, rows_blk=1000):
    n = x.shape[0]

    def body(x_ref, wa_ref, wb_ref, oa_ref, ob_ref):
        xb = x_ref[...]
        dn = (((1,), (1,)), ((), ()))
        oa_ref[...] = lax.dot_general(xb, wa_ref[...], dn,
                                      preferred_element_type=jnp.float32)
        ob_ref[...] = lax.dot_general(xb, wb_ref[...], dn,
                                      preferred_element_type=jnp.float32)

    return pl.pallas_call(
        body,
        grid=(n // rows_blk,),
        in_specs=[pl.BlockSpec((rows_blk, D), lambda i: (i, 0)),
                  pl.BlockSpec((D, D), lambda i: (0, 0)),
                  pl.BlockSpec((D, D), lambda i: (0, 0))],
        out_specs=[pl.BlockSpec((rows_blk, D), lambda i: (i, 0)),
                   pl.BlockSpec((rows_blk, D), lambda i: (i, 0))],
        out_shape=[jax.ShapeDtypeStruct((n, D), jnp.float32)] * 2,
    )(x, wa, wb)


def _deg_recip(deg_p):
    n_acc = deg_p.shape[1]

    def body(deg_ref, o_ref):
        deg = deg_ref[0] + deg_ref[1]
        o_ref[...] = (1.0 / jnp.maximum(deg, 1.0))[:, None]

    return pl.pallas_call(
        body,
        out_shape=jax.ShapeDtypeStruct((n_acc, 1), jnp.float32),
    )(deg_p)


def _combine_mm2(acc_p, recip, b, zr, wa, wb, rows_blk=1000):
    n = zr.shape[0]

    def body(acc_ref, recip_ref, b_ref, zr_ref, wa_ref, wb_ref, oa_ref, ob_ref):
        accsum = acc_ref[0] + acc_ref[1]
        h = accsum * recip_ref[...] + b_ref[...] + zr_ref[...]
        h = jnp.maximum(h, 0.0)
        dn = (((1,), (1,)), ((), ()))
        oa_ref[...] = lax.dot_general(h, wa_ref[...], dn,
                                      preferred_element_type=jnp.float32)
        ob_ref[...] = lax.dot_general(h, wb_ref[...], dn,
                                      preferred_element_type=jnp.float32)

    return pl.pallas_call(
        body,
        grid=(n // rows_blk,),
        in_specs=[pl.BlockSpec((NC, rows_blk, D), lambda i: (0, i, 0)),
                  pl.BlockSpec((rows_blk, 1), lambda i: (i, 0)),
                  pl.BlockSpec((1, D), lambda i: (0, 0)),
                  pl.BlockSpec((rows_blk, D), lambda i: (i, 0)),
                  pl.BlockSpec((D, D), lambda i: (0, 0)),
                  pl.BlockSpec((D, D), lambda i: (0, 0))],
        out_specs=[pl.BlockSpec((rows_blk, D), lambda i: (i, 0)),
                   pl.BlockSpec((rows_blk, D), lambda i: (i, 0))],
        out_shape=[jax.ShapeDtypeStruct((n, D), jnp.float32)] * 2,
    )(acc_p, recip, b, zr, wa, wb)


def _combine_final(acc_p, recip, b, zr, rows_blk=1000):
    n = zr.shape[0]

    def body(acc_ref, recip_ref, b_ref, zr_ref, o_ref):
        accsum = acc_ref[0] + acc_ref[1]
        o_ref[...] = accsum * recip_ref[...] + b_ref[...] + zr_ref[...]

    return pl.pallas_call(
        body,
        grid=(n // rows_blk,),
        in_specs=[pl.BlockSpec((NC, rows_blk, D), lambda i: (0, i, 0)),
                  pl.BlockSpec((rows_blk, 1), lambda i: (i, 0)),
                  pl.BlockSpec((1, D), lambda i: (0, 0)),
                  pl.BlockSpec((rows_blk, D), lambda i: (i, 0))],
        out_specs=pl.BlockSpec((rows_blk, D), lambda i: (i, 0)),
        out_shape=jax.ShapeDtypeStruct((n, D), jnp.float32),
    )(acc_p, recip, b, zr)


@jax.jit
def kernel(x, edge_index, W1_l, b1, W1_r, W2_l, b2, W2_r):
    n_nodes = x.shape[0]
    n_edges = edge_index.shape[1]

    per_w = -(-n_edges // (NW * B * KBUF)) * B * KBUF
    e_pad = per_w * NW
    n_chunks = per_w // B
    n_acc = -(-(n_nodes + 1) // (NS * 128)) * NS * 128

    src = edge_index[0].astype(jnp.int32)
    dst = edge_index[1].astype(jnp.int32)
    if e_pad > n_edges:
        pad = e_pad - n_edges
        src = jnp.concatenate([src, jnp.zeros((pad,), jnp.int32)])
        dst = jnp.concatenate([dst, jnp.full((pad,), n_nodes, jnp.int32)])


    seg_deg = _make_seg_sum(n_acc, n_chunks, with_deg=True)
    seg = _make_seg_sum(n_acc, n_chunks, with_deg=False)

    b1r = b1.reshape(1, D)
    b2r = b2.reshape(1, D)

    y1l, z1r = _mm2(x, W1_l, W1_r)
    acc1, deg_p = seg_deg(src, dst, y1l)
    recip = _deg_recip(deg_p)
    y2l, z2r = _combine_mm2(acc1, recip, b1r, z1r, W2_l, W2_r)
    (acc2,) = seg(src, dst, y2l)
    out = _combine_final(acc2, recip, b2r, z2r)
    return out

# --- scband reference (transcript-rebuilt; emitter-appended) ---
"""Pipeline reference for scband-graph-sage-15728170238522 (READ-ONLY COPY).

The authoritative reference and input builder live on the scoring server;
editing this copy changes nothing except your own understanding.
"""

import jax, jax.numpy as jnp
import numpy as np

N_NODES = 10000
N_EDGES = 320000
D_IN = 128
D_HID = 128
D_OUT = 128


def setup_inputs(seed: int = 0) -> dict:
    key = jax.random.key(seed)
    ks = jax.random.split(key, 10)
    x = jax.random.normal(ks[0], (N_NODES, D_IN), dtype=jnp.float32)
    edge_index = jax.random.randint(ks[1], (2, N_EDGES), 0, N_NODES, dtype=jnp.int64)
    s1 = 1.0 / np.sqrt(D_IN)
    s2 = 1.0 / np.sqrt(D_HID)
    W1_l = jax.random.uniform(ks[2], (D_HID, D_IN), jnp.float32, -s1, s1)
    b1 = jax.random.uniform(ks[3], (D_HID,), jnp.float32, -s1, s1)
    W1_r = jax.random.uniform(ks[4], (D_HID, D_IN), jnp.float32, -s1, s1)
    W2_l = jax.random.uniform(ks[5], (D_OUT, D_HID), jnp.float32, -s2, s2)
    b2 = jax.random.uniform(ks[6], (D_OUT,), jnp.float32, -s2, s2)
    W2_r = jax.random.uniform(ks[7], (D_OUT, D_HID), jnp.float32, -s2, s2)
    return {"x": x, "edge_index": edge_index, "W1_l": W1_l, "b1": b1, "W1_r": W1_r, "W2_l": W2_l, "b2": b2, "W2_r": W2_r}


def _sage_conv(x, edge_index, W_l, b_l, W_r, n_nodes):
    # PyG SAGEConv with mean aggregation:
    # out = lin_l(mean_{j in N(i)} x_j) + lin_r(x_i)
    src = edge_index[0]
    dst = edge_index[1]
    msgs = jnp.take(x, src, axis=0)                      # gather source node features
    agg_sum = jax.ops.segment_sum(msgs, dst, num_segments=n_nodes)
    deg = jax.ops.segment_sum(jnp.ones((src.shape[0], 1), dtype=x.dtype), dst, num_segments=n_nodes)
    agg = agg_sum / jnp.clip(deg, 1.0, None)             # mean aggregation
    return agg @ W_l.T + b_l + x @ W_r.T


def reference(x, edge_index, W1_l, b1, W1_r, W2_l, b2, W2_r):
    n_nodes = x.shape[0]
    h = _sage_conv(x, edge_index, W1_l, b1, W1_r, n_nodes)
    h = jax.nn.relu(h)
    out = _sage_conv(h, edge_index, W2_l, b2, W2_r, n_nodes)
    return out

if __name__ == "__main__":
    import jax
    _d = setup_inputs()
    print(jax.jit(kernel)(*tuple(_d.values())))

</pallas_src>

<mosaic_0001>
#map = affine_map<(d0, d1) -> (0)>
#map1 = affine_map<(d0, d1) -> (0, 0)>
#map2 = affine_map<(d0, d1) -> (0, 0, 0)>
module attributes {stable_mosaic.version = 14 : i64} {
  func.func @body(%arg0: i32, %arg1: i32, %arg2: memref<321536xi32, #tpu.memory_space<hbm>>, %arg3: memref<321536xi32, #tpu.memory_space<hbm>>, %arg4: memref<10000x128xf32, #tpu.memory_space<hbm>>, %arg5: memref<2x10240x128xf32, #tpu.memory_space<hbm>>, %arg6: memref<2x10240xf32, #tpu.memory_space<hbm>>, %arg7: memref<64xi32, #tpu.memory_space<vmem>>, %arg8: memref<64xi32, #tpu.memory_space<vmem>>, %arg9: memref<64x128xf32, #tpu.memory_space<vmem>>, %arg10: memref<10240x128xf32, #tpu.memory_space<vmem_shared>>, %arg11: memref<!tpu.dma_semaphore, #tpu.memory_space<semaphore_mem>>, %arg12: memref<!tpu.dma_semaphore, #tpu.memory_space<semaphore_mem>>, %arg13: memref<!tpu.dma_semaphore, #tpu.memory_space<semaphore_mem>>, %arg14: memref<64xf32, #tpu.memory_space<vmem>>, %arg15: memref<640xf32, #tpu.memory_space<vmem>>, %arg16: memref<10240xf32, #tpu.memory_space<vmem_shared>>) attributes {dimension_semantics = [#tpu.dimension_semantics<core_parallel>, #tpu.dimension_semantics<subcore_parallel>], iteration_bounds = array<i64: 2, 16>, scalar_prefetch = 0 : i64, scratch_operands = 10 : i64, tpu.core_type = #tpu.core_type<sc_vector_subcore>, window_params = [{transform_indices = #map}, {transform_indices = #map}, {transform_indices = #map1}, {transform_indices = #map2}, {transform_indices = #map1}]} {
    %mul3A = arith.constant 2 : i32
    %mul3A_0 = arith.muli %arg1, %mul3A : i32
    %add3A = arith.addi %mul3A_0, %arg0 : i32
    %broadcast_in_dim3A = arith.constant 0.000000e+00 : f32
    %broadcast_in_dim3A_1 = vector.broadcast %broadcast_in_dim3A : f32 to vector<16xf32>
    %mul3A_2 = arith.constant 10048 : i32
    %mul3A_3 = arith.muli %add3A, %mul3A_2 : i32
    %scan3A = arith.constant 0 : i32
    %scan3A_4 = arith.constant 0 : i32
    %scan3A_5 = arith.constant 512 : i32
    %scan3A_6 = arith.addi %scan3A_4, %scan3A_5 : i32
    %scan3A_7 = arith.constant 1 : i32
    scf.for %scan3A_114 = %scan3A_4 to %scan3A_6 step %scan3A_7  : i32 {
      %jit3A = arith.constant 8 : i32
      %div3A = arith.divsi %scan3A_114, %jit3A : i32
      %sign3A = arith.constant 0 : i32
      %sign3A_115 = arith.cmpi sgt, %scan3A_114, %sign3A : i32
      %sign3A_116 = arith.extui %sign3A_115 : i1 to i32
      %sign3A_117 = arith.constant 0 : i32
      %sign3A_118 = arith.cmpi slt, %scan3A_114, %sign3A_117 : i32
      %sign3A_119 = arith.extui %sign3A_118 : i1 to i32
      %sign3A_120 = arith.subi %sign3A_116, %sign3A_119 : i32
      %sign3A_121 = arith.constant 0 : i32
      %sign3A_122 = arith.cmpi sgt, %jit3A, %sign3A_121 : i32
      %sign3A_123 = arith.extui %sign3A_122 : i1 to i32
      %sign3A_124 = arith.constant 0 : i32
      %sign3A_125 = arith.cmpi slt, %jit3A, %sign3A_124 : i32
      %sign3A_126 = arith.extui %sign3A_125 : i1 to i32
      %sign3A_127 = arith.subi %sign3A_123, %sign3A_126 : i32
      %ne3A = arith.cmpi ne, %sign3A_120, %sign3A_127 : i32
      %rem3A = arith.remsi %scan3A_114, %jit3A : i32
      %ne3A_128 = arith.constant 0 : i32
      %ne3A_129 = arith.cmpi ne, %rem3A, %ne3A_128 : i32
      %and3A = arith.andi %ne3A, %ne3A_129 : i1
      %sub3A = arith.constant 1 : i32
      %sub3A_130 = arith.subi %div3A, %sub3A : i32
      %select_n3A = arith.select %and3A, %sub3A_130, %div3A : i32
      %jit3A_131 = arith.constant 8 : i32
      %eq3A = arith.constant 0 : i32
      %eq3A_132 = arith.cmpi eq, %jit3A_131, %eq3A : i32
      %jit3A_133 = arith.constant 1 : i32
      %select_n3A_134 = arith.select %eq3A_132, %jit3A_133, %jit3A_131 : i32
      %rem3A_135 = arith.remsi %scan3A_114, %select_n3A_134 : i32
      %ne3A_136 = arith.constant 0 : i32
      %ne3A_137 = arith.cmpi ne, %rem3A_135, %ne3A_136 : i32
      %lt3A = arith.constant 0 : i32
      %lt3A_138 = arith.cmpi slt, %rem3A_135, %lt3A : i32
      %lt3A_139 = arith.constant 0 : i32
      %lt3A_140 = arith.cmpi slt, %select_n3A_134, %lt3A_139 : i32
      %ne3A_141 = arith.xori %lt3A_138, %lt3A_140 : i1
      %and3A_142 = arith.andi %ne3A_141, %ne3A_137 : i1
      %add3A_143 = arith.addi %rem3A_135, %select_n3A_134 : i32
      %select_n3A_144 = arith.select %and3A_142, %add3A_143, %rem3A_135 : i32
      %mul3A_145 = arith.constant 16 : i32
      %mul3A_146 = arith.muli %select_n3A_144, %mul3A_145 : i32
      %swap3A = arith.index_cast %select_n3A : i32 to index
      %swap3A_147 = arith.index_cast %mul3A_146 : i32 to index
      %swap3A_148 = tpu.vector_load %arg9[%swap3A, %swap3A_147] {strides = array<i32>} : memref<64x128xf32, #tpu.memory_space<vmem>>, vector<1x16xf32>,
      %swap3A_149 = vector.shape_cast %swap3A_148 : vector<1x16xf32> to vector<16xf32>
      %swap3A_150 = vector.shape_cast %broadcast_in_dim3A_1 : vector<16xf32> to vector<1x16xf32>
      tpu.vector_store %arg9[%swap3A, %swap3A_147], %swap3A_150 {strides = array<i32>} : memref<64x128xf32, #tpu.memory_space<vmem>>, vector<1x16xf32>,
    }
    %scan3A_8 = arith.constant 512 : i32
    %mul3A_9 = arith.constant 640 : i32
    %mul3A_10 = arith.muli %arg1, %mul3A_9 : i32
    %add3A_11 = arith.constant 0 : i32
    %add3A_12 = arith.addi %mul3A_10, %add3A_11 : i32
    "tpu.region"() ({
      %run_scoped3A = tpu.sem_alloc : memref<!tpu.dma_semaphore, #tpu.memory_space<semaphore_mem>>
      %dma_start3A = arith.constant 0 : i32
      %dma_start3A_114 = tpu.memref_slice %arg10[%add3A_12, %dma_start3A] : memref<10240x128xf32, #tpu.memory_space<vmem_shared>> -> memref<64x128xf32, #tpu.memory_space<vmem_shared>>
      %dma_start3A_115 = arith.constant 0 : i32
      %dma_start3A_116 = tpu.memref_slice %arg10[%add3A_12, %dma_start3A_115] : memref<10240x128xf32, #tpu.memory_space<vmem_shared>> -> memref<64x128xf32, #tpu.memory_space<vmem_shared>>
      tpu.enqueue_dma source(%arg9 : memref<64x128xf32, #tpu.memory_space<vmem>>) target(%dma_start3A_116 : memref<64x128xf32, #tpu.memory_space<vmem_shared>>) target_semaphore(%run_scoped3A : memref<!tpu.dma_semaphore, #tpu.memory_space<semaphore_mem>>)
      %dma_wait3A = arith.constant 0 : i32
      %dma_wait3A_117 = tpu.memref_slice %arg10[%add3A_12, %dma_wait3A] : memref<10240x128xf32, #tpu.memory_space<vmem_shared>> -> memref<64x128xf32, #tpu.memory_space<vmem_shared>>
      %dma_wait3A_118 = arith.constant 0 : i32
      %dma_wait3A_119 = tpu.memref_slice %arg10[%add3A_12, %dma_wait3A_118] : memref<10240x128xf32, #tpu.memory_space<vmem_shared>> -> memref<64x128xf32, #tpu.memory_space<vmem_shared>>
      tpu.wait_dma2 semaphore(%run_scoped3A : memref<!tpu.dma_semaphore, #tpu.memory_space<semaphore_mem>>) src(%arg9 : memref<64x128xf32, #tpu.memory_space<vmem>>) dst(%dma_wait3A_119 : memref<64x128xf32, #tpu.memory_space<vmem_shared>>)
      tpu.yield
    }) : () -> ()
    %mul3A_13 = arith.constant 640 : i32
    %mul3A_14 = arith.muli %arg1, %mul3A_13 : i32
    %add3A_15 = arith.constant 64 : i32
    %add3A_16 = arith.addi %mul3A_14, %add3A_15 : i32
    "tpu.region"() ({
      %run_scoped3A = tpu.sem_alloc : memref<!tpu.dma_semaphore, #tpu.memory_space<semaphore_mem>>
      %dma_start3A = arith.constant 0 : i32
      %dma_start3A_114 = tpu.memref_slice %arg10[%add3A_16, %dma_start3A] : memref<10240x128xf32, #tpu.memory_space<vmem_shared>> -> memref<64x128xf32, #tpu.memory_space<vmem_shared>>
      %dma_start3A_115 = arith.constant 0 : i32
      %dma_start3A_116 = tpu.memref_slice %arg10[%add3A_16, %dma_start3A_115] : memref<10240x128xf32, #tpu.memory_space<vmem_shared>> -> memref<64x128xf32, #tpu.memory_space<vmem_shared>>
      tpu.enqueue_dma source(%arg9 : memref<64x128xf32, #tpu.memory_space<vmem>>) target(%dma_start3A_116 : memref<64x128xf32, #tpu.memory_space<vmem_shared>>) target_semaphore(%run_scoped3A : memref<!tpu.dma_semaphore, #tpu.memory_space<semaphore_mem>>)
      %dma_wait3A = arith.constant 0 : i32
      %dma_wait3A_117 = tpu.memref_slice %arg10[%add3A_16, %dma_wait3A] : memref<10240x128xf32, #tpu.memory_space<vmem_shared>> -> memref<64x128xf32, #tpu.memory_space<vmem_shared>>
      %dma_wait3A_118 = arith.constant 0 : i32
      %dma_wait3A_119 = tpu.memref_slice %arg10[%add3A_16, %dma_wait3A_118] : memref<10240x128xf32, #tpu.memory_space<vmem_shared>> -> memref<64x128xf32, #tpu.memory_space<vmem_shared>>
      tpu.wait_dma2 semaphore(%run_scoped3A : memref<!tpu.dma_semaphore, #tpu.memory_space<semaphore_mem>>) src(%arg9 : memref<64x128xf32, #tpu.memory_space<vmem>>) dst(%dma_wait3A_119 : memref<64x128xf32, #tpu.memory_space<vmem_shared>>)
      tpu.yield
    }) : () -> ()
    %mul3A_17 = arith.constant 640 : i32
    %mul3A_18 = arith.muli %arg1, %mul3A_17 : i32
    %add3A_19 = arith.constant 128 : i32
    %add3A_20 = arith.addi %mul3A_18, %add3A_19 : i32
    "tpu.region"() ({
      %run_scoped3A = tpu.sem_alloc : memref<!tpu.dma_semaphore, #tpu.memory_space<semaphore_mem>>
      %dma_start3A = arith.constant 0 : i32
      %dma_start3A_114 = tpu.memref_slice %arg10[%add3A_20, %dma_start3A] : memref<10240x128xf32, #tpu.memory_space<vmem_shared>> -> memref<64x128xf32, #tpu.memory_space<vmem_shared>>
      %dma_start3A_115 = arith.constant 0 : i32
      %dma_start3A_116 = tpu.memref_slice %arg10[%add3A_20, %dma_start3A_115] : memref<10240x128xf32, #tpu.memory_space<vmem_shared>> -> memref<64x128xf32, #tpu.memory_space<vmem_shared>>
      tpu.enqueue_dma source(%arg9 : memref<64x128xf32, #tpu.memory_space<vmem>>) target(%dma_start3A_116 : memref<64x128xf32, #tpu.memory_space<vmem_shared>>) target_semaphore(%run_scoped3A : memref<!tpu.dma_semaphore, #tpu.memory_space<semaphore_mem>>)
      %dma_wait3A = arith.constant 0 : i32
      %dma_wait3A_117 = tpu.memref_slice %arg10[%add3A_20, %dma_wait3A] : memref<10240x128xf32, #tpu.memory_space<vmem_shared>> -> memref<64x128xf32, #tpu.memory_space<vmem_shared>>
      %dma_wait3A_118 = arith.constant 0 : i32
      %dma_wait3A_119 = tpu.memref_slice %arg10[%add3A_20, %dma_wait3A_118] : memref<10240x128xf32, #tpu.memory_space<vmem_shared>> -> memref<64x128xf32, #tpu.memory_space<vmem_shared>>
      tpu.wait_dma2 semaphore(%run_scoped3A : memref<!tpu.dma_semaphore, #tpu.memory_space<semaphore_mem>>) src(%arg9 : memref<64x128xf32, #tpu.memory_space<vmem>>) dst(%dma_wait3A_119 : memref<64x128xf32, #tpu.memory_space<vmem_shared>>)
      tpu.yield
    }) : () -> ()
    %mul3A_21 = arith.constant 640 : i32
    %mul3A_22 = arith.muli %arg1, %mul3A_21 : i32
    %add3A_23 = arith.constant 192 : i32
    %add3A_24 = arith.addi %mul3A_22, %add3A_23 : i32
    "tpu.region"() ({
      %run_scoped3A = tpu.sem_alloc : memref<!tpu.dma_semaphore, #tpu.memory_space<semaphore_mem>>
      %dma_start3A = arith.constant 0 : i32
      %dma_start3A_114 = tpu.memref_slice %arg10[%add3A_24, %dma_start3A] : memref<10240x128xf32, #tpu.memory_space<vmem_shared>> -> memref<64x128xf32, #tpu.memory_space<vmem_shared>>
      %dma_start3A_115 = arith.constant 0 : i32
      %dma_start3A_116 = tpu.memref_slice %arg10[%add3A_24, %dma_start3A_115] : memref<10240x128xf32, #tpu.memory_space<vmem_shared>> -> memref<64x128xf32, #tpu.memory_space<vmem_shared>>
      tpu.enqueue_dma source(%arg9 : memref<64x128xf32, #tpu.memory_space<vmem>>) target(%dma_start3A_116 : memref<64x128xf32, #tpu.memory_space<vmem_shared>>) target_semaphore(%run_scoped3A : memref<!tpu.dma_semaphore, #tpu.memory_space<semaphore_mem>>)
      %dma_wait3A = arith.constant 0 : i32
      %dma_wait3A_117 = tpu.memref_slice %arg10[%add3A_24, %dma_wait3A] : memref<10240x128xf32, #tpu.memory_space<vmem_shared>> -> memref<64x128xf32, #tpu.memory_space<vmem_shared>>
      %dma_wait3A_118 = arith.constant 0 : i32
      %dma_wait3A_119 = tpu.memref_slice %arg10[%add3A_24, %dma_wait3A_118] : memref<10240x128xf32, #tpu.memory_space<vmem_shared>> -> memref<64x128xf32, #tpu.memory_space<vmem_shared>>
      tpu.wait_dma2 semaphore(%run_scoped3A : memref<!tpu.dma_semaphore, #tpu.memory_space<semaphore_mem>>) src(%arg9 : memref<64x128xf32, #tpu.memory_space<vmem>>) dst(%dma_wait3A_119 : memref<64x128xf32, #tpu.memory_space<vmem_shared>>)
      tpu.yield
    }) : () -> ()
    %mul3A_25 = arith.constant 640 : i32
    %mul3A_26 = arith.muli %arg1, %mul3A_25 : i32
    %add3A_27 = arith.constant 256 : i32
    %add3A_28 = arith.addi %mul3A_26, %add3A_27 : i32
    "tpu.region"() ({
      %run_scoped3A = tpu.sem_alloc : memref<!tpu.dma_semaphore, #tpu.memory_space<semaphore_mem>>
      %dma_start3A = arith.constant 0 : i32
      %dma_start3A_114 = tpu.memref_slice %arg10[%add3A_28, %dma_start3A] : memref<10240x128xf32, #tpu.memory_space<vmem_shared>> -> memref<64x128xf32, #tpu.memory_space<vmem_shared>>
      %dma_start3A_115 = arith.constant 0 : i32
      %dma_start3A_116 = tpu.memref_slice %arg10[%add3A_28, %dma_start3A_115] : memref<10240x128xf32, #tpu.memory_space<vmem_shared>> -> memref<64x128xf32, #tpu.memory_space<vmem_shared>>
      tpu.enqueue_dma source(%arg9 : memref<64x128xf32, #tpu.memory_space<vmem>>) target(%dma_start3A_116 : memref<64x128xf32, #tpu.memory_space<vmem_shared>>) target_semaphore(%run_scoped3A : memref<!tpu.dma_semaphore, #tpu.memory_space<semaphore_mem>>)
      %dma_wait3A = arith.constant 0 : i32
      %dma_wait3A_117 = tpu.memref_slice %arg10[%add3A_28, %dma_wait3A] : memref<10240x128xf32, #tpu.memory_space<vmem_shared>> -> memref<64x128xf32, #tpu.memory_space<vmem_shared>>
      %dma_wait3A_118 = arith.constant 0 : i32
      %dma_wait3A_119 = tpu.memref_slice %arg10[%add3A_28, %dma_wait3A_118] : memref<10240x128xf32, #tpu.memory_space<vmem_shared>> -> memref<64x128xf32, #tpu.memory_space<vmem_shared>>
      tpu.wait_dma2 semaphore(%run_scoped3A : memref<!tpu.dma_semaphore, #tpu.memory_space<semaphore_mem>>) src(%arg9 : memref<64x128xf32, #tpu.memory_space<vmem>>) dst(%dma_wait3A_119 : memref<64x128xf32, #tpu.memory_space<vmem_shared>>)
      tpu.yield
    }) : () -> ()
    %mul3A_29 = arith.constant 640 : i32
    %mul3A_30 = arith.muli %arg1, %mul3A_29 : i32
    %add3A_31 = arith.constant 320 : i32
    %add3A_32 = arith.addi %mul3A_30, %add3A_31 : i32
    "tpu.region"() ({
      %run_scoped3A = tpu.sem_alloc : memref<!tpu.dma_semaphore, #tpu.memory_space<semaphore_mem>>
      %dma_start3A = arith.constant 0 : i32
      %dma_start3A_114 = tpu.memref_slice %arg10[%add3A_32, %dma_start3A] : memref<10240x128xf32, #tpu.memory_space<vmem_shared>> -> memref<64x128xf32, #tpu.memory_space<vmem_shared>>
      %dma_start3A_115 = arith.constant 0 : i32
      %dma_start3A_116 = tpu.memref_slice %arg10[%add3A_32, %dma_start3A_115] : memref<10240x128xf32, #tpu.memory_space<vmem_shared>> -> memref<64x128xf32, #tpu.memory_space<vmem_shared>>
      tpu.enqueue_dma source(%arg9 : memref<64x128xf32, #tpu.memory_space<vmem>>) target(%dma_start3A_116 : memref<64x128xf32, #tpu.memory_space<vmem_shared>>) target_semaphore(%run_scoped3A : memref<!tpu.dma_semaphore, #tpu.memory_space<semaphore_mem>>)
      %dma_wait3A = arith.constant 0 : i32
      %dma_wait3A_117 = tpu.memref_slice %arg10[%add3A_32, %dma_wait3A] : memref<10240x128xf32, #tpu.memory_space<vmem_shared>> -> memref<64x128xf32, #tpu.memory_space<vmem_shared>>
      %dma_wait3A_118 = arith.constant 0 : i32
      %dma_wait3A_119 = tpu.memref_slice %arg10[%add3A_32, %dma_wait3A_118] : memref<10240x128xf32, #tpu.memory_space<vmem_shared>> -> memref<64x128xf32, #tpu.memory_space<vmem_shared>>
      tpu.wait_dma2 semaphore(%run_scoped3A : memref<!tpu.dma_semaphore, #tpu.memory_space<semaphore_mem>>) src(%arg9 : memref<64x128xf32, #tpu.memory_space<vmem>>) dst(%dma_wait3A_119 : memref<64x128xf32, #tpu.memory_space<vmem_shared>>)
      tpu.yield
    }) : () -> ()
    %mul3A_33 = arith.constant 640 : i32
    %mul3A_34 = arith.muli %arg1, %mul3A_33 : i32
    %add3A_35 = arith.constant 384 : i32
    %add3A_36 = arith.addi %mul3A_34, %add3A_35 : i32
    "tpu.region"() ({
      %run_scoped3A = tpu.sem_alloc : memref<!tpu.dma_semaphore, #tpu.memory_space<semaphore_mem>>
      %dma_start3A = arith.constant 0 : i32
      %dma_start3A_114 = tpu.memref_slice %arg10[%add3A_36, %dma_start3A] : memref<10240x128xf32, #tpu.memory_space<vmem_shared>> -> memref<64x128xf32, #tpu.memory_space<vmem_shared>>
      %dma_start3A_115 = arith.constant 0 : i32
      %dma_start3A_116 = tpu.memref_slice %arg10[%add3A_36, %dma_start3A_115] : memref<10240x128xf32, #tpu.memory_space<vmem_shared>> -> memref<64x128xf32, #tpu.memory_space<vmem_shared>>
      tpu.enqueue_dma source(%arg9 : memref<64x128xf32, #tpu.memory_space<vmem>>) target(%dma_start3A_116 : memref<64x128xf32, #tpu.memory_space<vmem_shared>>) target_semaphore(%run_scoped3A : memref<!tpu.dma_semaphore, #tpu.memory_space<semaphore_mem>>)
      %dma_wait3A = arith.constant 0 : i32
      %dma_wait3A_117 = tpu.memref_slice %arg10[%add3A_36, %dma_wait3A] : memref<10240x128xf32, #tpu.memory_space<vmem_shared>> -> memref<64x128xf32, #tpu.memory_space<vmem_shared>>
      %dma_wait3A_118 = arith.constant 0 : i32
      %dma_wait3A_119 = tpu.memref_slice %arg10[%add3A_36, %dma_wait3A_118] : memref<10240x128xf32, #tpu.memory_space<vmem_shared>> -> memref<64x128xf32, #tpu.memory_space<vmem_shared>>
      tpu.wait_dma2 semaphore(%run_scoped3A : memref<!tpu.dma_semaphore, #tpu.memory_space<semaphore_mem>>) src(%arg9 : memref<64x128xf32, #tpu.memory_space<vmem>>) dst(%dma_wait3A_119 : memref<64x128xf32, #tpu.memory_space<vmem_shared>>)
      tpu.yield
    }) : () -> ()
    %mul3A_37 = arith.constant 640 : i32
    %mul3A_38 = arith.muli %arg1, %mul3A_37 : i32
    %add3A_39 = arith.constant 448 : i32
    %add3A_40 = arith.addi %mul3A_38, %add3A_39 : i32
    "tpu.region"() ({
      %run_scoped3A = tpu.sem_alloc : memref<!tpu.dma_semaphore, #tpu.memory_space<semaphore_mem>>
      %dma_start3A = arith.constant 0 : i32
      %dma_start3A_114 = tpu.memref_slice %arg10[%add3A_40, %dma_start3A] : memref<10240x128xf32, #tpu.memory_space<vmem_shared>> -> memref<64x128xf32, #tpu.memory_space<vmem_shared>>
      %dma_start3A_115 = arith.constant 0 : i32
      %dma_start3A_116 = tpu.memref_slice %arg10[%add3A_40, %dma_start3A_115] : memref<10240x128xf32, #tpu.memory_space<vmem_shared>> -> memref<64x128xf32, #tpu.memory_space<vmem_shared>>
      tpu.enqueue_dma source(%arg9 : memref<64x128xf32, #tpu.memory_space<vmem>>) target(%dma_start3A_116 : memref<64x128xf32, #tpu.memory_space<vmem_shared>>) target_semaphore(%run_scoped3A : memref<!tpu.dma_semaphore, #tpu.memory_space<semaphore_mem>>)
      %dma_wait3A = arith.constant 0 : i32
      %dma_wait3A_117 = tpu.memref_slice %arg10[%add3A_40, %dma_wait3A] : memref<10240x128xf32, #tpu.memory_space<vmem_shared>> -> memref<64x128xf32, #tpu.memory_space<vmem_shared>>
      %dma_wait3A_118 = arith.constant 0 : i32
      %dma_wait3A_119 = tpu.memref_slice %arg10[%add3A_40, %dma_wait3A_118] : memref<10240x128xf32, #tpu.memory_space<vmem_shared>> -> memref<64x128xf32, #tpu.memory_space<vmem_shared>>
      tpu.wait_dma2 semaphore(%run_scoped3A : memref<!tpu.dma_semaphore, #tpu.memory_space<semaphore_mem>>) src(%arg9 : memref<64x128xf32, #tpu.memory_space<vmem>>) dst(%dma_wait3A_119 : memref<64x128xf32, #tpu.memory_space<vmem_shared>>)
      tpu.yield
    }) : () -> ()
    %mul3A_41 = arith.constant 640 : i32
    %mul3A_42 = arith.muli %arg1, %mul3A_41 : i32
    %add3A_43 = arith.constant 512 : i32
    %add3A_44 = arith.addi %mul3A_42, %add3A_43 : i32
    "tpu.region"() ({
      %run_scoped3A = tpu.sem_alloc : memref<!tpu.dma_semaphore, #tpu.memory_space<semaphore_mem>>
      %dma_start3A = arith.constant 0 : i32
      %dma_start3A_114 = tpu.memref_slice %arg10[%add3A_44, %dma_start3A] : memref<10240x128xf32, #tpu.memory_space<vmem_shared>> -> memref<64x128xf32, #tpu.memory_space<vmem_shared>>
      %dma_start3A_115 = arith.constant 0 : i32
      %dma_start3A_116 = tpu.memref_slice %arg10[%add3A_44, %dma_start3A_115] : memref<10240x128xf32, #tpu.memory_space<vmem_shared>> -> memref<64x128xf32, #tpu.memory_space<vmem_shared>>
      tpu.enqueue_dma source(%arg9 : memref<64x128xf32, #tpu.memory_space<vmem>>) target(%dma_start3A_116 : memref<64x128xf32, #tpu.memory_space<vmem_shared>>) target_semaphore(%run_scoped3A : memref<!tpu.dma_semaphore, #tpu.memory_space<semaphore_mem>>)
      %dma_wait3A = arith.constant 0 : i32
      %dma_wait3A_117 = tpu.memref_slice %arg10[%add3A_44, %dma_wait3A] : memref<10240x128xf32, #tpu.memory_space<vmem_shared>> -> memref<64x128xf32, #tpu.memory_space<vmem_shared>>
      %dma_wait3A_118 = arith.constant 0 : i32
      %dma_wait3A_119 = tpu.memref_slice %arg10[%add3A_44, %dma_wait3A_118] : memref<10240x128xf32, #tpu.memory_space<vmem_shared>> -> memref<64x128xf32, #tpu.memory_space<vmem_shared>>
      tpu.wait_dma2 semaphore(%run_scoped3A : memref<!tpu.dma_semaphore, #tpu.memory_space<semaphore_mem>>) src(%arg9 : memref<64x128xf32, #tpu.memory_space<vmem>>) dst(%dma_wait3A_119 : memref<64x128xf32, #tpu.memory_space<vmem_shared>>)
      tpu.yield
    }) : () -> ()
    %mul3A_45 = arith.constant 640 : i32
    %mul3A_46 = arith.muli %arg1, %mul3A_45 : i32
    %add3A_47 = arith.constant 576 : i32
    %add3A_48 = arith.addi %mul3A_46, %add3A_47 : i32
    "tpu.region"() ({
      %run_scoped3A = tpu.sem_alloc : memref<!tpu.dma_semaphore, #tpu.memory_space<semaphore_mem>>
      %dma_start3A = arith.constant 0 : i32
      %dma_start3A_114 = tpu.memref_slice %arg10[%add3A_48, %dma_start3A] : memref<10240x128xf32, #tpu.memory_space<vmem_shared>> -> memref<64x128xf32, #tpu.memory_space<vmem_shared>>
      %dma_start3A_115 = arith.constant 0 : i32
      %dma_start3A_116 = tpu.memref_slice %arg10[%add3A_48, %dma_start3A_115] : memref<10240x128xf32, #tpu.memory_space<vmem_shared>> -> memref<64x128xf32, #tpu.memory_space<vmem_shared>>
      tpu.enqueue_dma source(%arg9 : memref<64x128xf32, #tpu.memory_space<vmem>>) target(%dma_start3A_116 : memref<64x128xf32, #tpu.memory_space<vmem_shared>>) target_semaphore(%run_scoped3A : memref<!tpu.dma_semaphore, #tpu.memory_space<semaphore_mem>>)
      %dma_wait3A = arith.constant 0 : i32
      %dma_wait3A_117 = tpu.memref_slice %arg10[%add3A_48, %dma_wait3A] : memref<10240x128xf32, #tpu.memory_space<vmem_shared>> -> memref<64x128xf32, #tpu.memory_space<vmem_shared>>
      %dma_wait3A_118 = arith.constant 0 : i32
      %dma_wait3A_119 = tpu.memref_slice %arg10[%add3A_48, %dma_wait3A_118] : memref<10240x128xf32, #tpu.memory_space<vmem_shared>> -> memref<64x128xf32, #tpu.memory_space<vmem_shared>>
      tpu.wait_dma2 semaphore(%run_scoped3A : memref<!tpu.dma_semaphore, #tpu.memory_space<semaphore_mem>>) src(%arg9 : memref<64x128xf32, #tpu.memory_space<vmem>>) dst(%dma_wait3A_119 : memref<64x128xf32, #tpu.memory_space<vmem_shared>>)
      tpu.yield
    }) : () -> ()
    %broadcast_in_dim3A_49 = arith.constant 1.000000e+00 : f32
    %broadcast_in_dim3A_50 = vector.broadcast %broadcast_in_dim3A_49 : f32 to vector<16xf32>
    %scan3A_51 = arith.constant 0 : i32
    %scan3A_52 = arith.constant 0 : i32
    %scan3A_53 = arith.constant 4 : i32
    %scan3A_54 = arith.addi %scan3A_52, %scan3A_53 : i32
    %scan3A_55 = arith.constant 1 : i32
    scf.for %scan3A_114 = %scan3A_52 to %scan3A_54 step %scan3A_55  : i32 {
      %mul3A_115 = arith.constant 16 : i32
      %mul3A_116 = arith.muli %scan3A_114, %mul3A_115 : i32
      %swap3A = arith.index_cast %mul3A_116 : i32 to index
      %swap3A_117 = tpu.vector_load %arg14[%swap3A] {strides = array<i32>} : memref<64xf32, #tpu.memory_space<vmem>>, vector<16xf32>,
      %swap3A_118 = vector.shape_cast %swap3A_117 : vector<16xf32> to vector<16xf32>
      %swap3A_119 = vector.shape_cast %broadcast_in_dim3A_50 : vector<16xf32> to vector<16xf32>
      tpu.vector_store %arg14[%swap3A], %swap3A_119 {strides = array<i32>} : memref<64xf32, #tpu.memory_space<vmem>>, vector<16xf32>,
    }
    %scan3A_56 = arith.constant 4 : i32
    %scan3A_57 = arith.constant 0 : i32
    %scan3A_58 = arith.constant 0 : i32
    %scan3A_59 = arith.constant 40 : i32
    %scan3A_60 = arith.addi %scan3A_58, %scan3A_59 : i32
    %scan3A_61 = arith.constant 1 : i32
    scf.for %scan3A_114 = %scan3A_58 to %scan3A_60 step %scan3A_61  : i32 {
      %mul3A_115 = arith.constant 16 : i32
      %mul3A_116 = arith.muli %scan3A_114, %mul3A_115 : i32
      %swap3A = arith.index_cast %mul3A_116 : i32 to index
      %swap3A_117 = tpu.vector_load %arg15[%swap3A] {strides = array<i32>} : memref<640xf32, #tpu.memory_space<vmem>>, vector<16xf32>,
      %swap3A_118 = vector.shape_cast %swap3A_117 : vector<16xf32> to vector<16xf32>
      %swap3A_119 = vector.shape_cast %broadcast_in_dim3A_1 : vector<16xf32> to vector<16xf32>
      tpu.vector_store %arg15[%swap3A], %swap3A_119 {strides = array<i32>} : memref<640xf32, #tpu.memory_space<vmem>>, vector<16xf32>,
    }
    %scan3A_62 = arith.constant 40 : i32
    %mul3A_63 = arith.constant 640 : i32
    %mul3A_64 = arith.muli %arg1, %mul3A_63 : i32
    "tpu.region"() ({
      %run_scoped3A = tpu.sem_alloc : memref<!tpu.dma_semaphore, #tpu.memory_space<semaphore_mem>>
      %dma_start3A = tpu.memref_slice %arg16[%mul3A_64] : memref<10240xf32, #tpu.memory_space<vmem_shared>> -> memref<640xf32, #tpu.memory_space<vmem_shared>>
      %dma_start3A_114 = tpu.memref_slice %arg16[%mul3A_64] : memref<10240xf32, #tpu.memory_space<vmem_shared>> -> memref<640xf32, #tpu.memory_space<vmem_shared>>
      tpu.enqueue_dma source(%arg15 : memref<640xf32, #tpu.memory_space<vmem>>) target(%dma_start3A_114 : memref<640xf32, #tpu.memory_space<vmem_shared>>) target_semaphore(%run_scoped3A : memref<!tpu.dma_semaphore, #tpu.memory_space<semaphore_mem>>)
      %dma_wait3A = tpu.memref_slice %arg16[%mul3A_64] : memref<10240xf32, #tpu.memory_space<vmem_shared>> -> memref<640xf32, #tpu.memory_space<vmem_shared>>
      %dma_wait3A_115 = tpu.memref_slice %arg16[%mul3A_64] : memref<10240xf32, #tpu.memory_space<vmem_shared>> -> memref<640xf32, #tpu.memory_space<vmem_shared>>
      tpu.wait_dma2 semaphore(%run_scoped3A : memref<!tpu.dma_semaphore, #tpu.memory_space<semaphore_mem>>) src(%arg15 : memref<640xf32, #tpu.memory_space<vmem>>) dst(%dma_wait3A_115 : memref<640xf32, #tpu.memory_space<vmem_shared>>)
      tpu.yield
    }) : () -> ()
    %barrier3A = arith.constant 0 : index
    tpu.barrier barrier_id(%barrier3A)
    %scan3A_65 = arith.constant 0 : i32
    %scan3A_66 = arith.constant 0 : i32
    %scan3A_67 = arith.constant 157 : i32
    %scan3A_68 = arith.addi %scan3A_66, %scan3A_67 : i32
    %scan3A_69 = arith.constant 1 : i32
    scf.for %scan3A_114 = %scan3A_66 to %scan3A_68 step %scan3A_69  : i32 {
      %mul3A_115 = arith.constant 1 : i32
      %mul3A_116 = arith.muli %scan3A_114, %mul3A_115 : i32
      %add3A_117 = arith.constant 0 : i32
      %add3A_118 = arith.addi %mul3A_116, %add3A_117 : i32
      %mul3A_119 = arith.constant 64 : i32
      %mul3A_120 = arith.muli %add3A_118, %mul3A_119 : i32
      %add3A_121 = arith.addi %mul3A_3, %mul3A_120 : i32
      %dma_start3A = tpu.memref_slice %arg2[%add3A_121] : memref<321536xi32, #tpu.memory_space<hbm>> -> memref<64xi32, #tpu.memory_space<hbm>>
      %dma_start3A_122 = tpu.memref_slice %arg2[%add3A_121] : memref<321536xi32, #tpu.memory_space<hbm>> -> memref<64xi32, #tpu.memory_space<hbm>>
      tpu.enqueue_dma source(%dma_start3A_122 : memref<64xi32, #tpu.memory_space<hbm>>) target(%arg7 : memref<64xi32, #tpu.memory_space<vmem>>) target_semaphore(%arg11 : memref<!tpu.dma_semaphore, #tpu.memory_space<semaphore_mem>>)
      %dma_start3A_123 = tpu.memref_slice %arg3[%add3A_121] : memref<321536xi32, #tpu.memory_space<hbm>> -> memref<64xi32, #tpu.memory_space<hbm>>
      %dma_start3A_124 = tpu.memref_slice %arg3[%add3A_121] : memref<321536xi32, #tpu.memory_space<hbm>> -> memref<64xi32, #tpu.memory_space<hbm>>
      tpu.enqueue_dma source(%dma_start3A_124 : memref<64xi32, #tpu.memory_space<hbm>>) target(%arg8 : memref<64xi32, #tpu.memory_space<vmem>>) target_semaphore(%arg12 : memref<!tpu.dma_semaphore, #tpu.memory_space<semaphore_mem>>)
      %dma_wait3A = tpu.memref_slice %arg2[%add3A_121] : memref<321536xi32, #tpu.memory_space<hbm>> -> memref<64xi32, #tpu.memory_space<hbm>>
      %dma_wait3A_125 = tpu.memref_slice %arg2[%add3A_121] : memref<321536xi32, #tpu.memory_space<hbm>> -> memref<64xi32, #tpu.memory_space<hbm>>
      tpu.wait_dma2 semaphore(%arg11 : memref<!tpu.dma_semaphore, #tpu.memory_space<semaphore_mem>>) src(%dma_wait3A_125 : memref<64xi32, #tpu.memory_space<hbm>>) dst(%arg7 : memref<64xi32, #tpu.memory_space<vmem>>)
      %dma_start3A_126 = arith.constant 0 : i32
      %dma_start3A_127 = arith.constant 0 : i32
      %dma_start3A_128 = tpu.memref_slice %arg4[%dma_start3A_126, %dma_start3A_127] : memref<10000x128xf32, #tpu.memory_space<hbm>> -> memref<10000x128xf32, #tpu.memory_space<hbm>>
      tpu.enqueue_indirect_dma source(%dma_start3A_128 : memref<10000x128xf32, #tpu.memory_space<hbm>>) target(%arg9 : memref<64x128xf32, #tpu.memory_space<vmem>>) offsets(%arg7 : memref<64xi32, #tpu.memory_space<vmem>>) semaphore(%arg13 : memref<!tpu.dma_semaphore, #tpu.memory_space<semaphore_mem>>)
      %dma_wait3A_129 = arith.constant 0 : i32
      %dma_wait3A_130 = arith.constant 0 : i32
      %dma_wait3A_131 = tpu.memref_slice %arg4[%dma_wait3A_129, %dma_wait3A_130] : memref<10000x128xf32, #tpu.memory_space<hbm>> -> memref<10000x128xf32, #tpu.memory_space<hbm>>
      tpu.wait_indirect_dma semaphore(%arg13 : memref<!tpu.dma_semaphore, #tpu.memory_space<semaphore_mem>>) src(%dma_wait3A_131 : memref<10000x128xf32, #tpu.memory_space<hbm>>) dst(%arg9 : memref<64x128xf32, #tpu.memory_space<vmem>>)
      %dma_wait3A_132 = tpu.memref_slice %arg3[%add3A_121] : memref<321536xi32, #tpu.memory_space<hbm>> -> memref<64xi32, #tpu.memory_space<hbm>>
      %dma_wait3A_133 = tpu.memref_slice %arg3[%add3A_121] : memref<321536xi32, #tpu.memory_space<hbm>> -> memref<64xi32, #tpu.memory_space<hbm>>
      tpu.wait_dma2 semaphore(%arg12 : memref<!tpu.dma_semaphore, #tpu.memory_space<semaphore_mem>>) src(%dma_wait3A_133 : memref<64xi32, #tpu.memory_space<hbm>>) dst(%arg8 : memref<64xi32, #tpu.memory_space<vmem>>)
      "tpu.region"() ({
        %run_scoped3A = tpu.sem_alloc : memref<!tpu.dma_semaphore, #tpu.memory_space<semaphore_mem>>
        %dma_start3A_134 = arith.constant 0 : i32
        %dma_start3A_135 = arith.constant 0 : i32
        %dma_start3A_136 = tpu.memref_slice %arg10[%dma_start3A_134, %dma_start3A_135] : memref<10240x128xf32, #tpu.memory_space<vmem_shared>> -> memref<10240x128xf32, #tpu.memory_space<vmem_shared>>
        tpu.enqueue_indirect_dma source(%arg9 : memref<64x128xf32, #tpu.memory_space<vmem>>) target(%dma_start3A_136 : memref<10240x128xf32, #tpu.memory_space<vmem_shared>>) offsets(%arg8 : memref<64xi32, #tpu.memory_space<vmem>>) semaphore(%run_scoped3A : memref<!tpu.dma_semaphore, #tpu.memory_space<semaphore_mem>>) {add = true}
        %dma_wait3A_137 = arith.constant 0 : i32
        %dma_wait3A_138 = arith.constant 0 : i32
        %dma_wait3A_139 = tpu.memref_slice %arg10[%dma_wait3A_137, %dma_wait3A_138] : memref<10240x128xf32, #tpu.memory_space<vmem_shared>> -> memref<10240x128xf32, #tpu.memory_space<vmem_shared>>
        tpu.wait_indirect_dma semaphore(%run_scoped3A : memref<!tpu.dma_semaphore, #tpu.memory_space<semaphore_mem>>) src(%arg9 : memref<64x128xf32, #tpu.memory_space<vmem>>) dst(%dma_wait3A_139 : memref<10240x128xf32, #tpu.memory_space<vmem_shared>>)
        tpu.yield
      }) : () -> ()
      "tpu.region"() ({
        %run_scoped3A = tpu.sem_alloc : memref<!tpu.dma_semaphore, #tpu.memory_space<semaphore_mem>>
        %dma_start3A_134 = arith.constant 0 : i32
        %dma_start3A_135 = tpu.memref_slice %arg16[%dma_start3A_134] : memref<10240xf32, #tpu.memory_space<vmem_shared>> -> memref<10240xf32, #tpu.memory_space<vmem_shared>>
        tpu.enqueue_indirect_dma source(%arg14 : memref<64xf32, #tpu.memory_space<vmem>>) target(%dma_start3A_135 : memref<10240xf32, #tpu.memory_space<vmem_shared>>) offsets(%arg8 : memref<64xi32, #tpu.memory_space<vmem>>) semaphore(%run_scoped3A : memref<!tpu.dma_semaphore, #tpu.memory_space<semaphore_mem>>) {add = true}
        %dma_wait3A_136 = arith.constant 0 : i32
        %dma_wait3A_137 = tpu.memref_slice %arg16[%dma_wait3A_136] : memref<10240xf32, #tpu.memory_space<vmem_shared>> -> memref<10240xf32, #tpu.memory_space<vmem_shared>>
        tpu.wait_indirect_dma semaphore(%run_scoped3A : memref<!tpu.dma_semaphore, #tpu.memory_space<semaphore_mem>>) src(%arg14 : memref<64xf32, #tpu.memory_space<vmem>>) dst(%dma_wait3A_137 : memref<10240xf32, #tpu.memory_space<vmem_shared>>)
        tpu.yield
      }) : () -> ()
    }
    %scan3A_70 = arith.constant 157 : i32
    %barrier3A_71 = arith.constant 0 : index
    tpu.barrier barrier_id(%barrier3A_71)
    %mul3A_72 = arith.constant 640 : i32
    %mul3A_73 = arith.muli %arg1, %mul3A_72 : i32
    %add3A_74 = arith.constant 0 : i32
    %add3A_75 = arith.addi %mul3A_73, %add3A_74 : i32
    "tpu.region"() ({
      %run_scoped3A = tpu.sem_alloc : memref<!tpu.dma_semaphore, #tpu.memory_space<semaphore_mem>>
      %dma_start3A = arith.constant 0 : i32
      %dma_start3A_114 = tpu.memref_slice %arg10[%add3A_75, %dma_start3A] : memref<10240x128xf32, #tpu.memory_space<vmem_shared>> -> memref<64x128xf32, #tpu.memory_space<vmem_shared>>
      %dma_start3A_115 = arith.constant 0 : i32
      %dma_start3A_116 = tpu.memref_slice %arg10[%add3A_75, %dma_start3A_115] : memref<10240x128xf32, #tpu.memory_space<vmem_shared>> -> memref<64x128xf32, #tpu.memory_space<vmem_shared>>
      tpu.enqueue_dma source(%dma_start3A_116 : memref<64x128xf32, #tpu.memory_space<vmem_shared>>) target(%arg9 : memref<64x128xf32, #tpu.memory_space<vmem>>) target_semaphore(%run_scoped3A : memref<!tpu.dma_semaphore, #tpu.memory_space<semaphore_mem>>)
      %dma_wait3A = arith.constant 0 : i32
      %dma_wait3A_117 = tpu.memref_slice %arg10[%add3A_75, %dma_wait3A] : memref<10240x128xf32, #tpu.memory_space<vmem_shared>> -> memref<64x128xf32, #tpu.memory_space<vmem_shared>>
      %dma_wait3A_118 = arith.constant 0 : i32
      %dma_wait3A_119 = tpu.memref_slice %arg10[%add3A_75, %dma_wait3A_118] : memref<10240x128xf32, #tpu.memory_space<vmem_shared>> -> memref<64x128xf32, #tpu.memory_space<vmem_shared>>
      tpu.wait_dma2 semaphore(%run_scoped3A : memref<!tpu.dma_semaphore, #tpu.memory_space<semaphore_mem>>) src(%dma_wait3A_119 : memref<64x128xf32, #tpu.memory_space<vmem_shared>>) dst(%arg9 : memref<64x128xf32, #tpu.memory_space<vmem>>)
      tpu.yield
    }) : () -> ()
    "tpu.region"() ({
      %run_scoped3A = tpu.sem_alloc : memref<!tpu.dma_semaphore, #tpu.memory_space<semaphore_mem>>
      %dma_start3A = arith.constant 0 : i32
      %dma_start3A_114 = tpu.memref_slice %arg5[%arg0, %add3A_75, %dma_start3A] : memref<2x10240x128xf32, #tpu.memory_space<hbm>> -> memref<1x64x128xf32, #tpu.memory_space<hbm>>
      %dma_start3A_115 = tpu.memref_squeeze %dma_start3A_114 : memref<1x64x128xf32, #tpu.memory_space<hbm>> -> memref<64x128xf32, #tpu.memory_space<hbm>>
      %dma_start3A_116 = arith.constant 0 : i32
      %dma_start3A_117 = tpu.memref_slice %arg5[%arg0, %add3A_75, %dma_start3A_116] : memref<2x10240x128xf32, #tpu.memory_space<hbm>> -> memref<1x64x128xf32, #tpu.memory_space<hbm>>
      %dma_start3A_118 = tpu.memref_squeeze %dma_start3A_117 : memref<1x64x128xf32, #tpu.memory_space<hbm>> -> memref<64x128xf32, #tpu.memory_space<hbm>>
      tpu.enqueue_dma source(%arg9 : memref<64x128xf32, #tpu.memory_space<vmem>>) target(%dma_start3A_118 : memref<64x128xf32, #tpu.memory_space<hbm>>) target_semaphore(%run_scoped3A : memref<!tpu.dma_semaphore, #tpu.memory_space<semaphore_mem>>)
      %dma_wait3A = arith.constant 0 : i32
      %dma_wait3A_119 = tpu.memref_slice %arg5[%arg0, %add3A_75, %dma_wait3A] : memref<2x10240x128xf32, #tpu.memory_space<hbm>> -> memref<1x64x128xf32, #tpu.memory_space<hbm>>
      %dma_wait3A_120 = tpu.memref_squeeze %dma_wait3A_119 : memref<1x64x128xf32, #tpu.memory_space<hbm>> -> memref<64x128xf32, #tpu.memory_space<hbm>>
      %dma_wait3A_121 = arith.constant 0 : i32
      %dma_wait3A_122 = tpu.memref_slice %arg5[%arg0, %add3A_75, %dma_wait3A_121] : memref<2x10240x128xf32, #tpu.memory_space<hbm>> -> memref<1x64x128xf32, #tpu.memory_space<hbm>>
      %dma_wait3A_123 = tpu.memref_squeeze %dma_wait3A_122 : memref<1x64x128xf32, #tpu.memory_space<hbm>> -> memref<64x128xf32, #tpu.memory_space<hbm>>
      tpu.wait_dma2 semaphore(%run_scoped3A : memref<!tpu.dma_semaphore, #tpu.memory_space<semaphore_mem>>) src(%arg9 : memref<64x128xf32, #tpu.memory_space<vmem>>) dst(%dma_wait3A_123 : memref<64x128xf32, #tpu.memory_space<hbm>>)
      tpu.yield
    }) : () -> ()
    %mul3A_76 = arith.constant 640 : i32
    %mul3A_77 = arith.muli %arg1, %mul3A_76 : i32
    %add3A_78 = arith.constant 64 : i32
    %add3A_79 = arith.addi %mul3A_77, %add3A_78 : i32
    "tpu.region"() ({
      %run_scoped3A = tpu.sem_alloc : memref<!tpu.dma_semaphore, #tpu.memory_space<semaphore_mem>>
      %dma_start3A = arith.constant 0 : i32
      %dma_start3A_114 = tpu.memref_slice %arg10[%add3A_79, %dma_start3A] : memref<10240x128xf32, #tpu.memory_space<vmem_shared>> -> memref<64x128xf32, #tpu.memory_space<vmem_shared>>
      %dma_start3A_115 = arith.constant 0 : i32
      %dma_start3A_116 = tpu.memref_slice %arg10[%add3A_79, %dma_start3A_115] : memref<10240x128xf32, #tpu.memory_space<vmem_shared>> -> memref<64x128xf32, #tpu.memory_space<vmem_shared>>
      tpu.enqueue_dma source(%dma_start3A_116 : memref<64x128xf32, #tpu.memory_space<vmem_shared>>) target(%arg9 : memref<64x128xf32, #tpu.memory_space<vmem>>) target_semaphore(%run_scoped3A : memref<!tpu.dma_semaphore, #tpu.memory_space<semaphore_mem>>)
      %dma_wait3A = arith.constant 0 : i32
      %dma_wait3A_117 = tpu.memref_slice %arg10[%add3A_79, %dma_wait3A] : memref<10240x128xf32, #tpu.memory_space<vmem_shared>> -> memref<64x128xf32, #tpu.memory_space<vmem_shared>>
      %dma_wait3A_118 = arith.constant 0 : i32
      %dma_wait3A_119 = tpu.memref_slice %arg10[%add3A_79, %dma_wait3A_118] : memref<10240x128xf32, #tpu.memory_space<vmem_shared>> -> memref<64x128xf32, #tpu.memory_space<vmem_shared>>
      tpu.wait_dma2 semaphore(%run_scoped3A : memref<!tpu.dma_semaphore, #tpu.memory_space<semaphore_mem>>) src(%dma_wait3A_119 : memref<64x128xf32, #tpu.memory_space<vmem_shared>>) dst(%arg9 : memref<64x128xf32, #tpu.memory_space<vmem>>)
      tpu.yield
    }) : () -> ()
    "tpu.region"() ({
      %run_scoped3A = tpu.sem_alloc : memref<!tpu.dma_semaphore, #tpu.memory_space<semaphore_mem>>
      %dma_start3A = arith.constant 0 : i32
      %dma_start3A_114 = tpu.memref_slice %arg5[%arg0, %add3A_79, %dma_start3A] : memref<2x10240x128xf32, #tpu.memory_space<hbm>> -> memref<1x64x128xf32, #tpu.memory_space<hbm>>
      %dma_start3A_115 = tpu.memref_squeeze %dma_start3A_114 : memref<1x64x128xf32, #tpu.memory_space<hbm>> -> memref<64x128xf32, #tpu.memory_space<hbm>>
      %dma_start3A_116 = arith.constant 0 : i32
      %dma_start3A_117 = tpu.memref_slice %arg5[%arg0, %add3A_79, %dma_start3A_116] : memref<2x10240x128xf32, #tpu.memory_space<hbm>> -> memref<1x64x128xf32, #tpu.memory_space<hbm>>
      %dma_start3A_118 = tpu.memref_squeeze %dma_start3A_117 : memref<1x64x128xf32, #tpu.memory_space<hbm>> -> memref<64x128xf32, #tpu.memory_space<hbm>>
      tpu.enqueue_dma source(%arg9 : memref<64x128xf32, #tpu.memory_space<vmem>>) target(%dma_start3A_118 : memref<64x128xf32, #tpu.memory_space<hbm>>) target_semaphore(%run_scoped3A : memref<!tpu.dma_semaphore, #tpu.memory_space<semaphore_mem>>)
      %dma_wait3A = arith.constant 0 : i32
      %dma_wait3A_119 = tpu.memref_slice %arg5[%arg0, %add3A_79, %dma_wait3A] : memref<2x10240x128xf32, #tpu.memory_space<hbm>> -> memref<1x64x128xf32, #tpu.memory_space<hbm>>
      %dma_wait3A_120 = tpu.memref_squeeze %dma_wait3A_119 : memref<1x64x128xf32, #tpu.memory_space<hbm>> -> memref<64x128xf32, #tpu.memory_space<hbm>>
      %dma_wait3A_121 = arith.constant 0 : i32
      %dma_wait3A_122 = tpu.memref_slice %arg5[%arg0, %add3A_79, %dma_wait3A_121] : memref<2x10240x128xf32, #tpu.memory_space<hbm>> -> memref<1x64x128xf32, #tpu.memory_space<hbm>>
      %dma_wait3A_123 = tpu.memref_squeeze %dma_wait3A_122 : memref<1x64x128xf32, #tpu.memory_space<hbm>> -> memref<64x128xf32, #tpu.memory_space<hbm>>
      tpu.wait_dma2 semaphore(%run_scoped3A : memref<!tpu.dma_semaphore, #tpu.memory_space<semaphore_mem>>) src(%arg9 : memref<64x128xf32, #tpu.memory_space<vmem>>) dst(%dma_wait3A_123 : memref<64x128xf32, #tpu.memory_space<hbm>>)
      tpu.yield
    }) : () -> ()
    %mul3A_80 = arith.constant 640 : i32
    %mul3A_81 = arith.muli %arg1, %mul3A_80 : i32
    %add3A_82 = arith.constant 128 : i32
    %add3A_83 = arith.addi %mul3A_81, %add3A_82 : i32
    "tpu.region"() ({
      %run_scoped3A = tpu.sem_alloc : memref<!tpu.dma_semaphore, #tpu.memory_space<semaphore_mem>>
      %dma_start3A = arith.constant 0 : i32
      %dma_start3A_114 = tpu.memref_slice %arg10[%add3A_83, %dma_start3A] : memref<10240x128xf32, #tpu.memory_space<vmem_shared>> -> memref<64x128xf32, #tpu.memory_space<vmem_shared>>
      %dma_start3A_115 = arith.constant 0 : i32
      %dma_start3A_116 = tpu.memref_slice %arg10[%add3A_83, %dma_start3A_115] : memref<10240x128xf32, #tpu.memory_space<vmem_shared>> -> memref<64x128xf32, #tpu.memory_space<vmem_shared>>
      tpu.enqueue_dma source(%dma_start3A_116 : memref<64x128xf32, #tpu.memory_space<vmem_shared>>) target(%arg9 : memref<64x128xf32, #tpu.memory_space<vmem>>) target_semaphore(%run_scoped3A : memref<!tpu.dma_semaphore, #tpu.memory_space<semaphore_mem>>)
      %dma_wait3A = arith.constant 0 : i32
      %dma_wait3A_117 = tpu.memref_slice %arg10[%add3A_83, %dma_wait3A] : memref<10240x128xf32, #tpu.memory_space<vmem_shared>> -> memref<64x128xf32, #tpu.memory_space<vmem_shared>>
      %dma_wait3A_118 = arith.constant 0 : i32
      %dma_wait3A_119 = tpu.memref_slice %arg10[%add3A_83, %dma_wait3A_118] : memref<10240x128xf32, #tpu.memory_space<vmem_shared>> -> memref<64x128xf32, #tpu.memory_space<vmem_shared>>
      tpu.wait_dma2 semaphore(%run_scoped3A : memref<!tpu.dma_semaphore, #tpu.memory_space<semaphore_mem>>) src(%dma_wait3A_119 : memref<64x128xf32, #tpu.memory_space<vmem_shared>>) dst(%arg9 : memref<64x128xf32, #tpu.memory_space<vmem>>)
      tpu.yield
    }) : () -> ()
    "tpu.region"() ({
      %run_scoped3A = tpu.sem_alloc : memref<!tpu.dma_semaphore, #tpu.memory_space<semaphore_mem>>
      %dma_start3A = arith.constant 0 : i32
      %dma_start3A_114 = tpu.memref_slice %arg5[%arg0, %add3A_83, %dma_start3A] : memref<2x10240x128xf32, #tpu.memory_space<hbm>> -> memref<1x64x128xf32, #tpu.memory_space<hbm>>
      %dma_start3A_115 = tpu.memref_squeeze %dma_start3A_114 : memref<1x64x128xf32, #tpu.memory_space<hbm>> -> memref<64x128xf32, #tpu.memory_space<hbm>>
      %dma_start3A_116 = arith.constant 0 : i32
      %dma_start3A_117 = tpu.memref_slice %arg5[%arg0, %add3A_83, %dma_start3A_116] : memref<2x10240x128xf32, #tpu.memory_space<hbm>> -> memref<1x64x128xf32, #tpu.memory_space<hbm>>
      %dma_start3A_118 = tpu.memref_squeeze %dma_start3A_117 : memref<1x64x128xf32, #tpu.memory_space<hbm>> -> memref<64x128xf32, #tpu.memory_space<hbm>>
      tpu.enqueue_dma source(%arg9 : memref<64x128xf32, #tpu.memory_space<vmem>>) target(%dma_start3A_118 : memref<64x128xf32, #tpu.memory_space<hbm>>) target_semaphore(%run_scoped3A : memref<!tpu.dma_semaphore, #tpu.memory_space<semaphore_mem>>)
      %dma_wait3A = arith.constant 0 : i32
      %dma_wait3A_119 = tpu.memref_slice %arg5[%arg0, %add3A_83, %dma_wait3A] : memref<2x10240x128xf32, #tpu.memory_space<hbm>> -> memref<1x64x128xf32, #tpu.memory_space<hbm>>
      %dma_wait3A_120 = tpu.memref_squeeze %dma_wait3A_119 : memref<1x64x128xf32, #tpu.memory_space<hbm>> -> memref<64x128xf32, #tpu.memory_space<hbm>>
      %dma_wait3A_121 = arith.constant 0 : i32
      %dma_wait3A_122 = tpu.memref_slice %arg5[%arg0, %add3A_83, %dma_wait3A_121] : memref<2x10240x128xf32, #tpu.memory_space<hbm>> -> memref<1x64x128xf32, #tpu.memory_space<hbm>>
      %dma_wait3A_123 = tpu.memref_squeeze %dma_wait3A_122 : memref<1x64x128xf32, #tpu.memory_space<hbm>> -> memref<64x128xf32, #tpu.memory_space<hbm>>
      tpu.wait_dma2 semaphore(%run_scoped3A : memref<!tpu.dma_semaphore, #tpu.memory_space<semaphore_mem>>) src(%arg9 : memref<64x128xf32, #tpu.memory_space<vmem>>) dst(%dma_wait3A_123 : memref<64x128xf32, #tpu.memory_space<hbm>>)
      tpu.yield
    }) : () -> ()
    %mul3A_84 = arith.constant 640 : i32
    %mul3A_85 = arith.muli %arg1, %mul3A_84 : i32
    %add3A_86 = arith.constant 192 : i32
    %add3A_87 = arith.addi %mul3A_85, %add3A_86 : i32
    "tpu.region"() ({
      %run_scoped3A = tpu.sem_alloc : memref<!tpu.dma_semaphore, #tpu.memory_space<semaphore_mem>>
      %dma_start3A = arith.constant 0 : i32
      %dma_start3A_114 = tpu.memref_slice %arg10[%add3A_87, %dma_start3A] : memref<10240x128xf32, #tpu.memory_space<vmem_shared>> -> memref<64x128xf32, #tpu.memory_space<vmem_shared>>
      %dma_start3A_115 = arith.constant 0 : i32
      %dma_start3A_116 = tpu.memref_slice %arg10[%add3A_87, %dma_start3A_115] : memref<10240x128xf32, #tpu.memory_space<vmem_shared>> -> memref<64x128xf32, #tpu.memory_space<vmem_shared>>
      tpu.enqueue_dma source(%dma_start3A_116 : memref<64x128xf32, #tpu.memory_space<vmem_shared>>) target(%arg9 : memref<64x128xf32, #tpu.memory_space<vmem>>) target_semaphore(%run_scoped3A : memref<!tpu.dma_semaphore, #tpu.memory_space<semaphore_mem>>)
      %dma_wait3A = arith.constant 0 : i32
      %dma_wait3A_117 = tpu.memref_slice %arg10[%add3A_87, %dma_wait3A] : memref<10240x128xf32, #tpu.memory_space<vmem_shared>> -> memref<64x128xf32, #tpu.memory_space<vmem_shared>>
      %dma_wait3A_118 = arith.constant 0 : i32
      %dma_wait3A_119 = tpu.memref_slice %arg10[%add3A_87, %dma_wait3A_118] : memref<10240x128xf32, #tpu.memory_space<vmem_shared>> -> memref<64x128xf32, #tpu.memory_space<vmem_shared>>
      tpu.wait_dma2 semaphore(%run_scoped3A : memref<!tpu.dma_semaphore, #tpu.memory_space<semaphore_mem>>) src(%dma_wait3A_119 : memref<64x128xf32, #tpu.memory_space<vmem_shared>>) dst(%arg9 : memref<64x128xf32, #tpu.memory_space<vmem>>)
      tpu.yield
    }) : () -> ()
    "tpu.region"() ({
      %run_scoped3A = tpu.sem_alloc : memref<!tpu.dma_semaphore, #tpu.memory_space<semaphore_mem>>
      %dma_start3A = arith.constant 0 : i32
      %dma_start3A_114 = tpu.memref_slice %arg5[%arg0, %add3A_87, %dma_start3A] : memref<2x10240x128xf32, #tpu.memory_space<hbm>> -> memref<1x64x128xf32, #tpu.memory_space<hbm>>
      %dma_start3A_115 = tpu.memref_squeeze %dma_start3A_114 : memref<1x64x128xf32, #tpu.memory_space<hbm>> -> memref<64x128xf32, #tpu.memory_space<hbm>>
      %dma_start3A_116 = arith.constant 0 : i32
      %dma_start3A_117 = tpu.memref_slice %arg5[%arg0, %add3A_87, %dma_start3A_116] : memref<2x10240x128xf32, #tpu.memory_space<hbm>> -> memref<1x64x128xf32, #tpu.memory_space<hbm>>
      %dma_start3A_118 = tpu.memref_squeeze %dma_start3A_117 : memref<1x64x128xf32, #tpu.memory_space<hbm>> -> memref<64x128xf32, #tpu.memory_space<hbm>>
      tpu.enqueue_dma source(%arg9 : memref<64x128xf32, #tpu.memory_space<vmem>>) target(%dma_start3A_118 : memref<64x128xf32, #tpu.memory_space<hbm>>) target_semaphore(%run_scoped3A : memref<!tpu.dma_semaphore, #tpu.memory_space<semaphore_mem>>)
      %dma_wait3A = arith.constant 0 : i32
      %dma_wait3A_119 = tpu.memref_slice %arg5[%arg0, %add3A_87, %dma_wait3A] : memref<2x10240x128xf32, #tpu.memory_space<hbm>> -> memref<1x64x128xf32, #tpu.memory_space<hbm>>
      %dma_wait3A_120 = tpu.memref_squeeze %dma_wait3A_119 : memref<1x64x128xf32, #tpu.memory_space<hbm>> -> memref<64x128xf32, #tpu.memory_space<hbm>>
      %dma_wait3A_121 = arith.constant 0 : i32
      %dma_wait3A_122 = tpu.memref_slice %arg5[%arg0, %add3A_87, %dma_wait3A_121] : memref<2x10240x128xf32, #tpu.memory_space<hbm>> -> memref<1x64x128xf32, #tpu.memory_space<hbm>>
      %dma_wait3A_123 = tpu.memref_squeeze %dma_wait3A_122 : memref<1x64x128xf32, #tpu.memory_space<hbm>> -> memref<64x128xf32, #tpu.memory_space<hbm>>
      tpu.wait_dma2 semaphore(%run_scoped3A : memref<!tpu.dma_semaphore, #tpu.memory_space<semaphore_mem>>) src(%arg9 : memref<64x128xf32, #tpu.memory_space<vmem>>) dst(%dma_wait3A_123 : memref<64x128xf32, #tpu.memory_space<hbm>>)
      tpu.yield
    }) : () -> ()
    %mul3A_88 = arith.constant 640 : i32
    %mul3A_89 = arith.muli %arg1, %mul3A_88 : i32
    %add3A_90 = arith.constant 256 : i32
    %add3A_91 = arith.addi %mul3A_89, %add3A_90 : i32
    "tpu.region"() ({
      %run_scoped3A = tpu.sem_alloc : memref<!tpu.dma_semaphore, #tpu.memory_space<semaphore_mem>>
      %dma_start3A = arith.constant 0 : i32
      %dma_start3A_114 = tpu.memref_slice %arg10[%add3A_91, %dma_start3A] : memref<10240x128xf32, #tpu.memory_space<vmem_shared>> -> memref<64x128xf32, #tpu.memory_space<vmem_shared>>
      %dma_start3A_115 = arith.constant 0 : i32
      %dma_start3A_116 = tpu.memref_slice %arg10[%add3A_91, %dma_start3A_115] : memref<10240x128xf32, #tpu.memory_space<vmem_shared>> -> memref<64x128xf32, #tpu.memory_space<vmem_shared>>
      tpu.enqueue_dma source(%dma_start3A_116 : memref<64x128xf32, #tpu.memory_space<vmem_shared>>) target(%arg9 : memref<64x128xf32, #tpu.memory_space<vmem>>) target_semaphore(%run_scoped3A : memref<!tpu.dma_semaphore, #tpu.memory_space<semaphore_mem>>)
      %dma_wait3A = arith.constant 0 : i32
      %dma_wait3A_117 = tpu.memref_slice %arg10[%add3A_91, %dma_wait3A] : memref<10240x128xf32, #tpu.memory_space<vmem_shared>> -> memref<64x128xf32, #tpu.memory_space<vmem_shared>>
      %dma_wait3A_118 = arith.constant 0 : i32
      %dma_wait3A_119 = tpu.memref_slice %arg10[%add3A_91, %dma_wait3A_118] : memref<10240x128xf32, #tpu.memory_space<vmem_shared>> -> memref<64x128xf32, #tpu.memory_space<vmem_shared>>
      tpu.wait_dma2 semaphore(%run_scoped3A : memref<!tpu.dma_semaphore, #tpu.memory_space<semaphore_mem>>) src(%dma_wait3A_119 : memref<64x128xf32, #tpu.memory_space<vmem_shared>>) dst(%arg9 : memref<64x128xf32, #tpu.memory_space<vmem>>)
      tpu.yield
    }) : () -> ()
    "tpu.region"() ({
      %run_scoped3A = tpu.sem_alloc : memref<!tpu.dma_semaphore, #tpu.memory_space<semaphore_mem>>
      %dma_start3A = arith.constant 0 : i32
      %dma_start3A_114 = tpu.memref_slice %arg5[%arg0, %add3A_91, %dma_start3A] : memref<2x10240x128xf32, #tpu.memory_space<hbm>> -> memref<1x64x128xf32, #tpu.memory_space<hbm>>
      %dma_start3A_115 = tpu.memref_squeeze %dma_start3A_114 : memref<1x64x128xf32, #tpu.memory_space<hbm>> -> memref<64x128xf32, #tpu.memory_space<hbm>>
      %dma_start3A_116 = arith.constant 0 : i32
      %dma_start3A_117 = tpu.memref_slice %arg5[%arg0, %add3A_91, %dma_start3A_116] : memref<2x10240x128xf32, #tpu.memory_space<hbm>> -> memref<1x64x128xf32, #tpu.memory_space<hbm>>
      %dma_start3A_118 = tpu.memref_squeeze %dma_start3A_117 : memref<1x64x128xf32, #tpu.memory_space<hbm>> -> memref<64x128xf32, #tpu.memory_space<hbm>>
      tpu.enqueue_dma source(%arg9 : memref<64x128xf32, #tpu.memory_space<vmem>>) target(%dma_start3A_118 : memref<64x128xf32, #tpu.memory_space<hbm>>) target_semaphore(%run_scoped3A : memref<!tpu.dma_semaphore, #tpu.memory_space<semaphore_mem>>)
      %dma_wait3A = arith.constant 0 : i32
      %dma_wait3A_119 = tpu.memref_slice %arg5[%arg0, %add3A_91, %dma_wait3A] : memref<2x10240x128xf32, #tpu.memory_space<hbm>> -> memref<1x64x128xf32, #tpu.memory_space<hbm>>
      %dma_wait3A_120 = tpu.memref_squeeze %dma_wait3A_119 : memref<1x64x128xf32, #tpu.memory_space<hbm>> -> memref<64x128xf32, #tpu.memory_space<hbm>>
      %dma_wait3A_121 = arith.constant 0 : i32
      %dma_wait3A_122 = tpu.memref_slice %arg5[%arg0, %add3A_91, %dma_wait3A_121] : memref<2x10240x128xf32, #tpu.memory_space<hbm>> -> memref<1x64x128xf32, #tpu.memory_space<hbm>>
      %dma_wait3A_123 = tpu.memref_squeeze %dma_wait3A_122 : memref<1x64x128xf32, #tpu.memory_space<hbm>> -> memref<64x128xf32, #tpu.memory_space<hbm>>
      tpu.wait_dma2 semaphore(%run_scoped3A : memref<!tpu.dma_semaphore, #tpu.memory_space<semaphore_mem>>) src(%arg9 : memref<64x128xf32, #tpu.memory_space<vmem>>) dst(%dma_wait3A_123 : memref<64x128xf32, #tpu.memory_space<hbm>>)
      tpu.yield
    }) : () -> ()
    %mul3A_92 = arith.constant 640 : i32
    %mul3A_93 = arith.muli %arg1, %mul3A_92 : i32
    %add3A_94 = arith.constant 320 : i32
    %add3A_95 = arith.addi %mul3A_93, %add3A_94 : i32
    "tpu.region"() ({
      %run_scoped3A = tpu.sem_alloc : memref<!tpu.dma_semaphore, #tpu.memory_space<semaphore_mem>>
      %dma_start3A = arith.constant 0 : i32
      %dma_start3A_114 = tpu.memref_slice %arg10[%add3A_95, %dma_start3A] : memref<10240x128xf32, #tpu.memory_space<vmem_shared>> -> memref<64x128xf32, #tpu.memory_space<vmem_shared>>
      %dma_start3A_115 = arith.constant 0 : i32
      %dma_start3A_116 = tpu.memref_slice %arg10[%add3A_95, %dma_start3A_115] : memref<10240x128xf32, #tpu.memory_space<vmem_shared>> -> memref<64x128xf32, #tpu.memory_space<vmem_shared>>
      tpu.enqueue_dma source(%dma_start3A_116 : memref<64x128xf32, #tpu.memory_space<vmem_shared>>) target(%arg9 : memref<64x128xf32, #tpu.memory_space<vmem>>) target_semaphore(%run_scoped3A : memref<!tpu.dma_semaphore, #tpu.memory_space<semaphore_mem>>)
      %dma_wait3A = arith.constant 0 : i32
      %dma_wait3A_117 = tpu.memref_slice %arg10[%add3A_95, %dma_wait3A] : memref<10240x128xf32, #tpu.memory_space<vmem_shared>> -> memref<64x128xf32, #tpu.memory_space<vmem_shared>>
      %dma_wait3A_118 = arith.constant 0 : i32
      %dma_wait3A_119 = tpu.memref_slice %arg10[%add3A_95, %dma_wait3A_118] : memref<10240x128xf32, #tpu.memory_space<vmem_shared>> -> memref<64x128xf32, #tpu.memory_space<vmem_shared>>
      tpu.wait_dma2 semaphore(%run_scoped3A : memref<!tpu.dma_semaphore, #tpu.memory_space<semaphore_mem>>) src(%dma_wait3A_119 : memref<64x128xf32, #tpu.memory_space<vmem_shared>>) dst(%arg9 : memref<64x128xf32, #tpu.memory_space<vmem>>)
      tpu.yield
    }) : () -> ()
    "tpu.region"() ({
      %run_scoped3A = tpu.sem_alloc : memref<!tpu.dma_semaphore, #tpu.memory_space<semaphore_mem>>
      %dma_start3A = arith.constant 0 : i32
      %dma_start3A_114 = tpu.memref_slice %arg5[%arg0, %add3A_95, %dma_start3A] : memref<2x10240x128xf32, #tpu.memory_space<hbm>> -> memref<1x64x128xf32, #tpu.memory_space<hbm>>
      %dma_start3A_115 = tpu.memref_squeeze %dma_start3A_114 : memref<1x64x128xf32, #tpu.memory_space<hbm>> -> memref<64x128xf32, #tpu.memory_space<hbm>>
      %dma_start3A_116 = arith.constant 0 : i32
      %dma_start3A_117 = tpu.memref_slice %arg5[%arg0, %add3A_95, %dma_start3A_116] : memref<2x10240x128xf32, #tpu.memory_space<hbm>> -> memref<1x64x128xf32, #tpu.memory_space<hbm>>
      %dma_start3A_118 = tpu.memref_squeeze %dma_start3A_117 : memref<1x64x128xf32, #tpu.memory_space<hbm>> -> memref<64x128xf32, #tpu.memory_space<hbm>>
      tpu.enqueue_dma source(%arg9 : memref<64x128xf32, #tpu.memory_space<vmem>>) target(%dma_start3A_118 : memref<64x128xf32, #tpu.memory_space<hbm>>) target_semaphore(%run_scoped3A : memref<!tpu.dma_semaphore, #tpu.memory_space<semaphore_mem>>)
      %dma_wait3A = arith.constant 0 : i32
      %dma_wait3A_119 = tpu.memref_slice %arg5[%arg0, %add3A_95, %dma_wait3A] : memref<2x10240x128xf32, #tpu.memory_space<hbm>> -> memref<1x64x128xf32, #tpu.memory_space<hbm>>
      %dma_wait3A_120 = tpu.memref_squeeze %dma_wait3A_119 : memref<1x64x128xf32, #tpu.memory_space<hbm>> -> memref<64x128xf32, #tpu.memory_space<hbm>>
      %dma_wait3A_121 = arith.constant 0 : i32
      %dma_wait3A_122 = tpu.memref_slice %arg5[%arg0, %add3A_95, %dma_wait3A_121] : memref<2x10240x128xf32, #tpu.memory_space<hbm>> -> memref<1x64x128xf32, #tpu.memory_space<hbm>>
      %dma_wait3A_123 = tpu.memref_squeeze %dma_wait3A_122 : memref<1x64x128xf32, #tpu.memory_space<hbm>> -> memref<64x128xf32, #tpu.memory_space<hbm>>
      tpu.wait_dma2 semaphore(%run_scoped3A : memref<!tpu.dma_semaphore, #tpu.memory_space<semaphore_mem>>) src(%arg9 : memref<64x128xf32, #tpu.memory_space<vmem>>) dst(%dma_wait3A_123 : memref<64x128xf32, #tpu.memory_space<hbm>>)
      tpu.yield
    }) : () -> ()
    %mul3A_96 = arith.constant 640 : i32
    %mul3A_97 = arith.muli %arg1, %mul3A_96 : i32
    %add3A_98 = arith.constant 384 : i32
    %add3A_99 = arith.addi %mul3A_97, %add3A_98 : i32
    "tpu.region"() ({
      %run_scoped3A = tpu.sem_alloc : memref<!tpu.dma_semaphore, #tpu.memory_space<semaphore_mem>>
      %dma_start3A = arith.constant 0 : i32
      %dma_start3A_114 = tpu.memref_slice %arg10[%add3A_99, %dma_start3A] : memref<10240x128xf32, #tpu.memory_space<vmem_shared>> -> memref<64x128xf32, #tpu.memory_space<vmem_shared>>
      %dma_start3A_115 = arith.constant 0 : i32
      %dma_start3A_116 = tpu.memref_slice %arg10[%add3A_99, %dma_start3A_115] : memref<10240x128xf32, #tpu.memory_space<vmem_shared>> -> memref<64x128xf32, #tpu.memory_space<vmem_shared>>
      tpu.enqueue_dma source(%dma_start3A_116 : memref<64x128xf32, #tpu.memory_space<vmem_shared>>) target(%arg9 : memref<64x128xf32, #tpu.memory_space<vmem>>) target_semaphore(%run_scoped3A : memref<!tpu.dma_semaphore, #tpu.memory_space<semaphore_mem>>)
      %dma_wait3A = arith.constant 0 : i32
      %dma_wait3A_117 = tpu.memref_slice %arg10[%add3A_99, %dma_wait3A] : memref<10240x128xf32, #tpu.memory_space<vmem_shared>> -> memref<64x128xf32, #tpu.memory_space<vmem_shared>>
      %dma_wait3A_118 = arith.constant 0 : i32
      %dma_wait3A_119 = tpu.memref_slice %arg10[%add3A_99, %dma_wait3A_118] : memref<10240x128xf32, #tpu.memory_space<vmem_shared>> -> memref<64x128xf32, #tpu.memory_space<vmem_shared>>
      tpu.wait_dma2 semaphore(%run_scoped3A : memref<!tpu.dma_semaphore, #tpu.memory_space<semaphore_mem>>) src(%dma_wait3A_119 : memref<64x128xf32, #tpu.memory_space<vmem_shared>>) dst(%arg9 : memref<64x128xf32, #tpu.memory_space<vmem>>)
      tpu.yield
    }) : () -> ()
    "tpu.region"() ({
      %run_scoped3A = tpu.sem_alloc : memref<!tpu.dma_semaphore, #tpu.memory_space<semaphore_mem>>
      %dma_start3A = arith.constant 0 : i32
      %dma_start3A_114 = tpu.memref_slice %arg5[%arg0, %add3A_99, %dma_start3A] : memref<2x10240x128xf32, #tpu.memory_space<hbm>> -> memref<1x64x128xf32, #tpu.memory_space<hbm>>
      %dma_start3A_115 = tpu.memref_squeeze %dma_start3A_114 : memref<1x64x128xf32, #tpu.memory_space<hbm>> -> memref<64x128xf32, #tpu.memory_space<hbm>>
      %dma_start3A_116 = arith.constant 0 : i32
      %dma_start3A_117 = tpu.memref_slice %arg5[%arg0, %add3A_99, %dma_start3A_116] : memref<2x10240x128xf32, #tpu.memory_space<hbm>> -> memref<1x64x128xf32, #tpu.memory_space<hbm>>
      %dma_start3A_118 = tpu.memref_squeeze %dma_start3A_117 : memref<1x64x128xf32, #tpu.memory_space<hbm>> -> memref<64x128xf32, #tpu.memory_space<hbm>>
      tpu.enqueue_dma source(%arg9 : memref<64x128xf32, #tpu.memory_space<vmem>>) target(%dma_start3A_118 : memref<64x128xf32, #tpu.memory_space<hbm>>) target_semaphore(%run_scoped3A : memref<!tpu.dma_semaphore, #tpu.memory_space<semaphore_mem>>)
      %dma_wait3A = arith.constant 0 : i32
      %dma_wait3A_119 = tpu.memref_slice %arg5[%arg0, %add3A_99, %dma_wait3A] : memref<2x10240x128xf32, #tpu.memory_space<hbm>> -> memref<1x64x128xf32, #tpu.memory_space<hbm>>
      %dma_wait3A_120 = tpu.memref_squeeze %dma_wait3A_119 : memref<1x64x128xf32, #tpu.memory_space<hbm>> -> memref<64x128xf32, #tpu.memory_space<hbm>>
      %dma_wait3A_121 = arith.constant 0 : i32
      %dma_wait3A_122 = tpu.memref_slice %arg5[%arg0, %add3A_99, %dma_wait3A_121] : memref<2x10240x128xf32, #tpu.memory_space<hbm>> -> memref<1x64x128xf32, #tpu.memory_space<hbm>>
      %dma_wait3A_123 = tpu.memref_squeeze %dma_wait3A_122 : memref<1x64x128xf32, #tpu.memory_space<hbm>> -> memref<64x128xf32, #tpu.memory_space<hbm>>
      tpu.wait_dma2 semaphore(%run_scoped3A : memref<!tpu.dma_semaphore, #tpu.memory_space<semaphore_mem>>) src(%arg9 : memref<64x128xf32, #tpu.memory_space<vmem>>) dst(%dma_wait3A_123 : memref<64x128xf32, #tpu.memory_space<hbm>>)
      tpu.yield
    }) : () -> ()
    %mul3A_100 = arith.constant 640 : i32
    %mul3A_101 = arith.muli %arg1, %mul3A_100 : i32
    %add3A_102 = arith.constant 448 : i32
    %add3A_103 = arith.addi %mul3A_101, %add3A_102 : i32
    "tpu.region"() ({
      %run_scoped3A = tpu.sem_alloc : memref<!tpu.dma_semaphore, #tpu.memory_space<semaphore_mem>>
      %dma_start3A = arith.constant 0 : i32
      %dma_start3A_114 = tpu.memref_slice %arg10[%add3A_103, %dma_start3A] : memref<10240x128xf32, #tpu.memory_space<vmem_shared>> -> memref<64x128xf32, #tpu.memory_space<vmem_shared>>
      %dma_start3A_115 = arith.constant 0 : i32
      %dma_start3A_116 = tpu.memref_slice %arg10[%add3A_103, %dma_start3A_115] : memref<10240x128xf32, #tpu.memory_space<vmem_shared>> -> memref<64x128xf32, #tpu.memory_space<vmem_shared>>
      tpu.enqueue_dma source(%dma_start3A_116 : memref<64x128xf32, #tpu.memory_space<vmem_shared>>) target(%arg9 : memref<64x128xf32, #tpu.memory_space<vmem>>) target_semaphore(%run_scoped3A : memref<!tpu.dma_semaphore, #tpu.memory_space<semaphore_mem>>)
      %dma_wait3A = arith.constant 0 : i32
      %dma_wait3A_117 = tpu.memref_slice %arg10[%add3A_103, %dma_wait3A] : memref<10240x128xf32, #tpu.memory_space<vmem_shared>> -> memref<64x128xf32, #tpu.memory_space<vmem_shared>>
      %dma_wait3A_118 = arith.constant 0 : i32
      %dma_wait3A_119 = tpu.memref_slice %arg10[%add3A_103, %dma_wait3A_118] : memref<10240x128xf32, #tpu.memory_space<vmem_shared>> -> memref<64x128xf32, #tpu.memory_space<vmem_shared>>
      tpu.wait_dma2 semaphore(%run_scoped3A : memref<!tpu.dma_semaphore, #tpu.memory_space<semaphore_mem>>) src(%dma_wait3A_119 : memref<64x128xf32, #tpu.memory_space<vmem_shared>>) dst(%arg9 : memref<64x128xf32, #tpu.memory_space<vmem>>)
      tpu.yield
    }) : () -> ()
    "tpu.region"() ({
      %run_scoped3A = tpu.sem_alloc : memref<!tpu.dma_semaphore, #tpu.memory_space<semaphore_mem>>
      %dma_start3A = arith.constant 0 : i32
      %dma_start3A_114 = tpu.memref_slice %arg5[%arg0, %add3A_103, %dma_start3A] : memref<2x10240x128xf32, #tpu.memory_space<hbm>> -> memref<1x64x128xf32, #tpu.memory_space<hbm>>
      %dma_start3A_115 = tpu.memref_squeeze %dma_start3A_114 : memref<1x64x128xf32, #tpu.memory_space<hbm>> -> memref<64x128xf32, #tpu.memory_space<hbm>>
      %dma_start3A_116 = arith.constant 0 : i32
      %dma_start3A_117 = tpu.memref_slice %arg5[%arg0, %add3A_103, %dma_start3A_116] : memref<2x10240x128xf32, #tpu.memory_space<hbm>> -> memref<1x64x128xf32, #tpu.memory_space<hbm>>
      %dma_start3A_118 = tpu.memref_squeeze %dma_start3A_117 : memref<1x64x128xf32, #tpu.memory_space<hbm>> -> memref<64x128xf32, #tpu.memory_space<hbm>>
      tpu.enqueue_dma source(%arg9 : memref<64x128xf32, #tpu.memory_space<vmem>>) target(%dma_start3A_118 : memref<64x128xf32, #tpu.memory_space<hbm>>) target_semaphore(%run_scoped3A : memref<!tpu.dma_semaphore, #tpu.memory_space<semaphore_mem>>)
      %dma_wait3A = arith.constant 0 : i32
      %dma_wait3A_119 = tpu.memref_slice %arg5[%arg0, %add3A_103, %dma_wait3A] : memref<2x10240x128xf32, #tpu.memory_space<hbm>> -> memref<1x64x128xf32, #tpu.memory_space<hbm>>
      %dma_wait3A_120 = tpu.memref_squeeze %dma_wait3A_119 : memref<1x64x128xf32, #tpu.memory_space<hbm>> -> memref<64x128xf32, #tpu.memory_space<hbm>>
      %dma_wait3A_121 = arith.constant 0 : i32
      %dma_wait3A_122 = tpu.memref_slice %arg5[%arg0, %add3A_103, %dma_wait3A_121] : memref<2x10240x128xf32, #tpu.memory_space<hbm>> -> memref<1x64x128xf32, #tpu.memory_space<hbm>>
      %dma_wait3A_123 = tpu.memref_squeeze %dma_wait3A_122 : memref<1x64x128xf32, #tpu.memory_space<hbm>> -> memref<64x128xf32, #tpu.memory_space<hbm>>
      tpu.wait_dma2 semaphore(%run_scoped3A : memref<!tpu.dma_semaphore, #tpu.memory_space<semaphore_mem>>) src(%arg9 : memref<64x128xf32, #tpu.memory_space<vmem>>) dst(%dma_wait3A_123 : memref<64x128xf32, #tpu.memory_space<hbm>>)
      tpu.yield
    }) : () -> ()
    %mul3A_104 = arith.constant 640 : i32
    %mul3A_105 = arith.muli %arg1, %mul3A_104 : i32
    %add3A_106 = arith.constant 512 : i32
    %add3A_107 = arith.addi %mul3A_105, %add3A_106 : i32
    "tpu.region"() ({
      %run_scoped3A = tpu.sem_alloc : memref<!tpu.dma_semaphore, #tpu.memory_space<semaphore_mem>>
      %dma_start3A = arith.constant 0 : i32
      %dma_start3A_114 = tpu.memref_slice %arg10[%add3A_107, %dma_start3A] : memref<10240x128xf32, #tpu.memory_space<vmem_shared>> -> memref<64x128xf32, #tpu.memory_space<vmem_shared>>
      %dma_start3A_115 = arith.constant 0 : i32
      %dma_start3A_116 = tpu.memref_slice %arg10[%add3A_107, %dma_start3A_115] : memref<10240x128xf32, #tpu.memory_space<vmem_shared>> -> memref<64x128xf32, #tpu.memory_space<vmem_shared>>
      tpu.enqueue_dma source(%dma_start3A_116 : memref<64x128xf32, #tpu.memory_space<vmem_shared>>) target(%arg9 : memref<64x128xf32, #tpu.memory_space<vmem>>) target_semaphore(%run_scoped3A : memref<!tpu.dma_semaphore, #tpu.memory_space<semaphore_mem>>)
      %dma_wait3A = arith.constant 0 : i32
      %dma_wait3A_117 = tpu.memref_slice %arg10[%add3A_107, %dma_wait3A] : memref<10240x128xf32, #tpu.memory_space<vmem_shared>> -> memref<64x128xf32, #tpu.memory_space<vmem_shared>>
      %dma_wait3A_118 = arith.constant 0 : i32
      %dma_wait3A_119 = tpu.memref_slice %arg10[%add3A_107, %dma_wait3A_118] : memref<10240x128xf32, #tpu.memory_space<vmem_shared>> -> memref<64x128xf32, #tpu.memory_space<vmem_shared>>
      tpu.wait_dma2 semaphore(%run_scoped3A : memref<!tpu.dma_semaphore, #tpu.memory_space<semaphore_mem>>) src(%dma_wait3A_119 : memref<64x128xf32, #tpu.memory_space<vmem_shared>>) dst(%arg9 : memref<64x128xf32, #tpu.memory_space<vmem>>)
      tpu.yield
    }) : () -> ()
    "tpu.region"() ({
      %run_scoped3A = tpu.sem_alloc : memref<!tpu.dma_semaphore, #tpu.memory_space<semaphore_mem>>
      %dma_start3A = arith.constant 0 : i32
      %dma_start3A_114 = tpu.memref_slice %arg5[%arg0, %add3A_107, %dma_start3A] : memref<2x10240x128xf32, #tpu.memory_space<hbm>> -> memref<1x64x128xf32, #tpu.memory_space<hbm>>
      %dma_start3A_115 = tpu.memref_squeeze %dma_start3A_114 : memref<1x64x128xf32, #tpu.memory_space<hbm>> -> memref<64x128xf32, #tpu.memory_space<hbm>>
      %dma_start3A_116 = arith.constant 0 : i32
      %dma_start3A_117 = tpu.memref_slice %arg5[%arg0, %add3A_107, %dma_start3A_116] : memref<2x10240x128xf32, #tpu.memory_space<hbm>> -> memref<1x64x128xf32, #tpu.memory_space<hbm>>
      %dma_start3A_118 = tpu.memref_squeeze %dma_start3A_117 : memref<1x64x128xf32, #tpu.memory_space<hbm>> -> memref<64x128xf32, #tpu.memory_space<hbm>>
      tpu.enqueue_dma source(%arg9 : memref<64x128xf32, #tpu.memory_space<vmem>>) target(%dma_start3A_118 : memref<64x128xf32, #tpu.memory_space<hbm>>) target_semaphore(%run_scoped3A : memref<!tpu.dma_semaphore, #tpu.memory_space<semaphore_mem>>)
      %dma_wait3A = arith.constant 0 : i32
      %dma_wait3A_119 = tpu.memref_slice %arg5[%arg0, %add3A_107, %dma_wait3A] : memref<2x10240x128xf32, #tpu.memory_space<hbm>> -> memref<1x64x128xf32, #tpu.memory_space<hbm>>
      %dma_wait3A_120 = tpu.memref_squeeze %dma_wait3A_119 : memref<1x64x128xf32, #tpu.memory_space<hbm>> -> memref<64x128xf32, #tpu.memory_space<hbm>>
      %dma_wait3A_121 = arith.constant 0 : i32
      %dma_wait3A_122 = tpu.memref_slice %arg5[%arg0, %add3A_107, %dma_wait3A_121] : memref<2x10240x128xf32, #tpu.memory_space<hbm>> -> memref<1x64x128xf32, #tpu.memory_space<hbm>>
      %dma_wait3A_123 = tpu.memref_squeeze %dma_wait3A_122 : memref<1x64x128xf32, #tpu.memory_space<hbm>> -> memref<64x128xf32, #tpu.memory_space<hbm>>
      tpu.wait_dma2 semaphore(%run_scoped3A : memref<!tpu.dma_semaphore, #tpu.memory_space<semaphore_mem>>) src(%arg9 : memref<64x128xf32, #tpu.memory_space<vmem>>) dst(%dma_wait3A_123 : memref<64x128xf32, #tpu.memory_space<hbm>>)
      tpu.yield
    }) : () -> ()
    %mul3A_108 = arith.constant 640 : i32
    %mul3A_109 = arith.muli %arg1, %mul3A_108 : i32
    %add3A_110 = arith.constant 576 : i32
    %add3A_111 = arith.addi %mul3A_109, %add3A_110 : i32
    "tpu.region"() ({
      %run_scoped3A = tpu.sem_alloc : memref<!tpu.dma_semaphore, #tpu.memory_space<semaphore_mem>>
      %dma_start3A = arith.constant 0 : i32
      %dma_start3A_114 = tpu.memref_slice %arg10[%add3A_111, %dma_start3A] : memref<10240x128xf32, #tpu.memory_space<vmem_shared>> -> memref<64x128xf32, #tpu.memory_space<vmem_shared>>
      %dma_start3A_115 = arith.constant 0 : i32
      %dma_start3A_116 = tpu.memref_slice %arg10[%add3A_111, %dma_start3A_115] : memref<10240x128xf32, #tpu.memory_space<vmem_shared>> -> memref<64x128xf32, #tpu.memory_space<vmem_shared>>
      tpu.enqueue_dma source(%dma_start3A_116 : memref<64x128xf32, #tpu.memory_space<vmem_shared>>) target(%arg9 : memref<64x128xf32, #tpu.memory_space<vmem>>) target_semaphore(%run_scoped3A : memref<!tpu.dma_semaphore, #tpu.memory_space<semaphore_mem>>)
      %dma_wait3A = arith.constant 0 : i32
      %dma_wait3A_117 = tpu.memref_slice %arg10[%add3A_111, %dma_wait3A] : memref<10240x128xf32, #tpu.memory_space<vmem_shared>> -> memref<64x128xf32, #tpu.memory_space<vmem_shared>>
      %dma_wait3A_118 = arith.constant 0 : i32
      %dma_wait3A_119 = tpu.memref_slice %arg10[%add3A_111, %dma_wait3A_118] : memref<10240x128xf32, #tpu.memory_space<vmem_shared>> -> memref<64x128xf32, #tpu.memory_space<vmem_shared>>
      tpu.wait_dma2 semaphore(%run_scoped3A : memref<!tpu.dma_semaphore, #tpu.memory_space<semaphore_mem>>) src(%dma_wait3A_119 : memref<64x128xf32, #tpu.memory_space<vmem_shared>>) dst(%arg9 : memref<64x128xf32, #tpu.memory_space<vmem>>)
      tpu.yield
    }) : () -> ()
    "tpu.region"() ({
      %run_scoped3A = tpu.sem_alloc : memref<!tpu.dma_semaphore, #tpu.memory_space<semaphore_mem>>
      %dma_start3A = arith.constant 0 : i32
      %dma_start3A_114 = tpu.memref_slice %arg5[%arg0, %add3A_111, %dma_start3A] : memref<2x10240x128xf32, #tpu.memory_space<hbm>> -> memref<1x64x128xf32, #tpu.memory_space<hbm>>
      %dma_start3A_115 = tpu.memref_squeeze %dma_start3A_114 : memref<1x64x128xf32, #tpu.memory_space<hbm>> -> memref<64x128xf32, #tpu.memory_space<hbm>>
      %dma_start3A_116 = arith.constant 0 : i32
      %dma_start3A_117 = tpu.memref_slice %arg5[%arg0, %add3A_111, %dma_start3A_116] : memref<2x10240x128xf32, #tpu.memory_space<hbm>> -> memref<1x64x128xf32, #tpu.memory_space<hbm>>
      %dma_start3A_118 = tpu.memref_squeeze %dma_start3A_117 : memref<1x64x128xf32, #tpu.memory_space<hbm>> -> memref<64x128xf32, #tpu.memory_space<hbm>>
      tpu.enqueue_dma source(%arg9 : memref<64x128xf32, #tpu.memory_space<vmem>>) target(%dma_start3A_118 : memref<64x128xf32, #tpu.memory_space<hbm>>) target_semaphore(%run_scoped3A : memref<!tpu.dma_semaphore, #tpu.memory_space<semaphore_mem>>)
      %dma_wait3A = arith.constant 0 : i32
      %dma_wait3A_119 = tpu.memref_slice %arg5[%arg0, %add3A_111, %dma_wait3A] : memref<2x10240x128xf32, #tpu.memory_space<hbm>> -> memref<1x64x128xf32, #tpu.memory_space<hbm>>
      %dma_wait3A_120 = tpu.memref_squeeze %dma_wait3A_119 : memref<1x64x128xf32, #tpu.memory_space<hbm>> -> memref<64x128xf32, #tpu.memory_space<hbm>>
      %dma_wait3A_121 = arith.constant 0 : i32
      %dma_wait3A_122 = tpu.memref_slice %arg5[%arg0, %add3A_111, %dma_wait3A_121] : memref<2x10240x128xf32, #tpu.memory_space<hbm>> -> memref<1x64x128xf32, #tpu.memory_space<hbm>>
      %dma_wait3A_123 = tpu.memref_squeeze %dma_wait3A_122 : memref<1x64x128xf32, #tpu.memory_space<hbm>> -> memref<64x128xf32, #tpu.memory_space<hbm>>
      tpu.wait_dma2 semaphore(%run_scoped3A : memref<!tpu.dma_semaphore, #tpu.memory_space<semaphore_mem>>) src(%arg9 : memref<64x128xf32, #tpu.memory_space<vmem>>) dst(%dma_wait3A_123 : memref<64x128xf32, #tpu.memory_space<hbm>>)
      tpu.yield
    }) : () -> ()
    %mul3A_112 = arith.constant 640 : i32
    %mul3A_113 = arith.muli %arg1, %mul3A_112 : i32
    "tpu.region"() ({
      %run_scoped3A = tpu.sem_alloc : memref<!tpu.dma_semaphore, #tpu.memory_space<semaphore_mem>>
      %dma_start3A = tpu.memref_slice %arg16[%mul3A_113] : memref<10240xf32, #tpu.memory_space<vmem_shared>> -> memref<640xf32, #tpu.memory_space<vmem_shared>>
      %dma_start3A_114 = tpu.memref_slice %arg16[%mul3A_113] : memref<10240xf32, #tpu.memory_space<vmem_shared>> -> memref<640xf32, #tpu.memory_space<vmem_shared>>
      tpu.enqueue_dma source(%dma_start3A_114 : memref<640xf32, #tpu.memory_space<vmem_shared>>) target(%arg15 : memref<640xf32, #tpu.memory_space<vmem>>) target_semaphore(%run_scoped3A : memref<!tpu.dma_semaphore, #tpu.memory_space<semaphore_mem>>)
      %dma_wait3A = tpu.memref_slice %arg16[%mul3A_113] : memref<10240xf32, #tpu.memory_space<vmem_shared>> -> memref<640xf32, #tpu.memory_space<vmem_shared>>
      %dma_wait3A_115 = tpu.memref_slice %arg16[%mul3A_113] : memref<10240xf32, #tpu.memory_space<vmem_shared>> -> memref<640xf32, #tpu.memory_space<vmem_shared>>
      tpu.wait_dma2 semaphore(%run_scoped3A : memref<!tpu.dma_semaphore, #tpu.memory_space<semaphore_mem>>) src(%dma_wait3A_115 : memref<640xf32, #tpu.memory_space<vmem_shared>>) dst(%arg15 : memref<640xf32, #tpu.memory_space<vmem>>)
      tpu.yield
    }) : () -> ()
    "tpu.region"() ({
      %run_scoped3A = tpu.sem_alloc : memref<!tpu.dma_semaphore, #tpu.memory_space<semaphore_mem>>
      %dma_start3A = tpu.memref_slice %arg6[%arg0, %mul3A_113] : memref<2x10240xf32, #tpu.memory_space<hbm>> -> memref<1x640xf32, #tpu.memory_space<hbm>>
      %dma_start3A_114 = tpu.memref_squeeze %dma_start3A : memref<1x640xf32, #tpu.memory_space<hbm>> -> memref<640xf32, #tpu.memory_space<hbm>>
      %dma_start3A_115 = tpu.memref_slice %arg6[%arg0, %mul3A_113] : memref<2x10240xf32, #tpu.memory_space<hbm>> -> memref<1x640xf32, #tpu.memory_space<hbm>>
      %dma_start3A_116 = tpu.memref_squeeze %dma_start3A_115 : memref<1x640xf32, #tpu.memory_space<hbm>> -> memref<640xf32, #tpu.memory_space<hbm>>
      tpu.enqueue_dma source(%arg15 : memref<640xf32, #tpu.memory_space<vmem>>) target(%dma_start3A_116 : memref<640xf32, #tpu.memory_space<hbm>>) target_semaphore(%run_scoped3A : memref<!tpu.dma_semaphore, #tpu.memory_space<semaphore_mem>>)
      %dma_wait3A = tpu.memref_slice %arg6[%arg0, %mul3A_113] : memref<2x10240xf32, #tpu.memory_space<hbm>> -> memref<1x640xf32, #tpu.memory_space<hbm>>
      %dma_wait3A_117 = tpu.memref_squeeze %dma_wait3A : memref<1x640xf32, #tpu.memory_space<hbm>> -> memref<640xf32, #tpu.memory_space<hbm>>
      %dma_wait3A_118 = tpu.memref_slice %arg6[%arg0, %mul3A_113] : memref<2x10240xf32, #tpu.memory_space<hbm>> -> memref<1x640xf32, #tpu.memory_space<hbm>>
      %dma_wait3A_119 = tpu.memref_squeeze %dma_wait3A_118 : memref<1x640xf32, #tpu.memory_space<hbm>> -> memref<640xf32, #tpu.memory_space<hbm>>
      tpu.wait_dma2 semaphore(%run_scoped3A : memref<!tpu.dma_semaphore, #tpu.memory_space<semaphore_mem>>) src(%arg15 : memref<640xf32, #tpu.memory_space<vmem>>) dst(%dma_wait3A_119 : memref<640xf32, #tpu.memory_space<hbm>>)
      tpu.yield
    }) : () -> ()
    return
  }
}

#map = affine_map<(d0, d1) -> (0)>
#map1 = affine_map<(d0, d1) -> (0, 0)>
#map2 = affine_map<(d0, d1) -> (0, 0, 0)>
module attributes {stable_mosaic.version = 14 : i64} {
  func.func @body(%arg0: i32, %arg1: i32, %arg2: memref<321536xi32, #tpu.memory_space<hbm>>, %arg3: memref<321536xi32, #tpu.memory_space<hbm>>, %arg4: memref<10000x128xf32, #tpu.memory_space<hbm>>, %arg5: memref<2x10240x128xf32, #tpu.memory_space<hbm>>, %arg6: memref<64xi32, #tpu.memory_space<vmem>>, %arg7: memref<64xi32, #tpu.memory_space<vmem>>, %arg8: memref<64x128xf32, #tpu.memory_space<vmem>>, %arg9: memref<10240x128xf32, #tpu.memory_space<vmem_shared>>, %arg10: memref<!tpu.dma_semaphore, #tpu.memory_space<semaphore_mem>>, %arg11: memref<!tpu.dma_semaphore, #tpu.memory_space<semaphore_mem>>, %arg12: memref<!tpu.dma_semaphore, #tpu.memory_space<semaphore_mem>>) attributes {dimension_semantics = [#tpu.dimension_semantics<core_parallel>, #tpu.dimension_semantics<subcore_parallel>], iteration_bounds = array<i64: 2, 16>, scalar_prefetch = 0 : i64, scratch_operands = 7 : i64, tpu.core_type = #tpu.core_type<sc_vector_subcore>, window_params = [{transform_indices = #map}, {transform_indices = #map}, {transform_indices = #map1}, {transform_indices = #map2}]} {
    %mul3A = arith.constant 2 : i32
    %mul3A_0 = arith.muli %arg1, %mul3A : i32
    %add3A = arith.addi %mul3A_0, %arg0 : i32
    %broadcast_in_dim3A = arith.constant 0.000000e+00 : f32
    %broadcast_in_dim3A_1 = vector.broadcast %broadcast_in_dim3A : f32 to vector<16xf32>
    %mul3A_2 = arith.constant 10048 : i32
    %mul3A_3 = arith.muli %add3A, %mul3A_2 : i32
    %scan3A = arith.constant 0 : i32
    %scan3A_4 = arith.constant 0 : i32
    %scan3A_5 = arith.constant 512 : i32
    %scan3A_6 = arith.addi %scan3A_4, %scan3A_5 : i32
    %scan3A_7 = arith.constant 1 : i32
    scf.for %scan3A_96 = %scan3A_4 to %scan3A_6 step %scan3A_7  : i32 {
      %jit3A = arith.constant 8 : i32
      %div3A = arith.divsi %scan3A_96, %jit3A : i32
      %sign3A = arith.constant 0 : i32
      %sign3A_97 = arith.cmpi sgt, %scan3A_96, %sign3A : i32
      %sign3A_98 = arith.extui %sign3A_97 : i1 to i32
      %sign3A_99 = arith.constant 0 : i32
      %sign3A_100 = arith.cmpi slt, %scan3A_96, %sign3A_99 : i32
      %sign3A_101 = arith.extui %sign3A_100 : i1 to i32
      %sign3A_102 = arith.subi %sign3A_98, %sign3A_101 : i32
      %sign3A_103 = arith.constant 0 : i32
      %sign3A_104 = arith.cmpi sgt, %jit3A, %sign3A_103 : i32
      %sign3A_105 = arith.extui %sign3A_104 : i1 to i32
      %sign3A_106 = arith.constant 0 : i32
      %sign3A_107 = arith.cmpi slt, %jit3A, %sign3A_106 : i32
      %sign3A_108 = arith.extui %sign3A_107 : i1 to i32
      %sign3A_109 = arith.subi %sign3A_105, %sign3A_108 : i32
      %ne3A = arith.cmpi ne, %sign3A_102, %sign3A_109 : i32
      %rem3A = arith.remsi %scan3A_96, %jit3A : i32
      %ne3A_110 = arith.constant 0 : i32
      %ne3A_111 = arith.cmpi ne, %rem3A, %ne3A_110 : i32
      %and3A = arith.andi %ne3A, %ne3A_111 : i1
      %sub3A = arith.constant 1 : i32
      %sub3A_112 = arith.subi %div3A, %sub3A : i32
      %select_n3A = arith.select %and3A, %sub3A_112, %div3A : i32
      %jit3A_113 = arith.constant 8 : i32
      %eq3A = arith.constant 0 : i32
      %eq3A_114 = arith.cmpi eq, %jit3A_113, %eq3A : i32
      %jit3A_115 = arith.constant 1 : i32
      %select_n3A_116 = arith.select %eq3A_114, %jit3A_115, %jit3A_113 : i32
      %rem3A_117 = arith.remsi %scan3A_96, %select_n3A_116 : i32
      %ne3A_118 = arith.constant 0 : i32
      %ne3A_119 = arith.cmpi ne, %rem3A_117, %ne3A_118 : i32
      %lt3A = arith.constant 0 : i32
      %lt3A_120 = arith.cmpi slt, %rem3A_117, %lt3A : i32
      %lt3A_121 = arith.constant 0 : i32
      %lt3A_122 = arith.cmpi slt, %select_n3A_116, %lt3A_121 : i32
      %ne3A_123 = arith.xori %lt3A_120, %lt3A_122 : i1
      %and3A_124 = arith.andi %ne3A_123, %ne3A_119 : i1
      %add3A_125 = arith.addi %rem3A_117, %select_n3A_116 : i32
      %select_n3A_126 = arith.select %and3A_124, %add3A_125, %rem3A_117 : i32
      %mul3A_127 = arith.constant 16 : i32
      %mul3A_128 = arith.muli %select_n3A_126, %mul3A_127 : i32
      %swap3A = arith.index_cast %select_n3A : i32 to index
      %swap3A_129 = arith.index_cast %mul3A_128 : i32 to index
      %swap3A_130 = tpu.vector_load %arg8[%swap3A, %swap3A_129] {strides = array<i32>} : memref<64x128xf32, #tpu.memory_space<vmem>>, vector<1x16xf32>,
      %swap3A_131 = vector.shape_cast %swap3A_130 : vector<1x16xf32> to vector<16xf32>
      %swap3A_132 = vector.shape_cast %broadcast_in_dim3A_1 : vector<16xf32> to vector<1x16xf32>
      tpu.vector_store %arg8[%swap3A, %swap3A_129], %swap3A_132 {strides = array<i32>} : memref<64x128xf32, #tpu.memory_space<vmem>>, vector<1x16xf32>,
    }
    %scan3A_8 = arith.constant 512 : i32
    %mul3A_9 = arith.constant 640 : i32
    %mul3A_10 = arith.muli %arg1, %mul3A_9 : i32
    %add3A_11 = arith.constant 0 : i32
    %add3A_12 = arith.addi %mul3A_10, %add3A_11 : i32
    "tpu.region"() ({
      %run_scoped3A = tpu.sem_alloc : memref<!tpu.dma_semaphore, #tpu.memory_space<semaphore_mem>>
      %dma_start3A = arith.constant 0 : i32
      %dma_start3A_96 = tpu.memref_slice %arg9[%add3A_12, %dma_start3A] : memref<10240x128xf32, #tpu.memory_space<vmem_shared>> -> memref<64x128xf32, #tpu.memory_space<vmem_shared>>
      %dma_start3A_97 = arith.constant 0 : i32
      %dma_start3A_98 = tpu.memref_slice %arg9[%add3A_12, %dma_start3A_97] : memref<10240x128xf32, #tpu.memory_space<vmem_shared>> -> memref<64x128xf32, #tpu.memory_space<vmem_shared>>
      tpu.enqueue_dma source(%arg8 : memref<64x128xf32, #tpu.memory_space<vmem>>) target(%dma_start3A_98 : memref<64x128xf32, #tpu.memory_space<vmem_shared>>) target_semaphore(%run_scoped3A : memref<!tpu.dma_semaphore, #tpu.memory_space<semaphore_mem>>)
      %dma_wait3A = arith.constant 0 : i32
      %dma_wait3A_99 = tpu.memref_slice %arg9[%add3A_12, %dma_wait3A] : memref<10240x128xf32, #tpu.memory_space<vmem_shared>> -> memref<64x128xf32, #tpu.memory_space<vmem_shared>>
      %dma_wait3A_100 = arith.constant 0 : i32
      %dma_wait3A_101 = tpu.memref_slice %arg9[%add3A_12, %dma_wait3A_100] : memref<10240x128xf32, #tpu.memory_space<vmem_shared>> -> memref<64x128xf32, #tpu.memory_space<vmem_shared>>
      tpu.wait_dma2 semaphore(%run_scoped3A : memref<!tpu.dma_semaphore, #tpu.memory_space<semaphore_mem>>) src(%arg8 : memref<64x128xf32, #tpu.memory_space<vmem>>) dst(%dma_wait3A_101 : memref<64x128xf32, #tpu.memory_space<vmem_shared>>)
      tpu.yield
    }) : () -> ()
    %mul3A_13 = arith.constant 640 : i32
    %mul3A_14 = arith.muli %arg1, %mul3A_13 : i32
    %add3A_15 = arith.constant 64 : i32
    %add3A_16 = arith.addi %mul3A_14, %add3A_15 : i32
    "tpu.region"() ({
      %run_scoped3A = tpu.sem_alloc : memref<!tpu.dma_semaphore, #tpu.memory_space<semaphore_mem>>
      %dma_start3A = arith.constant 0 : i32
      %dma_start3A_96 = tpu.memref_slice %arg9[%add3A_16, %dma_start3A] : memref<10240x128xf32, #tpu.memory_space<vmem_shared>> -> memref<64x128xf32, #tpu.memory_space<vmem_shared>>
      %dma_start3A_97 = arith.constant 0 : i32
      %dma_start3A_98 = tpu.memref_slice %arg9[%add3A_16, %dma_start3A_97] : memref<10240x128xf32, #tpu.memory_space<vmem_shared>> -> memref<64x128xf32, #tpu.memory_space<vmem_shared>>
      tpu.enqueue_dma source(%arg8 : memref<64x128xf32, #tpu.memory_space<vmem>>) target(%dma_start3A_98 : memref<64x128xf32, #tpu.memory_space<vmem_shared>>) target_semaphore(%run_scoped3A : memref<!tpu.dma_semaphore, #tpu.memory_space<semaphore_mem>>)
      %dma_wait3A = arith.constant 0 : i32
      %dma_wait3A_99 = tpu.memref_slice %arg9[%add3A_16, %dma_wait3A] : memref<10240x128xf32, #tpu.memory_space<vmem_shared>> -> memref<64x128xf32, #tpu.memory_space<vmem_shared>>
      %dma_wait3A_100 = arith.constant 0 : i32
      %dma_wait3A_101 = tpu.memref_slice %arg9[%add3A_16, %dma_wait3A_100] : memref<10240x128xf32, #tpu.memory_space<vmem_shared>> -> memref<64x128xf32, #tpu.memory_space<vmem_shared>>
      tpu.wait_dma2 semaphore(%run_scoped3A : memref<!tpu.dma_semaphore, #tpu.memory_space<semaphore_mem>>) src(%arg8 : memref<64x128xf32, #tpu.memory_space<vmem>>) dst(%dma_wait3A_101 : memref<64x128xf32, #tpu.memory_space<vmem_shared>>)
      tpu.yield
    }) : () -> ()
    %mul3A_17 = arith.constant 640 : i32
    %mul3A_18 = arith.muli %arg1, %mul3A_17 : i32
    %add3A_19 = arith.constant 128 : i32
    %add3A_20 = arith.addi %mul3A_18, %add3A_19 : i32
    "tpu.region"() ({
      %run_scoped3A = tpu.sem_alloc : memref<!tpu.dma_semaphore, #tpu.memory_space<semaphore_mem>>
      %dma_start3A = arith.constant 0 : i32
      %dma_start3A_96 = tpu.memref_slice %arg9[%add3A_20, %dma_start3A] : memref<10240x128xf32, #tpu.memory_space<vmem_shared>> -> memref<64x128xf32, #tpu.memory_space<vmem_shared>>
      %dma_start3A_97 = arith.constant 0 : i32
      %dma_start3A_98 = tpu.memref_slice %arg9[%add3A_20, %dma_start3A_97] : memref<10240x128xf32, #tpu.memory_space<vmem_shared>> -> memref<64x128xf32, #tpu.memory_space<vmem_shared>>
      tpu.enqueue_dma source(%arg8 : memref<64x128xf32, #tpu.memory_space<vmem>>) target(%dma_start3A_98 : memref<64x128xf32, #tpu.memory_space<vmem_shared>>) target_semaphore(%run_scoped3A : memref<!tpu.dma_semaphore, #tpu.memory_space<semaphore_mem>>)
      %dma_wait3A = arith.constant 0 : i32
      %dma_wait3A_99 = tpu.memref_slice %arg9[%add3A_20, %dma_wait3A] : memref<10240x128xf32, #tpu.memory_space<vmem_shared>> -> memref<64x128xf32, #tpu.memory_space<vmem_shared>>
      %dma_wait3A_100 = arith.constant 0 : i32
      %dma_wait3A_101 = tpu.memref_slice %arg9[%add3A_20, %dma_wait3A_100] : memref<10240x128xf32, #tpu.memory_space<vmem_shared>> -> memref<64x128xf32, #tpu.memory_space<vmem_shared>>
      tpu.wait_dma2 semaphore(%run_scoped3A : memref<!tpu.dma_semaphore, #tpu.memory_space<semaphore_mem>>) src(%arg8 : memref<64x128xf32, #tpu.memory_space<vmem>>) dst(%dma_wait3A_101 : memref<64x128xf32, #tpu.memory_space<vmem_shared>>)
      tpu.yield
    }) : () -> ()
    %mul3A_21 = arith.constant 640 : i32
    %mul3A_22 = arith.muli %arg1, %mul3A_21 : i32
    %add3A_23 = arith.constant 192 : i32
    %add3A_24 = arith.addi %mul3A_22, %add3A_23 : i32
    "tpu.region"() ({
      %run_scoped3A = tpu.sem_alloc : memref<!tpu.dma_semaphore, #tpu.memory_space<semaphore_mem>>
      %dma_start3A = arith.constant 0 : i32
      %dma_start3A_96 = tpu.memref_slice %arg9[%add3A_24, %dma_start3A] : memref<10240x128xf32, #tpu.memory_space<vmem_shared>> -> memref<64x128xf32, #tpu.memory_space<vmem_shared>>
      %dma_start3A_97 = arith.constant 0 : i32
      %dma_start3A_98 = tpu.memref_slice %arg9[%add3A_24, %dma_start3A_97] : memref<10240x128xf32, #tpu.memory_space<vmem_shared>> -> memref<64x128xf32, #tpu.memory_space<vmem_shared>>
      tpu.enqueue_dma source(%arg8 : memref<64x128xf32, #tpu.memory_space<vmem>>) target(%dma_start3A_98 : memref<64x128xf32, #tpu.memory_space<vmem_shared>>) target_semaphore(%run_scoped3A : memref<!tpu.dma_semaphore, #tpu.memory_space<semaphore_mem>>)
      %dma_wait3A = arith.constant 0 : i32
      %dma_wait3A_99 = tpu.memref_slice %arg9[%add3A_24, %dma_wait3A] : memref<10240x128xf32, #tpu.memory_space<vmem_shared>> -> memref<64x128xf32, #tpu.memory_space<vmem_shared>>
      %dma_wait3A_100 = arith.constant 0 : i32
      %dma_wait3A_101 = tpu.memref_slice %arg9[%add3A_24, %dma_wait3A_100] : memref<10240x128xf32, #tpu.memory_space<vmem_shared>> -> memref<64x128xf32, #tpu.memory_space<vmem_shared>>
      tpu.wait_dma2 semaphore(%run_scoped3A : memref<!tpu.dma_semaphore, #tpu.memory_space<semaphore_mem>>) src(%arg8 : memref<64x128xf32, #tpu.memory_space<vmem>>) dst(%dma_wait3A_101 : memref<64x128xf32, #tpu.memory_space<vmem_shared>>)
      tpu.yield
    }) : () -> ()
    %mul3A_25 = arith.constant 640 : i32
    %mul3A_26 = arith.muli %arg1, %mul3A_25 : i32
    %add3A_27 = arith.constant 256 : i32
    %add3A_28 = arith.addi %mul3A_26, %add3A_27 : i32
    "tpu.region"() ({
      %run_scoped3A = tpu.sem_alloc : memref<!tpu.dma_semaphore, #tpu.memory_space<semaphore_mem>>
      %dma_start3A = arith.constant 0 : i32
      %dma_start3A_96 = tpu.memref_slice %arg9[%add3A_28, %dma_start3A] : memref<10240x128xf32, #tpu.memory_space<vmem_shared>> -> memref<64x128xf32, #tpu.memory_space<vmem_shared>>
      %dma_start3A_97 = arith.constant 0 : i32
      %dma_start3A_98 = tpu.memref_slice %arg9[%add3A_28, %dma_start3A_97] : memref<10240x128xf32, #tpu.memory_space<vmem_shared>> -> memref<64x128xf32, #tpu.memory_space<vmem_shared>>
      tpu.enqueue_dma source(%arg8 : memref<64x128xf32, #tpu.memory_space<vmem>>) target(%dma_start3A_98 : memref<64x128xf32, #tpu.memory_space<vmem_shared>>) target_semaphore(%run_scoped3A : memref<!tpu.dma_semaphore, #tpu.memory_space<semaphore_mem>>)
      %dma_wait3A = arith.constant 0 : i32
      %dma_wait3A_99 = tpu.memref_slice %arg9[%add3A_28, %dma_wait3A] : memref<10240x128xf32, #tpu.memory_space<vmem_shared>> -> memref<64x128xf32, #tpu.memory_space<vmem_shared>>
      %dma_wait3A_100 = arith.constant 0 : i32
      %dma_wait3A_101 = tpu.memref_slice %arg9[%add3A_28, %dma_wait3A_100] : memref<10240x128xf32, #tpu.memory_space<vmem_shared>> -> memref<64x128xf32, #tpu.memory_space<vmem_shared>>
      tpu.wait_dma2 semaphore(%run_scoped3A : memref<!tpu.dma_semaphore, #tpu.memory_space<semaphore_mem>>) src(%arg8 : memref<64x128xf32, #tpu.memory_space<vmem>>) dst(%dma_wait3A_101 : memref<64x128xf32, #tpu.memory_space<vmem_shared>>)
      tpu.yield
    }) : () -> ()
    %mul3A_29 = arith.constant 640 : i32
    %mul3A_30 = arith.muli %arg1, %mul3A_29 : i32
    %add3A_31 = arith.constant 320 : i32
    %add3A_32 = arith.addi %mul3A_30, %add3A_31 : i32
    "tpu.region"() ({
      %run_scoped3A = tpu.sem_alloc : memref<!tpu.dma_semaphore, #tpu.memory_space<semaphore_mem>>
      %dma_start3A = arith.constant 0 : i32
      %dma_start3A_96 = tpu.memref_slice %arg9[%add3A_32, %dma_start3A] : memref<10240x128xf32, #tpu.memory_space<vmem_shared>> -> memref<64x128xf32, #tpu.memory_space<vmem_shared>>
      %dma_start3A_97 = arith.constant 0 : i32
      %dma_start3A_98 = tpu.memref_slice %arg9[%add3A_32, %dma_start3A_97] : memref<10240x128xf32, #tpu.memory_space<vmem_shared>> -> memref<64x128xf32, #tpu.memory_space<vmem_shared>>
      tpu.enqueue_dma source(%arg8 : memref<64x128xf32, #tpu.memory_space<vmem>>) target(%dma_start3A_98 : memref<64x128xf32, #tpu.memory_space<vmem_shared>>) target_semaphore(%run_scoped3A : memref<!tpu.dma_semaphore, #tpu.memory_space<semaphore_mem>>)
      %dma_wait3A = arith.constant 0 : i32
      %dma_wait3A_99 = tpu.memref_slice %arg9[%add3A_32, %dma_wait3A] : memref<10240x128xf32, #tpu.memory_space<vmem_shared>> -> memref<64x128xf32, #tpu.memory_space<vmem_shared>>
      %dma_wait3A_100 = arith.constant 0 : i32
      %dma_wait3A_101 = tpu.memref_slice %arg9[%add3A_32, %dma_wait3A_100] : memref<10240x128xf32, #tpu.memory_space<vmem_shared>> -> memref<64x128xf32, #tpu.memory_space<vmem_shared>>
      tpu.wait_dma2 semaphore(%run_scoped3A : memref<!tpu.dma_semaphore, #tpu.memory_space<semaphore_mem>>) src(%arg8 : memref<64x128xf32, #tpu.memory_space<vmem>>) dst(%dma_wait3A_101 : memref<64x128xf32, #tpu.memory_space<vmem_shared>>)
      tpu.yield
    }) : () -> ()
    %mul3A_33 = arith.constant 640 : i32
    %mul3A_34 = arith.muli %arg1, %mul3A_33 : i32
    %add3A_35 = arith.constant 384 : i32
    %add3A_36 = arith.addi %mul3A_34, %add3A_35 : i32
    "tpu.region"() ({
      %run_scoped3A = tpu.sem_alloc : memref<!tpu.dma_semaphore, #tpu.memory_space<semaphore_mem>>
      %dma_start3A = arith.constant 0 : i32
      %dma_start3A_96 = tpu.memref_slice %arg9[%add3A_36, %dma_start3A] : memref<10240x128xf32, #tpu.memory_space<vmem_shared>> -> memref<64x128xf32, #tpu.memory_space<vmem_shared>>
      %dma_start3A_97 = arith.constant 0 : i32
      %dma_start3A_98 = tpu.memref_slice %arg9[%add3A_36, %dma_start3A_97] : memref<10240x128xf32, #tpu.memory_space<vmem_shared>> -> memref<64x128xf32, #tpu.memory_space<vmem_shared>>
      tpu.enqueue_dma source(%arg8 : memref<64x128xf32, #tpu.memory_space<vmem>>) target(%dma_start3A_98 : memref<64x128xf32, #tpu.memory_space<vmem_shared>>) target_semaphore(%run_scoped3A : memref<!tpu.dma_semaphore, #tpu.memory_space<semaphore_mem>>)
      %dma_wait3A = arith.constant 0 : i32
      %dma_wait3A_99 = tpu.memref_slice %arg9[%add3A_36, %dma_wait3A] : memref<10240x128xf32, #tpu.memory_space<vmem_shared>> -> memref<64x128xf32, #tpu.memory_space<vmem_shared>>
      %dma_wait3A_100 = arith.constant 0 : i32
      %dma_wait3A_101 = tpu.memref_slice %arg9[%add3A_36, %dma_wait3A_100] : memref<10240x128xf32, #tpu.memory_space<vmem_shared>> -> memref<64x128xf32, #tpu.memory_space<vmem_shared>>
      tpu.wait_dma2 semaphore(%run_scoped3A : memref<!tpu.dma_semaphore, #tpu.memory_space<semaphore_mem>>) src(%arg8 : memref<64x128xf32, #tpu.memory_space<vmem>>) dst(%dma_wait3A_101 : memref<64x128xf32, #tpu.memory_space<vmem_shared>>)
      tpu.yield
    }) : () -> ()
    %mul3A_37 = arith.constant 640 : i32
    %mul3A_38 = arith.muli %arg1, %mul3A_37 : i32
    %add3A_39 = arith.constant 448 : i32
    %add3A_40 = arith.addi %mul3A_38, %add3A_39 : i32
    "tpu.region"() ({
      %run_scoped3A = tpu.sem_alloc : memref<!tpu.dma_semaphore, #tpu.memory_space<semaphore_mem>>
      %dma_start3A = arith.constant 0 : i32
      %dma_start3A_96 = tpu.memref_slice %arg9[%add3A_40, %dma_start3A] : memref<10240x128xf32, #tpu.memory_space<vmem_shared>> -> memref<64x128xf32, #tpu.memory_space<vmem_shared>>
      %dma_start3A_97 = arith.constant 0 : i32
      %dma_start3A_98 = tpu.memref_slice %arg9[%add3A_40, %dma_start3A_97] : memref<10240x128xf32, #tpu.memory_space<vmem_shared>> -> memref<64x128xf32, #tpu.memory_space<vmem_shared>>
      tpu.enqueue_dma source(%arg8 : memref<64x128xf32, #tpu.memory_space<vmem>>) target(%dma_start3A_98 : memref<64x128xf32, #tpu.memory_space<vmem_shared>>) target_semaphore(%run_scoped3A : memref<!tpu.dma_semaphore, #tpu.memory_space<semaphore_mem>>)
      %dma_wait3A = arith.constant 0 : i32
      %dma_wait3A_99 = tpu.memref_slice %arg9[%add3A_40, %dma_wait3A] : memref<10240x128xf32, #tpu.memory_space<vmem_shared>> -> memref<64x128xf32, #tpu.memory_space<vmem_shared>>
      %dma_wait3A_100 = arith.constant 0 : i32
      %dma_wait3A_101 = tpu.memref_slice %arg9[%add3A_40, %dma_wait3A_100] : memref<10240x128xf32, #tpu.memory_space<vmem_shared>> -> memref<64x128xf32, #tpu.memory_space<vmem_shared>>
      tpu.wait_dma2 semaphore(%run_scoped3A : memref<!tpu.dma_semaphore, #tpu.memory_space<semaphore_mem>>) src(%arg8 : memref<64x128xf32, #tpu.memory_space<vmem>>) dst(%dma_wait3A_101 : memref<64x128xf32, #tpu.memory_space<vmem_shared>>)
      tpu.yield
    }) : () -> ()
    %mul3A_41 = arith.constant 640 : i32
    %mul3A_42 = arith.muli %arg1, %mul3A_41 : i32
    %add3A_43 = arith.constant 512 : i32
    %add3A_44 = arith.addi %mul3A_42, %add3A_43 : i32
    "tpu.region"() ({
      %run_scoped3A = tpu.sem_alloc : memref<!tpu.dma_semaphore, #tpu.memory_space<semaphore_mem>>
      %dma_start3A = arith.constant 0 : i32
      %dma_start3A_96 = tpu.memref_slice %arg9[%add3A_44, %dma_start3A] : memref<10240x128xf32, #tpu.memory_space<vmem_shared>> -> memref<64x128xf32, #tpu.memory_space<vmem_shared>>
      %dma_start3A_97 = arith.constant 0 : i32
      %dma_start3A_98 = tpu.memref_slice %arg9[%add3A_44, %dma_start3A_97] : memref<10240x128xf32, #tpu.memory_space<vmem_shared>> -> memref<64x128xf32, #tpu.memory_space<vmem_shared>>
      tpu.enqueue_dma source(%arg8 : memref<64x128xf32, #tpu.memory_space<vmem>>) target(%dma_start3A_98 : memref<64x128xf32, #tpu.memory_space<vmem_shared>>) target_semaphore(%run_scoped3A : memref<!tpu.dma_semaphore, #tpu.memory_space<semaphore_mem>>)
      %dma_wait3A = arith.constant 0 : i32
      %dma_wait3A_99 = tpu.memref_slice %arg9[%add3A_44, %dma_wait3A] : memref<10240x128xf32, #tpu.memory_space<vmem_shared>> -> memref<64x128xf32, #tpu.memory_space<vmem_shared>>
      %dma_wait3A_100 = arith.constant 0 : i32
      %dma_wait3A_101 = tpu.memref_slice %arg9[%add3A_44, %dma_wait3A_100] : memref<10240x128xf32, #tpu.memory_space<vmem_shared>> -> memref<64x128xf32, #tpu.memory_space<vmem_shared>>
      tpu.wait_dma2 semaphore(%run_scoped3A : memref<!tpu.dma_semaphore, #tpu.memory_space<semaphore_mem>>) src(%arg8 : memref<64x128xf32, #tpu.memory_space<vmem>>) dst(%dma_wait3A_101 : memref<64x128xf32, #tpu.memory_space<vmem_shared>>)
      tpu.yield
    }) : () -> ()
    %mul3A_45 = arith.constant 640 : i32
    %mul3A_46 = arith.muli %arg1, %mul3A_45 : i32
    %add3A_47 = arith.constant 576 : i32
    %add3A_48 = arith.addi %mul3A_46, %add3A_47 : i32
    "tpu.region"() ({
      %run_scoped3A = tpu.sem_alloc : memref<!tpu.dma_semaphore, #tpu.memory_space<semaphore_mem>>
      %dma_start3A = arith.constant 0 : i32
      %dma_start3A_96 = tpu.memref_slice %arg9[%add3A_48, %dma_start3A] : memref<10240x128xf32, #tpu.memory_space<vmem_shared>> -> memref<64x128xf32, #tpu.memory_space<vmem_shared>>
      %dma_start3A_97 = arith.constant 0 : i32
      %dma_start3A_98 = tpu.memref_slice %arg9[%add3A_48, %dma_start3A_97] : memref<10240x128xf32, #tpu.memory_space<vmem_shared>> -> memref<64x128xf32, #tpu.memory_space<vmem_shared>>
      tpu.enqueue_dma source(%arg8 : memref<64x128xf32, #tpu.memory_space<vmem>>) target(%dma_start3A_98 : memref<64x128xf32, #tpu.memory_space<vmem_shared>>) target_semaphore(%run_scoped3A : memref<!tpu.dma_semaphore, #tpu.memory_space<semaphore_mem>>)
      %dma_wait3A = arith.constant 0 : i32
      %dma_wait3A_99 = tpu.memref_slice %arg9[%add3A_48, %dma_wait3A] : memref<10240x128xf32, #tpu.memory_space<vmem_shared>> -> memref<64x128xf32, #tpu.memory_space<vmem_shared>>
      %dma_wait3A_100 = arith.constant 0 : i32
      %dma_wait3A_101 = tpu.memref_slice %arg9[%add3A_48, %dma_wait3A_100] : memref<10240x128xf32, #tpu.memory_space<vmem_shared>> -> memref<64x128xf32, #tpu.memory_space<vmem_shared>>
      tpu.wait_dma2 semaphore(%run_scoped3A : memref<!tpu.dma_semaphore, #tpu.memory_space<semaphore_mem>>) src(%arg8 : memref<64x128xf32, #tpu.memory_space<vmem>>) dst(%dma_wait3A_101 : memref<64x128xf32, #tpu.memory_space<vmem_shared>>)
      tpu.yield
    }) : () -> ()
    %barrier3A = arith.constant 0 : index
    tpu.barrier barrier_id(%barrier3A)
    %scan3A_49 = arith.constant 0 : i32
    %scan3A_50 = arith.constant 0 : i32
    %scan3A_51 = arith.constant 157 : i32
    %scan3A_52 = arith.addi %scan3A_50, %scan3A_51 : i32
    %scan3A_53 = arith.constant 1 : i32
    scf.for %scan3A_96 = %scan3A_50 to %scan3A_52 step %scan3A_53  : i32 {
      %mul3A_97 = arith.constant 1 : i32
      %mul3A_98 = arith.muli %scan3A_96, %mul3A_97 : i32
      %add3A_99 = arith.constant 0 : i32
      %add3A_100 = arith.addi %mul3A_98, %add3A_99 : i32
      %mul3A_101 = arith.constant 64 : i32
      %mul3A_102 = arith.muli %add3A_100, %mul3A_101 : i32
      %add3A_103 = arith.addi %mul3A_3, %mul3A_102 : i32
      %dma_start3A = tpu.memref_slice %arg2[%add3A_103] : memref<321536xi32, #tpu.memory_space<hbm>> -> memref<64xi32, #tpu.memory_space<hbm>>
      %dma_start3A_104 = tpu.memref_slice %arg2[%add3A_103] : memref<321536xi32, #tpu.memory_space<hbm>> -> memref<64xi32, #tpu.memory_space<hbm>>
      tpu.enqueue_dma source(%dma_start3A_104 : memref<64xi32, #tpu.memory_space<hbm>>) target(%arg6 : memref<64xi32, #tpu.memory_space<vmem>>) target_semaphore(%arg10 : memref<!tpu.dma_semaphore, #tpu.memory_space<semaphore_mem>>)
      %dma_start3A_105 = tpu.memref_slice %arg3[%add3A_103] : memref<321536xi32, #tpu.memory_space<hbm>> -> memref<64xi32, #tpu.memory_space<hbm>>
      %dma_start3A_106 = tpu.memref_slice %arg3[%add3A_103] : memref<321536xi32, #tpu.memory_space<hbm>> -> memref<64xi32, #tpu.memory_space<hbm>>
      tpu.enqueue_dma source(%dma_start3A_106 : memref<64xi32, #tpu.memory_space<hbm>>) target(%arg7 : memref<64xi32, #tpu.memory_space<vmem>>) target_semaphore(%arg11 : memref<!tpu.dma_semaphore, #tpu.memory_space<semaphore_mem>>)
      %dma_wait3A = tpu.memref_slice %arg2[%add3A_103] : memref<321536xi32, #tpu.memory_space<hbm>> -> memref<64xi32, #tpu.memory_space<hbm>>
      %dma_wait3A_107 = tpu.memref_slice %arg2[%add3A_103] : memref<321536xi32, #tpu.memory_space<hbm>> -> memref<64xi32, #tpu.memory_space<hbm>>
      tpu.wait_dma2 semaphore(%arg10 : memref<!tpu.dma_semaphore, #tpu.memory_space<semaphore_mem>>) src(%dma_wait3A_107 : memref<64xi32, #tpu.memory_space<hbm>>) dst(%arg6 : memref<64xi32, #tpu.memory_space<vmem>>)
      %dma_start3A_108 = arith.constant 0 : i32
      %dma_start3A_109 = arith.constant 0 : i32
      %dma_start3A_110 = tpu.memref_slice %arg4[%dma_start3A_108, %dma_start3A_109] : memref<10000x128xf32, #tpu.memory_space<hbm>> -> memref<10000x128xf32, #tpu.memory_space<hbm>>
      tpu.enqueue_indirect_dma source(%dma_start3A_110 : memref<10000x128xf32, #tpu.memory_space<hbm>>) target(%arg8 : memref<64x128xf32, #tpu.memory_space<vmem>>) offsets(%arg6 : memref<64xi32, #tpu.memory_space<vmem>>) semaphore(%arg12 : memref<!tpu.dma_semaphore, #tpu.memory_space<semaphore_mem>>)
      %dma_wait3A_111 = arith.constant 0 : i32
      %dma_wait3A_112 = arith.constant 0 : i32
      %dma_wait3A_113 = tpu.memref_slice %arg4[%dma_wait3A_111, %dma_wait3A_112] : memref<10000x128xf32, #tpu.memory_space<hbm>> -> memref<10000x128xf32, #tpu.memory_space<hbm>>
      tpu.wait_indirect_dma semaphore(%arg12 : memref<!tpu.dma_semaphore, #tpu.memory_space<semaphore_mem>>) src(%dma_wait3A_113 : memref<10000x128xf32, #tpu.memory_space<hbm>>) dst(%arg8 : memref<64x128xf32, #tpu.memory_space<vmem>>)
      %dma_wait3A_114 = tpu.memref_slice %arg3[%add3A_103] : memref<321536xi32, #tpu.memory_space<hbm>> -> memref<64xi32, #tpu.memory_space<hbm>>
      %dma_wait3A_115 = tpu.memref_slice %arg3[%add3A_103] : memref<321536xi32, #tpu.memory_space<hbm>> -> memref<64xi32, #tpu.memory_space<hbm>>
      tpu.wait_dma2 semaphore(%arg11 : memref<!tpu.dma_semaphore, #tpu.memory_space<semaphore_mem>>) src(%dma_wait3A_115 : memref<64xi32, #tpu.memory_space<hbm>>) dst(%arg7 : memref<64xi32, #tpu.memory_space<vmem>>)
      "tpu.region"() ({
        %run_scoped3A = tpu.sem_alloc : memref<!tpu.dma_semaphore, #tpu.memory_space<semaphore_mem>>
        %dma_start3A_116 = arith.constant 0 : i32
        %dma_start3A_117 = arith.constant 0 : i32
        %dma_start3A_118 = tpu.memref_slice %arg9[%dma_start3A_116, %dma_start3A_117] : memref<10240x128xf32, #tpu.memory_space<vmem_shared>> -> memref<10240x128xf32, #tpu.memory_space<vmem_shared>>
        tpu.enqueue_indirect_dma source(%arg8 : memref<64x128xf32, #tpu.memory_space<vmem>>) target(%dma_start3A_118 : memref<10240x128xf32, #tpu.memory_space<vmem_shared>>) offsets(%arg7 : memref<64xi32, #tpu.memory_space<vmem>>) semaphore(%run_scoped3A : memref<!tpu.dma_semaphore, #tpu.memory_space<semaphore_mem>>) {add = true}
        %dma_wait3A_119 = arith.constant 0 : i32
        %dma_wait3A_120 = arith.constant 0 : i32
        %dma_wait3A_121 = tpu.memref_slice %arg9[%dma_wait3A_119, %dma_wait3A_120] : memref<10240x128xf32, #tpu.memory_space<vmem_shared>> -> memref<10240x128xf32, #tpu.memory_space<vmem_shared>>
        tpu.wait_indirect_dma semaphore(%run_scoped3A : memref<!tpu.dma_semaphore, #tpu.memory_space<semaphore_mem>>) src(%arg8 : memref<64x128xf32, #tpu.memory_space<vmem>>) dst(%dma_wait3A_121 : memref<10240x128xf32, #tpu.memory_space<vmem_shared>>)
        tpu.yield
      }) : () -> ()
    }
    %scan3A_54 = arith.constant 157 : i32
    %barrier3A_55 = arith.constant 0 : index
    tpu.barrier barrier_id(%barrier3A_55)
    %mul3A_56 = arith.constant 640 : i32
    %mul3A_57 = arith.muli %arg1, %mul3A_56 : i32
    %add3A_58 = arith.constant 0 : i32
    %add3A_59 = arith.addi %mul3A_57, %add3A_58 : i32
    "tpu.region"() ({
      %run_scoped3A = tpu.sem_alloc : memref<!tpu.dma_semaphore, #tpu.memory_space<semaphore_mem>>
      %dma_start3A = arith.constant 0 : i32
      %dma_start3A_96 = tpu.memref_slice %arg9[%add3A_59, %dma_start3A] : memref<10240x128xf32, #tpu.memory_space<vmem_shared>> -> memref<64x128xf32, #tpu.memory_space<vmem_shared>>
      %dma_start3A_97 = arith.constant 0 : i32
      %dma_start3A_98 = tpu.memref_slice %arg9[%add3A_59, %dma_start3A_97] : memref<10240x128xf32, #tpu.memory_space<vmem_shared>> -> memref<64x128xf32, #tpu.memory_space<vmem_shared>>
      tpu.enqueue_dma source(%dma_start3A_98 : memref<64x128xf32, #tpu.memory_space<vmem_shared>>) target(%arg8 : memref<64x128xf32, #tpu.memory_space<vmem>>) target_semaphore(%run_scoped3A : memref<!tpu.dma_semaphore, #tpu.memory_space<semaphore_mem>>)
      %dma_wait3A = arith.constant 0 : i32
      %dma_wait3A_99 = tpu.memref_slice %arg9[%add3A_59, %dma_wait3A] : memref<10240x128xf32, #tpu.memory_space<vmem_shared>> -> memref<64x128xf32, #tpu.memory_space<vmem_shared>>
      %dma_wait3A_100 = arith.constant 0 : i32
      %dma_wait3A_101 = tpu.memref_slice %arg9[%add3A_59, %dma_wait3A_100] : memref<10240x128xf32, #tpu.memory_space<vmem_shared>> -> memref<64x128xf32, #tpu.memory_space<vmem_shared>>
      tpu.wait_dma2 semaphore(%run_scoped3A : memref<!tpu.dma_semaphore, #tpu.memory_space<semaphore_mem>>) src(%dma_wait3A_101 : memref<64x128xf32, #tpu.memory_space<vmem_shared>>) dst(%arg8 : memref<64x128xf32, #tpu.memory_space<vmem>>)
      tpu.yield
    }) : () -> ()
    "tpu.region"() ({
      %run_scoped3A = tpu.sem_alloc : memref<!tpu.dma_semaphore, #tpu.memory_space<semaphore_mem>>
      %dma_start3A = arith.constant 0 : i32
      %dma_start3A_96 = tpu.memref_slice %arg5[%arg0, %add3A_59, %dma_start3A] : memref<2x10240x128xf32, #tpu.memory_space<hbm>> -> memref<1x64x128xf32, #tpu.memory_space<hbm>>
      %dma_start3A_97 = tpu.memref_squeeze %dma_start3A_96 : memref<1x64x128xf32, #tpu.memory_space<hbm>> -> memref<64x128xf32, #tpu.memory_space<hbm>>
      %dma_start3A_98 = arith.constant 0 : i32
      %dma_start3A_99 = tpu.memref_slice %arg5[%arg0, %add3A_59, %dma_start3A_98] : memref<2x10240x128xf32, #tpu.memory_space<hbm>> -> memref<1x64x128xf32, #tpu.memory_space<hbm>>
      %dma_start3A_100 = tpu.memref_squeeze %dma_start3A_99 : memref<1x64x128xf32, #tpu.memory_space<hbm>> -> memref<64x128xf32, #tpu.memory_space<hbm>>
      tpu.enqueue_dma source(%arg8 : memref<64x128xf32, #tpu.memory_space<vmem>>) target(%dma_start3A_100 : memref<64x128xf32, #tpu.memory_space<hbm>>) target_semaphore(%run_scoped3A : memref<!tpu.dma_semaphore, #tpu.memory_space<semaphore_mem>>)
      %dma_wait3A = arith.constant 0 : i32
      %dma_wait3A_101 = tpu.memref_slice %arg5[%arg0, %add3A_59, %dma_wait3A] : memref<2x10240x128xf32, #tpu.memory_space<hbm>> -> memref<1x64x128xf32, #tpu.memory_space<hbm>>
      %dma_wait3A_102 = tpu.memref_squeeze %dma_wait3A_101 : memref<1x64x128xf32, #tpu.memory_space<hbm>> -> memref<64x128xf32, #tpu.memory_space<hbm>>
      %dma_wait3A_103 = arith.constant 0 : i32
      %dma_wait3A_104 = tpu.memref_slice %arg5[%arg0, %add3A_59, %dma_wait3A_103] : memref<2x10240x128xf32, #tpu.memory_space<hbm>> -> memref<1x64x128xf32, #tpu.memory_space<hbm>>
      %dma_wait3A_105 = tpu.memref_squeeze %dma_wait3A_104 : memref<1x64x128xf32, #tpu.memory_space<hbm>> -> memref<64x128xf32, #tpu.memory_space<hbm>>
      tpu.wait_dma2 semaphore(%run_scoped3A : memref<!tpu.dma_semaphore, #tpu.memory_space<semaphore_mem>>) src(%arg8 : memref<64x128xf32, #tpu.memory_space<vmem>>) dst(%dma_wait3A_105 : memref<64x128xf32, #tpu.memory_space<hbm>>)
      tpu.yield
    }) : () -> ()
    %mul3A_60 = arith.constant 640 : i32
    %mul3A_61 = arith.muli %arg1, %mul3A_60 : i32
    %add3A_62 = arith.constant 64 : i32
    %add3A_63 = arith.addi %mul3A_61, %add3A_62 : i32
    "tpu.region"() ({
      %run_scoped3A = tpu.sem_alloc : memref<!tpu.dma_semaphore, #tpu.memory_space<semaphore_mem>>
      %dma_start3A = arith.constant 0 : i32
      %dma_start3A_96 = tpu.memref_slice %arg9[%add3A_63, %dma_start3A] : memref<10240x128xf32, #tpu.memory_space<vmem_shared>> -> memref<64x128xf32, #tpu.memory_space<vmem_shared>>
      %dma_start3A_97 = arith.constant 0 : i32
      %dma_start3A_98 = tpu.memref_slice %arg9[%add3A_63, %dma_start3A_97] : memref<10240x128xf32, #tpu.memory_space<vmem_shared>> -> memref<64x128xf32, #tpu.memory_space<vmem_shared>>
      tpu.enqueue_dma source(%dma_start3A_98 : memref<64x128xf32, #tpu.memory_space<vmem_shared>>) target(%arg8 : memref<64x128xf32, #tpu.memory_space<vmem>>) target_semaphore(%run_scoped3A : memref<!tpu.dma_semaphore, #tpu.memory_space<semaphore_mem>>)
      %dma_wait3A = arith.constant 0 : i32
      %dma_wait3A_99 = tpu.memref_slice %arg9[%add3A_63, %dma_wait3A] : memref<10240x128xf32, #tpu.memory_space<vmem_shared>> -> memref<64x128xf32, #tpu.memory_space<vmem_shared>>
      %dma_wait3A_100 = arith.constant 0 : i32
      %dma_wait3A_101 = tpu.memref_slice %arg9[%add3A_63, %dma_wait3A_100] : memref<10240x128xf32, #tpu.memory_space<vmem_shared>> -> memref<64x128xf32, #tpu.memory_space<vmem_shared>>
      tpu.wait_dma2 semaphore(%run_scoped3A : memref<!tpu.dma_semaphore, #tpu.memory_space<semaphore_mem>>) src(%dma_wait3A_101 : memref<64x128xf32, #tpu.memory_space<vmem_shared>>) dst(%arg8 : memref<64x128xf32, #tpu.memory_space<vmem>>)
      tpu.yield
    }) : () -> ()
    "tpu.region"() ({
      %run_scoped3A = tpu.sem_alloc : memref<!tpu.dma_semaphore, #tpu.memory_space<semaphore_mem>>
      %dma_start3A = arith.constant 0 : i32
      %dma_start3A_96 = tpu.memref_slice %arg5[%arg0, %add3A_63, %dma_start3A] : memref<2x10240x128xf32, #tpu.memory_space<hbm>> -> memref<1x64x128xf32, #tpu.memory_space<hbm>>
      %dma_start3A_97 = tpu.memref_squeeze %dma_start3A_96 : memref<1x64x128xf32, #tpu.memory_space<hbm>> -> memref<64x128xf32, #tpu.memory_space<hbm>>
      %dma_start3A_98 = arith.constant 0 : i32
      %dma_start3A_99 = tpu.memref_slice %arg5[%arg0, %add3A_63, %dma_start3A_98] : memref<2x10240x128xf32, #tpu.memory_space<hbm>> -> memref<1x64x128xf32, #tpu.memory_space<hbm>>
      %dma_start3A_100 = tpu.memref_squeeze %dma_start3A_99 : memref<1x64x128xf32, #tpu.memory_space<hbm>> -> memref<64x128xf32, #tpu.memory_space<hbm>>
      tpu.enqueue_dma source(%arg8 : memref<64x128xf32, #tpu.memory_space<vmem>>) target(%dma_start3A_100 : memref<64x128xf32, #tpu.memory_space<hbm>>) target_semaphore(%run_scoped3A : memref<!tpu.dma_semaphore, #tpu.memory_space<semaphore_mem>>)
      %dma_wait3A = arith.constant 0 : i32
      %dma_wait3A_101 = tpu.memref_slice %arg5[%arg0, %add3A_63, %dma_wait3A] : memref<2x10240x128xf32, #tpu.memory_space<hbm>> -> memref<1x64x128xf32, #tpu.memory_space<hbm>>
      %dma_wait3A_102 = tpu.memref_squeeze %dma_wait3A_101 : memref<1x64x128xf32, #tpu.memory_space<hbm>> -> memref<64x128xf32, #tpu.memory_space<hbm>>
      %dma_wait3A_103 = arith.constant 0 : i32
      %dma_wait3A_104 = tpu.memref_slice %arg5[%arg0, %add3A_63, %dma_wait3A_103] : memref<2x10240x128xf32, #tpu.memory_space<hbm>> -> memref<1x64x128xf32, #tpu.memory_space<hbm>>
      %dma_wait3A_105 = tpu.memref_squeeze %dma_wait3A_104 : memref<1x64x128xf32, #tpu.memory_space<hbm>> -> memref<64x128xf32, #tpu.memory_space<hbm>>
      tpu.wait_dma2 semaphore(%run_scoped3A : memref<!tpu.dma_semaphore, #tpu.memory_space<semaphore_mem>>) src(%arg8 : memref<64x128xf32, #tpu.memory_space<vmem>>) dst(%dma_wait3A_105 : memref<64x128xf32, #tpu.memory_space<hbm>>)
      tpu.yield
    }) : () -> ()
    %mul3A_64 = arith.constant 640 : i32
    %mul3A_65 = arith.muli %arg1, %mul3A_64 : i32
    %add3A_66 = arith.constant 128 : i32
    %add3A_67 = arith.addi %mul3A_65, %add3A_66 : i32
    "tpu.region"() ({
      %run_scoped3A = tpu.sem_alloc : memref<!tpu.dma_semaphore, #tpu.memory_space<semaphore_mem>>
      %dma_start3A = arith.constant 0 : i32
      %dma_start3A_96 = tpu.memref_slice %arg9[%add3A_67, %dma_start3A] : memref<10240x128xf32, #tpu.memory_space<vmem_shared>> -> memref<64x128xf32, #tpu.memory_space<vmem_shared>>
      %dma_start3A_97 = arith.constant 0 : i32
      %dma_start3A_98 = tpu.memref_slice %arg9[%add3A_67, %dma_start3A_97] : memref<10240x128xf32, #tpu.memory_space<vmem_shared>> -> memref<64x128xf32, #tpu.memory_space<vmem_shared>>
      tpu.enqueue_dma source(%dma_start3A_98 : memref<64x128xf32, #tpu.memory_space<vmem_shared>>) target(%arg8 : memref<64x128xf32, #tpu.memory_space<vmem>>) target_semaphore(%run_scoped3A : memref<!tpu.dma_semaphore, #tpu.memory_space<semaphore_mem>>)
      %dma_wait3A = arith.constant 0 : i32
      %dma_wait3A_99 = tpu.memref_slice %arg9[%add3A_67, %dma_wait3A] : memref<10240x128xf32, #tpu.memory_space<vmem_shared>> -> memref<64x128xf32, #tpu.memory_space<vmem_shared>>
      %dma_wait3A_100 = arith.constant 0 : i32
      %dma_wait3A_101 = tpu.memref_slice %arg9[%add3A_67, %dma_wait3A_100] : memref<10240x128xf32, #tpu.memory_space<vmem_shared>> -> memref<64x128xf32, #tpu.memory_space<vmem_shared>>
      tpu.wait_dma2 semaphore(%run_scoped3A : memref<!tpu.dma_semaphore, #tpu.memory_space<semaphore_mem>>) src(%dma_wait3A_101 : memref<64x128xf32, #tpu.memory_space<vmem_shared>>) dst(%arg8 : memref<64x128xf32, #tpu.memory_space<vmem>>)
      tpu.yield
    }) : () -> ()
    "tpu.region"() ({
      %run_scoped3A = tpu.sem_alloc : memref<!tpu.dma_semaphore, #tpu.memory_space<semaphore_mem>>
      %dma_start3A = arith.constant 0 : i32
      %dma_start3A_96 = tpu.memref_slice %arg5[%arg0, %add3A_67, %dma_start3A] : memref<2x10240x128xf32, #tpu.memory_space<hbm>> -> memref<1x64x128xf32, #tpu.memory_space<hbm>>
      %dma_start3A_97 = tpu.memref_squeeze %dma_start3A_96 : memref<1x64x128xf32, #tpu.memory_space<hbm>> -> memref<64x128xf32, #tpu.memory_space<hbm>>
      %dma_start3A_98 = arith.constant 0 : i32
      %dma_start3A_99 = tpu.memref_slice %arg5[%arg0, %add3A_67, %dma_start3A_98] : memref<2x10240x128xf32, #tpu.memory_space<hbm>> -> memref<1x64x128xf32, #tpu.memory_space<hbm>>
      %dma_start3A_100 = tpu.memref_squeeze %dma_start3A_99 : memref<1x64x128xf32, #tpu.memory_space<hbm>> -> memref<64x128xf32, #tpu.memory_space<hbm>>
      tpu.enqueue_dma source(%arg8 : memref<64x128xf32, #tpu.memory_space<vmem>>) target(%dma_start3A_100 : memref<64x128xf32, #tpu.memory_space<hbm>>) target_semaphore(%run_scoped3A : memref<!tpu.dma_semaphore, #tpu.memory_space<semaphore_mem>>)
      %dma_wait3A = arith.constant 0 : i32
      %dma_wait3A_101 = tpu.memref_slice %arg5[%arg0, %add3A_67, %dma_wait3A] : memref<2x10240x128xf32, #tpu.memory_space<hbm>> -> memref<1x64x128xf32, #tpu.memory_space<hbm>>
      %dma_wait3A_102 = tpu.memref_squeeze %dma_wait3A_101 : memref<1x64x128xf32, #tpu.memory_space<hbm>> -> memref<64x128xf32, #tpu.memory_space<hbm>>
      %dma_wait3A_103 = arith.constant 0 : i32
      %dma_wait3A_104 = tpu.memref_slice %arg5[%arg0, %add3A_67, %dma_wait3A_103] : memref<2x10240x128xf32, #tpu.memory_space<hbm>> -> memref<1x64x128xf32, #tpu.memory_space<hbm>>
      %dma_wait3A_105 = tpu.memref_squeeze %dma_wait3A_104 : memref<1x64x128xf32, #tpu.memory_space<hbm>> -> memref<64x128xf32, #tpu.memory_space<hbm>>
      tpu.wait_dma2 semaphore(%run_scoped3A : memref<!tpu.dma_semaphore, #tpu.memory_space<semaphore_mem>>) src(%arg8 : memref<64x128xf32, #tpu.memory_space<vmem>>) dst(%dma_wait3A_105 : memref<64x128xf32, #tpu.memory_space<hbm>>)
      tpu.yield
    }) : () -> ()
    %mul3A_68 = arith.constant 640 : i32
    %mul3A_69 = arith.muli %arg1, %mul3A_68 : i32
    %add3A_70 = arith.constant 192 : i32
    %add3A_71 = arith.addi %mul3A_69, %add3A_70 : i32
    "tpu.region"() ({
      %run_scoped3A = tpu.sem_alloc : memref<!tpu.dma_semaphore, #tpu.memory_space<semaphore_mem>>
      %dma_start3A = arith.constant 0 : i32
      %dma_start3A_96 = tpu.memref_slice %arg9[%add3A_71, %dma_start3A] : memref<10240x128xf32, #tpu.memory_space<vmem_shared>> -> memref<64x128xf32, #tpu.memory_space<vmem_shared>>
      %dma_start3A_97 = arith.constant 0 : i32
      %dma_start3A_98 = tpu.memref_slice %arg9[%add3A_71, %dma_start3A_97] : memref<10240x128xf32, #tpu.memory_space<vmem_shared>> -> memref<64x128xf32, #tpu.memory_space<vmem_shared>>
      tpu.enqueue_dma source(%dma_start3A_98 : memref<64x128xf32, #tpu.memory_space<vmem_shared>>) target(%arg8 : memref<64x128xf32, #tpu.memory_space<vmem>>) target_semaphore(%run_scoped3A : memref<!tpu.dma_semaphore, #tpu.memory_space<semaphore_mem>>)
      %dma_wait3A = arith.constant 0 : i32
      %dma_wait3A_99 = tpu.memref_slice %arg9[%add3A_71, %dma_wait3A] : memref<10240x128xf32, #tpu.memory_space<vmem_shared>> -> memref<64x128xf32, #tpu.memory_space<vmem_shared>>
      %dma_wait3A_100 = arith.constant 0 : i32
      %dma_wait3A_101 = tpu.memref_slice %arg9[%add3A_71, %dma_wait3A_100] : memref<10240x128xf32, #tpu.memory_space<vmem_shared>> -> memref<64x128xf32, #tpu.memory_space<vmem_shared>>
      tpu.wait_dma2 semaphore(%run_scoped3A : memref<!tpu.dma_semaphore, #tpu.memory_space<semaphore_mem>>) src(%dma_wait3A_101 : memref<64x128xf32, #tpu.memory_space<vmem_shared>>) dst(%arg8 : memref<64x128xf32, #tpu.memory_space<vmem>>)
      tpu.yield
    }) : () -> ()
    "tpu.region"() ({
      %run_scoped3A = tpu.sem_alloc : memref<!tpu.dma_semaphore, #tpu.memory_space<semaphore_mem>>
      %dma_start3A = arith.constant 0 : i32
      %dma_start3A_96 = tpu.memref_slice %arg5[%arg0, %add3A_71, %dma_start3A] : memref<2x10240x128xf32, #tpu.memory_space<hbm>> -> memref<1x64x128xf32, #tpu.memory_space<hbm>>
      %dma_start3A_97 = tpu.memref_squeeze %dma_start3A_96 : memref<1x64x128xf32, #tpu.memory_space<hbm>> -> memref<64x128xf32, #tpu.memory_space<hbm>>
      %dma_start3A_98 = arith.constant 0 : i32
      %dma_start3A_99 = tpu.memref_slice %arg5[%arg0, %add3A_71, %dma_start3A_98] : memref<2x10240x128xf32, #tpu.memory_space<hbm>> -> memref<1x64x128xf32, #tpu.memory_space<hbm>>
      %dma_start3A_100 = tpu.memref_squeeze %dma_start3A_99 : memref<1x64x128xf32, #tpu.memory_space<hbm>> -> memref<64x128xf32, #tpu.memory_space<hbm>>
      tpu.enqueue_dma source(%arg8 : memref<64x128xf32, #tpu.memory_space<vmem>>) target(%dma_start3A_100 : memref<64x128xf32, #tpu.memory_space<hbm>>) target_semaphore(%run_scoped3A : memref<!tpu.dma_semaphore, #tpu.memory_space<semaphore_mem>>)
      %dma_wait3A = arith.constant 0 : i32
      %dma_wait3A_101 = tpu.memref_slice %arg5[%arg0, %add3A_71, %dma_wait3A] : memref<2x10240x128xf32, #tpu.memory_space<hbm>> -> memref<1x64x128xf32, #tpu.memory_space<hbm>>
      %dma_wait3A_102 = tpu.memref_squeeze %dma_wait3A_101 : memref<1x64x128xf32, #tpu.memory_space<hbm>> -> memref<64x128xf32, #tpu.memory_space<hbm>>
      %dma_wait3A_103 = arith.constant 0 : i32
      %dma_wait3A_104 = tpu.memref_slice %arg5[%arg0, %add3A_71, %dma_wait3A_103] : memref<2x10240x128xf32, #tpu.memory_space<hbm>> -> memref<1x64x128xf32, #tpu.memory_space<hbm>>
      %dma_wait3A_105 = tpu.memref_squeeze %dma_wait3A_104 : memref<1x64x128xf32, #tpu.memory_space<hbm>> -> memref<64x128xf32, #tpu.memory_space<hbm>>
      tpu.wait_dma2 semaphore(%run_scoped3A : memref<!tpu.dma_semaphore, #tpu.memory_space<semaphore_mem>>) src(%arg8 : memref<64x128xf32, #tpu.memory_space<vmem>>) dst(%dma_wait3A_105 : memref<64x128xf32, #tpu.memory_space<hbm>>)
      tpu.yield
    }) : () -> ()
    %mul3A_72 = arith.constant 640 : i32
    %mul3A_73 = arith.muli %arg1, %mul3A_72 : i32
    %add3A_74 = arith.constant 256 : i32
    %add3A_75 = arith.addi %mul3A_73, %add3A_74 : i32
    "tpu.region"() ({
      %run_scoped3A = tpu.sem_alloc : memref<!tpu.dma_semaphore, #tpu.memory_space<semaphore_mem>>
      %dma_start3A = arith.constant 0 : i32
      %dma_start3A_96 = tpu.memref_slice %arg9[%add3A_75, %dma_start3A] : memref<10240x128xf32, #tpu.memory_space<vmem_shared>> -> memref<64x128xf32, #tpu.memory_space<vmem_shared>>
      %dma_start3A_97 = arith.constant 0 : i32
      %dma_start3A_98 = tpu.memref_slice %arg9[%add3A_75, %dma_start3A_97] : memref<10240x128xf32, #tpu.memory_space<vmem_shared>> -> memref<64x128xf32, #tpu.memory_space<vmem_shared>>
      tpu.enqueue_dma source(%dma_start3A_98 : memref<64x128xf32, #tpu.memory_space<vmem_shared>>) target(%arg8 : memref<64x128xf32, #tpu.memory_space<vmem>>) target_semaphore(%run_scoped3A : memref<!tpu.dma_semaphore, #tpu.memory_space<semaphore_mem>>)
      %dma_wait3A = arith.constant 0 : i32
      %dma_wait3A_99 = tpu.memref_slice %arg9[%add3A_75, %dma_wait3A] : memref<10240x128xf32, #tpu.memory_space<vmem_shared>> -> memref<64x128xf32, #tpu.memory_space<vmem_shared>>
      %dma_wait3A_100 = arith.constant 0 : i32
      %dma_wait3A_101 = tpu.memref_slice %arg9[%add3A_75, %dma_wait3A_100] : memref<10240x128xf32, #tpu.memory_space<vmem_shared>> -> memref<64x128xf32, #tpu.memory_space<vmem_shared>>
      tpu.wait_dma2 semaphore(%run_scoped3A : memref<!tpu.dma_semaphore, #tpu.memory_space<semaphore_mem>>) src(%dma_wait3A_101 : memref<64x128xf32, #tpu.memory_space<vmem_shared>>) dst(%arg8 : memref<64x128xf32, #tpu.memory_space<vmem>>)
      tpu.yield
    }) : () -> ()
    "tpu.region"() ({
      %run_scoped3A = tpu.sem_alloc : memref<!tpu.dma_semaphore, #tpu.memory_space<semaphore_mem>>
      %dma_start3A = arith.constant 0 : i32
      %dma_start3A_96 = tpu.memref_slice %arg5[%arg0, %add3A_75, %dma_start3A] : memref<2x10240x128xf32, #tpu.memory_space<hbm>> -> memref<1x64x128xf32, #tpu.memory_space<hbm>>
      %dma_start3A_97 = tpu.memref_squeeze %dma_start3A_96 : memref<1x64x128xf32, #tpu.memory_space<hbm>> -> memref<64x128xf32, #tpu.memory_space<hbm>>
      %dma_start3A_98 = arith.constant 0 : i32
      %dma_start3A_99 = tpu.memref_slice %arg5[%arg0, %add3A_75, %dma_start3A_98] : memref<2x10240x128xf32, #tpu.memory_space<hbm>> -> memref<1x64x128xf32, #tpu.memory_space<hbm>>
      %dma_start3A_100 = tpu.memref_squeeze %dma_start3A_99 : memref<1x64x128xf32, #tpu.memory_space<hbm>> -> memref<64x128xf32, #tpu.memory_space<hbm>>
      tpu.enqueue_dma source(%arg8 : memref<64x128xf32, #tpu.memory_space<vmem>>) target(%dma_start3A_100 : memref<64x128xf32, #tpu.memory_space<hbm>>) target_semaphore(%run_scoped3A : memref<!tpu.dma_semaphore, #tpu.memory_space<semaphore_mem>>)
      %dma_wait3A = arith.constant 0 : i32
      %dma_wait3A_101 = tpu.memref_slice %arg5[%arg0, %add3A_75, %dma_wait3A] : memref<2x10240x128xf32, #tpu.memory_space<hbm>> -> memref<1x64x128xf32, #tpu.memory_space<hbm>>
      %dma_wait3A_102 = tpu.memref_squeeze %dma_wait3A_101 : memref<1x64x128xf32, #tpu.memory_space<hbm>> -> memref<64x128xf32, #tpu.memory_space<hbm>>
      %dma_wait3A_103 = arith.constant 0 : i32
      %dma_wait3A_104 = tpu.memref_slice %arg5[%arg0, %add3A_75, %dma_wait3A_103] : memref<2x10240x128xf32, #tpu.memory_space<hbm>> -> memref<1x64x128xf32, #tpu.memory_space<hbm>>
      %dma_wait3A_105 = tpu.memref_squeeze %dma_wait3A_104 : memref<1x64x128xf32, #tpu.memory_space<hbm>> -> memref<64x128xf32, #tpu.memory_space<hbm>>
      tpu.wait_dma2 semaphore(%run_scoped3A : memref<!tpu.dma_semaphore, #tpu.memory_space<semaphore_mem>>) src(%arg8 : memref<64x128xf32, #tpu.memory_space<vmem>>) dst(%dma_wait3A_105 : memref<64x128xf32, #tpu.memory_space<hbm>>)
      tpu.yield
    }) : () -> ()
    %mul3A_76 = arith.constant 640 : i32
    %mul3A_77 = arith.muli %arg1, %mul3A_76 : i32
    %add3A_78 = arith.constant 320 : i32
    %add3A_79 = arith.addi %mul3A_77, %add3A_78 : i32
    "tpu.region"() ({
      %run_scoped3A = tpu.sem_alloc : memref<!tpu.dma_semaphore, #tpu.memory_space<semaphore_mem>>
      %dma_start3A = arith.constant 0 : i32
      %dma_start3A_96 = tpu.memref_slice %arg9[%add3A_79, %dma_start3A] : memref<10240x128xf32, #tpu.memory_space<vmem_shared>> -> memref<64x128xf32, #tpu.memory_space<vmem_shared>>
      %dma_start3A_97 = arith.constant 0 : i32
      %dma_start3A_98 = tpu.memref_slice %arg9[%add3A_79, %dma_start3A_97] : memref<10240x128xf32, #tpu.memory_space<vmem_shared>> -> memref<64x128xf32, #tpu.memory_space<vmem_shared>>
      tpu.enqueue_dma source(%dma_start3A_98 : memref<64x128xf32, #tpu.memory_space<vmem_shared>>) target(%arg8 : memref<64x128xf32, #tpu.memory_space<vmem>>) target_semaphore(%run_scoped3A : memref<!tpu.dma_semaphore, #tpu.memory_space<semaphore_mem>>)
      %dma_wait3A = arith.constant 0 : i32
      %dma_wait3A_99 = tpu.memref_slice %arg9[%add3A_79, %dma_wait3A] : memref<10240x128xf32, #tpu.memory_space<vmem_shared>> -> memref<64x128xf32, #tpu.memory_space<vmem_shared>>
      %dma_wait3A_100 = arith.constant 0 : i32
      %dma_wait3A_101 = tpu.memref_slice %arg9[%add3A_79, %dma_wait3A_100] : memref<10240x128xf32, #tpu.memory_space<vmem_shared>> -> memref<64x128xf32, #tpu.memory_space<vmem_shared>>
      tpu.wait_dma2 semaphore(%run_scoped3A : memref<!tpu.dma_semaphore, #tpu.memory_space<semaphore_mem>>) src(%dma_wait3A_101 : memref<64x128xf32, #tpu.memory_space<vmem_shared>>) dst(%arg8 : memref<64x128xf32, #tpu.memory_space<vmem>>)
      tpu.yield
    }) : () -> ()
    "tpu.region"() ({
      %run_scoped3A = tpu.sem_alloc : memref<!tpu.dma_semaphore, #tpu.memory_space<semaphore_mem>>
      %dma_start3A = arith.constant 0 : i32
      %dma_start3A_96 = tpu.memref_slice %arg5[%arg0, %add3A_79, %dma_start3A] : memref<2x10240x128xf32, #tpu.memory_space<hbm>> -> memref<1x64x128xf32, #tpu.memory_space<hbm>>
      %dma_start3A_97 = tpu.memref_squeeze %dma_start3A_96 : memref<1x64x128xf32, #tpu.memory_space<hbm>> -> memref<64x128xf32, #tpu.memory_space<hbm>>
      %dma_start3A_98 = arith.constant 0 : i32
      %dma_start3A_99 = tpu.memref_slice %arg5[%arg0, %add3A_79, %dma_start3A_98] : memref<2x10240x128xf32, #tpu.memory_space<hbm>> -> memref<1x64x128xf32, #tpu.memory_space<hbm>>
      %dma_start3A_100 = tpu.memref_squeeze %dma_start3A_99 : memref<1x64x128xf32, #tpu.memory_space<hbm>> -> memref<64x128xf32, #tpu.memory_space<hbm>>
      tpu.enqueue_dma source(%arg8 : memref<64x128xf32, #tpu.memory_space<vmem>>) target(%dma_start3A_100 : memref<64x128xf32, #tpu.memory_space<hbm>>) target_semaphore(%run_scoped3A : memref<!tpu.dma_semaphore, #tpu.memory_space<semaphore_mem>>)
      %dma_wait3A = arith.constant 0 : i32
      %dma_wait3A_101 = tpu.memref_slice %arg5[%arg0, %add3A_79, %dma_wait3A] : memref<2x10240x128xf32, #tpu.memory_space<hbm>> -> memref<1x64x128xf32, #tpu.memory_space<hbm>>
      %dma_wait3A_102 = tpu.memref_squeeze %dma_wait3A_101 : memref<1x64x128xf32, #tpu.memory_space<hbm>> -> memref<64x128xf32, #tpu.memory_space<hbm>>
      %dma_wait3A_103 = arith.constant 0 : i32
      %dma_wait3A_104 = tpu.memref_slice %arg5[%arg0, %add3A_79, %dma_wait3A_103] : memref<2x10240x128xf32, #tpu.memory_space<hbm>> -> memref<1x64x128xf32, #tpu.memory_space<hbm>>
      %dma_wait3A_105 = tpu.memref_squeeze %dma_wait3A_104 : memref<1x64x128xf32, #tpu.memory_space<hbm>> -> memref<64x128xf32, #tpu.memory_space<hbm>>
      tpu.wait_dma2 semaphore(%run_scoped3A : memref<!tpu.dma_semaphore, #tpu.memory_space<semaphore_mem>>) src(%arg8 : memref<64x128xf32, #tpu.memory_space<vmem>>) dst(%dma_wait3A_105 : memref<64x128xf32, #tpu.memory_space<hbm>>)
      tpu.yield
    }) : () -> ()
    %mul3A_80 = arith.constant 640 : i32
    %mul3A_81 = arith.muli %arg1, %mul3A_80 : i32
    %add3A_82 = arith.constant 384 : i32
    %add3A_83 = arith.addi %mul3A_81, %add3A_82 : i32
    "tpu.region"() ({
      %run_scoped3A = tpu.sem_alloc : memref<!tpu.dma_semaphore, #tpu.memory_space<semaphore_mem>>
      %dma_start3A = arith.constant 0 : i32
      %dma_start3A_96 = tpu.memref_slice %arg9[%add3A_83, %dma_start3A] : memref<10240x128xf32, #tpu.memory_space<vmem_shared>> -> memref<64x128xf32, #tpu.memory_space<vmem_shared>>
      %dma_start3A_97 = arith.constant 0 : i32
      %dma_start3A_98 = tpu.memref_slice %arg9[%add3A_83, %dma_start3A_97] : memref<10240x128xf32, #tpu.memory_space<vmem_shared>> -> memref<64x128xf32, #tpu.memory_space<vmem_shared>>
      tpu.enqueue_dma source(%dma_start3A_98 : memref<64x128xf32, #tpu.memory_space<vmem_shared>>) target(%arg8 : memref<64x128xf32, #tpu.memory_space<vmem>>) target_semaphore(%run_scoped3A : memref<!tpu.dma_semaphore, #tpu.memory_space<semaphore_mem>>)
      %dma_wait3A = arith.constant 0 : i32
      %dma_wait3A_99 = tpu.memref_slice %arg9[%add3A_83, %dma_wait3A] : memref<10240x128xf32, #tpu.memory_space<vmem_shared>> -> memref<64x128xf32, #tpu.memory_space<vmem_shared>>
      %dma_wait3A_100 = arith.constant 0 : i32
      %dma_wait3A_101 = tpu.memref_slice %arg9[%add3A_83, %dma_wait3A_100] : memref<10240x128xf32, #tpu.memory_space<vmem_shared>> -> memref<64x128xf32, #tpu.memory_space<vmem_shared>>
      tpu.wait_dma2 semaphore(%run_scoped3A : memref<!tpu.dma_semaphore, #tpu.memory_space<semaphore_mem>>) src(%dma_wait3A_101 : memref<64x128xf32, #tpu.memory_space<vmem_shared>>) dst(%arg8 : memref<64x128xf32, #tpu.memory_space<vmem>>)
      tpu.yield
    }) : () -> ()
    "tpu.region"() ({
      %run_scoped3A = tpu.sem_alloc : memref<!tpu.dma_semaphore, #tpu.memory_space<semaphore_mem>>
      %dma_start3A = arith.constant 0 : i32
      %dma_start3A_96 = tpu.memref_slice %arg5[%arg0, %add3A_83, %dma_start3A] : memref<2x10240x128xf32, #tpu.memory_space<hbm>> -> memref<1x64x128xf32, #tpu.memory_space<hbm>>
      %dma_start3A_97 = tpu.memref_squeeze %dma_start3A_96 : memref<1x64x128xf32, #tpu.memory_space<hbm>> -> memref<64x128xf32, #tpu.memory_space<hbm>>
      %dma_start3A_98 = arith.constant 0 : i32
      %dma_start3A_99 = tpu.memref_slice %arg5[%arg0, %add3A_83, %dma_start3A_98] : memref<2x10240x128xf32, #tpu.memory_space<hbm>> -> memref<1x64x128xf32, #tpu.memory_space<hbm>>
      %dma_start3A_100 = tpu.memref_squeeze %dma_start3A_99 : memref<1x64x128xf32, #tpu.memory_space<hbm>> -> memref<64x128xf32, #tpu.memory_space<hbm>>
      tpu.enqueue_dma source(%arg8 : memref<64x128xf32, #tpu.memory_space<vmem>>) target(%dma_start3A_100 : memref<64x128xf32, #tpu.memory_space<hbm>>) target_semaphore(%run_scoped3A : memref<!tpu.dma_semaphore, #tpu.memory_space<semaphore_mem>>)
      %dma_wait3A = arith.constant 0 : i32
      %dma_wait3A_101 = tpu.memref_slice %arg5[%arg0, %add3A_83, %dma_wait3A] : memref<2x10240x128xf32, #tpu.memory_space<hbm>> -> memref<1x64x128xf32, #tpu.memory_space<hbm>>
      %dma_wait3A_102 = tpu.memref_squeeze %dma_wait3A_101 : memref<1x64x128xf32, #tpu.memory_space<hbm>> -> memref<64x128xf32, #tpu.memory_space<hbm>>
      %dma_wait3A_103 = arith.constant 0 : i32
      %dma_wait3A_104 = tpu.memref_slice %arg5[%arg0, %add3A_83, %dma_wait3A_103] : memref<2x10240x128xf32, #tpu.memory_space<hbm>> -> memref<1x64x128xf32, #tpu.memory_space<hbm>>
      %dma_wait3A_105 = tpu.memref_squeeze %dma_wait3A_104 : memref<1x64x128xf32, #tpu.memory_space<hbm>> -> memref<64x128xf32, #tpu.memory_space<hbm>>
      tpu.wait_dma2 semaphore(%run_scoped3A : memref<!tpu.dma_semaphore, #tpu.memory_space<semaphore_mem>>) src(%arg8 : memref<64x128xf32, #tpu.memory_space<vmem>>) dst(%dma_wait3A_105 : memref<64x128xf32, #tpu.memory_space<hbm>>)
      tpu.yield
    }) : () -> ()
    %mul3A_84 = arith.constant 640 : i32
    %mul3A_85 = arith.muli %arg1, %mul3A_84 : i32
    %add3A_86 = arith.constant 448 : i32
    %add3A_87 = arith.addi %mul3A_85, %add3A_86 : i32
    "tpu.region"() ({
      %run_scoped3A = tpu.sem_alloc : memref<!tpu.dma_semaphore, #tpu.memory_space<semaphore_mem>>
      %dma_start3A = arith.constant 0 : i32
      %dma_start3A_96 = tpu.memref_slice %arg9[%add3A_87, %dma_start3A] : memref<10240x128xf32, #tpu.memory_space<vmem_shared>> -> memref<64x128xf32, #tpu.memory_space<vmem_shared>>
      %dma_start3A_97 = arith.constant 0 : i32
      %dma_start3A_98 = tpu.memref_slice %arg9[%add3A_87, %dma_start3A_97] : memref<10240x128xf32, #tpu.memory_space<vmem_shared>> -> memref<64x128xf32, #tpu.memory_space<vmem_shared>>
      tpu.enqueue_dma source(%dma_start3A_98 : memref<64x128xf32, #tpu.memory_space<vmem_shared>>) target(%arg8 : memref<64x128xf32, #tpu.memory_space<vmem>>) target_semaphore(%run_scoped3A : memref<!tpu.dma_semaphore, #tpu.memory_space<semaphore_mem>>)
      %dma_wait3A = arith.constant 0 : i32
      %dma_wait3A_99 = tpu.memref_slice %arg9[%add3A_87, %dma_wait3A] : memref<10240x128xf32, #tpu.memory_space<vmem_shared>> -> memref<64x128xf32, #tpu.memory_space<vmem_shared>>
      %dma_wait3A_100 = arith.constant 0 : i32
      %dma_wait3A_101 = tpu.memref_slice %arg9[%add3A_87, %dma_wait3A_100] : memref<10240x128xf32, #tpu.memory_space<vmem_shared>> -> memref<64x128xf32, #tpu.memory_space<vmem_shared>>
      tpu.wait_dma2 semaphore(%run_scoped3A : memref<!tpu.dma_semaphore, #tpu.memory_space<semaphore_mem>>) src(%dma_wait3A_101 : memref<64x128xf32, #tpu.memory_space<vmem_shared>>) dst(%arg8 : memref<64x128xf32, #tpu.memory_space<vmem>>)
      tpu.yield
    }) : () -> ()
    "tpu.region"() ({
      %run_scoped3A = tpu.sem_alloc : memref<!tpu.dma_semaphore, #tpu.memory_space<semaphore_mem>>
      %dma_start3A = arith.constant 0 : i32
      %dma_start3A_96 = tpu.memref_slice %arg5[%arg0, %add3A_87, %dma_start3A] : memref<2x10240x128xf32, #tpu.memory_space<hbm>> -> memref<1x64x128xf32, #tpu.memory_space<hbm>>
      %dma_start3A_97 = tpu.memref_squeeze %dma_start3A_96 : memref<1x64x128xf32, #tpu.memory_space<hbm>> -> memref<64x128xf32, #tpu.memory_space<hbm>>
      %dma_start3A_98 = arith.constant 0 : i32
      %dma_start3A_99 = tpu.memref_slice %arg5[%arg0, %add3A_87, %dma_start3A_98] : memref<2x10240x128xf32, #tpu.memory_space<hbm>> -> memref<1x64x128xf32, #tpu.memory_space<hbm>>
      %dma_start3A_100 = tpu.memref_squeeze %dma_start3A_99 : memref<1x64x128xf32, #tpu.memory_space<hbm>> -> memref<64x128xf32, #tpu.memory_space<hbm>>
      tpu.enqueue_dma source(%arg8 : memref<64x128xf32, #tpu.memory_space<vmem>>) target(%dma_start3A_100 : memref<64x128xf32, #tpu.memory_space<hbm>>) target_semaphore(%run_scoped3A : memref<!tpu.dma_semaphore, #tpu.memory_space<semaphore_mem>>)
      %dma_wait3A = arith.constant 0 : i32
      %dma_wait3A_101 = tpu.memref_slice %arg5[%arg0, %add3A_87, %dma_wait3A] : memref<2x10240x128xf32, #tpu.memory_space<hbm>> -> memref<1x64x128xf32, #tpu.memory_space<hbm>>
      %dma_wait3A_102 = tpu.memref_squeeze %dma_wait3A_101 : memref<1x64x128xf32, #tpu.memory_space<hbm>> -> memref<64x128xf32, #tpu.memory_space<hbm>>
      %dma_wait3A_103 = arith.constant 0 : i32
      %dma_wait3A_104 = tpu.memref_slice %arg5[%arg0, %add3A_87, %dma_wait3A_103] : memref<2x10240x128xf32, #tpu.memory_space<hbm>> -> memref<1x64x128xf32, #tpu.memory_space<hbm>>
      %dma_wait3A_105 = tpu.memref_squeeze %dma_wait3A_104 : memref<1x64x128xf32, #tpu.memory_space<hbm>> -> memref<64x128xf32, #tpu.memory_space<hbm>>
      tpu.wait_dma2 semaphore(%run_scoped3A : memref<!tpu.dma_semaphore, #tpu.memory_space<semaphore_mem>>) src(%arg8 : memref<64x128xf32, #tpu.memory_space<vmem>>) dst(%dma_wait3A_105 : memref<64x128xf32, #tpu.memory_space<hbm>>)
      tpu.yield
    }) : () -> ()
    %mul3A_88 = arith.constant 640 : i32
    %mul3A_89 = arith.muli %arg1, %mul3A_88 : i32
    %add3A_90 = arith.constant 512 : i32
    %add3A_91 = arith.addi %mul3A_89, %add3A_90 : i32
    "tpu.region"() ({
      %run_scoped3A = tpu.sem_alloc : memref<!tpu.dma_semaphore, #tpu.memory_space<semaphore_mem>>
      %dma_start3A = arith.constant 0 : i32
      %dma_start3A_96 = tpu.memref_slice %arg9[%add3A_91, %dma_start3A] : memref<10240x128xf32, #tpu.memory_space<vmem_shared>> -> memref<64x128xf32, #tpu.memory_space<vmem_shared>>
      %dma_start3A_97 = arith.constant 0 : i32
      %dma_start3A_98 = tpu.memref_slice %arg9[%add3A_91, %dma_start3A_97] : memref<10240x128xf32, #tpu.memory_space<vmem_shared>> -> memref<64x128xf32, #tpu.memory_space<vmem_shared>>
      tpu.enqueue_dma source(%dma_start3A_98 : memref<64x128xf32, #tpu.memory_space<vmem_shared>>) target(%arg8 : memref<64x128xf32, #tpu.memory_space<vmem>>) target_semaphore(%run_scoped3A : memref<!tpu.dma_semaphore, #tpu.memory_space<semaphore_mem>>)
      %dma_wait3A = arith.constant 0 : i32
      %dma_wait3A_99 = tpu.memref_slice %arg9[%add3A_91, %dma_wait3A] : memref<10240x128xf32, #tpu.memory_space<vmem_shared>> -> memref<64x128xf32, #tpu.memory_space<vmem_shared>>
      %dma_wait3A_100 = arith.constant 0 : i32
      %dma_wait3A_101 = tpu.memref_slice %arg9[%add3A_91, %dma_wait3A_100] : memref<10240x128xf32, #tpu.memory_space<vmem_shared>> -> memref<64x128xf32, #tpu.memory_space<vmem_shared>>
      tpu.wait_dma2 semaphore(%run_scoped3A : memref<!tpu.dma_semaphore, #tpu.memory_space<semaphore_mem>>) src(%dma_wait3A_101 : memref<64x128xf32, #tpu.memory_space<vmem_shared>>) dst(%arg8 : memref<64x128xf32, #tpu.memory_space<vmem>>)
      tpu.yield
    }) : () -> ()
    "tpu.region"() ({
      %run_scoped3A = tpu.sem_alloc : memref<!tpu.dma_semaphore, #tpu.memory_space<semaphore_mem>>
      %dma_start3A = arith.constant 0 : i32
      %dma_start3A_96 = tpu.memref_slice %arg5[%arg0, %add3A_91, %dma_start3A] : memref<2x10240x128xf32, #tpu.memory_space<hbm>> -> memref<1x64x128xf32, #tpu.memory_space<hbm>>
      %dma_start3A_97 = tpu.memref_squeeze %dma_start3A_96 : memref<1x64x128xf32, #tpu.memory_space<hbm>> -> memref<64x128xf32, #tpu.memory_space<hbm>>
      %dma_start3A_98 = arith.constant 0 : i32
      %dma_start3A_99 = tpu.memref_slice %arg5[%arg0, %add3A_91, %dma_start3A_98] : memref<2x10240x128xf32, #tpu.memory_space<hbm>> -> memref<1x64x128xf32, #tpu.memory_space<hbm>>
      %dma_start3A_100 = tpu.memref_squeeze %dma_start3A_99 : memref<1x64x128xf32, #tpu.memory_space<hbm>> -> memref<64x128xf32, #tpu.memory_space<hbm>>
      tpu.enqueue_dma source(%arg8 : memref<64x128xf32, #tpu.memory_space<vmem>>) target(%dma_start3A_100 : memref<64x128xf32, #tpu.memory_space<hbm>>) target_semaphore(%run_scoped3A : memref<!tpu.dma_semaphore, #tpu.memory_space<semaphore_mem>>)
      %dma_wait3A = arith.constant 0 : i32
      %dma_wait3A_101 = tpu.memref_slice %arg5[%arg0, %add3A_91, %dma_wait3A] : memref<2x10240x128xf32, #tpu.memory_space<hbm>> -> memref<1x64x128xf32, #tpu.memory_space<hbm>>
      %dma_wait3A_102 = tpu.memref_squeeze %dma_wait3A_101 : memref<1x64x128xf32, #tpu.memory_space<hbm>> -> memref<64x128xf32, #tpu.memory_space<hbm>>
      %dma_wait3A_103 = arith.constant 0 : i32
      %dma_wait3A_104 = tpu.memref_slice %arg5[%arg0, %add3A_91, %dma_wait3A_103] : memref<2x10240x128xf32, #tpu.memory_space<hbm>> -> memref<1x64x128xf32, #tpu.memory_space<hbm>>
      %dma_wait3A_105 = tpu.memref_squeeze %dma_wait3A_104 : memref<1x64x128xf32, #tpu.memory_space<hbm>> -> memref<64x128xf32, #tpu.memory_space<hbm>>
      tpu.wait_dma2 semaphore(%run_scoped3A : memref<!tpu.dma_semaphore, #tpu.memory_space<semaphore_mem>>) src(%arg8 : memref<64x128xf32, #tpu.memory_space<vmem>>) dst(%dma_wait3A_105 : memref<64x128xf32, #tpu.memory_space<hbm>>)
      tpu.yield
    }) : () -> ()
    %mul3A_92 = arith.constant 640 : i32
    %mul3A_93 = arith.muli %arg1, %mul3A_92 : i32
    %add3A_94 = arith.constant 576 : i32
    %add3A_95 = arith.addi %mul3A_93, %add3A_94 : i32
    "tpu.region"() ({
      %run_scoped3A = tpu.sem_alloc : memref<!tpu.dma_semaphore, #tpu.memory_space<semaphore_mem>>
      %dma_start3A = arith.constant 0 : i32
      %dma_start3A_96 = tpu.memref_slice %arg9[%add3A_95, %dma_start3A] : memref<10240x128xf32, #tpu.memory_space<vmem_shared>> -> memref<64x128xf32, #tpu.memory_space<vmem_shared>>
      %dma_start3A_97 = arith.constant 0 : i32
      %dma_start3A_98 = tpu.memref_slice %arg9[%add3A_95, %dma_start3A_97] : memref<10240x128xf32, #tpu.memory_space<vmem_shared>> -> memref<64x128xf32, #tpu.memory_space<vmem_shared>>
      tpu.enqueue_dma source(%dma_start3A_98 : memref<64x128xf32, #tpu.memory_space<vmem_shared>>) target(%arg8 : memref<64x128xf32, #tpu.memory_space<vmem>>) target_semaphore(%run_scoped3A : memref<!tpu.dma_semaphore, #tpu.memory_space<semaphore_mem>>)
      %dma_wait3A = arith.constant 0 : i32
      %dma_wait3A_99 = tpu.memref_slice %arg9[%add3A_95, %dma_wait3A] : memref<10240x128xf32, #tpu.memory_space<vmem_shared>> -> memref<64x128xf32, #tpu.memory_space<vmem_shared>>
      %dma_wait3A_100 = arith.constant 0 : i32
      %dma_wait3A_101 = tpu.memref_slice %arg9[%add3A_95, %dma_wait3A_100] : memref<10240x128xf32, #tpu.memory_space<vmem_shared>> -> memref<64x128xf32, #tpu.memory_space<vmem_shared>>
      tpu.wait_dma2 semaphore(%run_scoped3A : memref<!tpu.dma_semaphore, #tpu.memory_space<semaphore_mem>>) src(%dma_wait3A_101 : memref<64x128xf32, #tpu.memory_space<vmem_shared>>) dst(%arg8 : memref<64x128xf32, #tpu.memory_space<vmem>>)
      tpu.yield
    }) : () -> ()
    "tpu.region"() ({
      %run_scoped3A = tpu.sem_alloc : memref<!tpu.dma_semaphore, #tpu.memory_space<semaphore_mem>>
      %dma_start3A = arith.constant 0 : i32
      %dma_start3A_96 = tpu.memref_slice %arg5[%arg0, %add3A_95, %dma_start3A] : memref<2x10240x128xf32, #tpu.memory_space<hbm>> -> memref<1x64x128xf32, #tpu.memory_space<hbm>>
      %dma_start3A_97 = tpu.memref_squeeze %dma_start3A_96 : memref<1x64x128xf32, #tpu.memory_space<hbm>> -> memref<64x128xf32, #tpu.memory_space<hbm>>
      %dma_start3A_98 = arith.constant 0 : i32
      %dma_start3A_99 = tpu.memref_slice %arg5[%arg0, %add3A_95, %dma_start3A_98] : memref<2x10240x128xf32, #tpu.memory_space<hbm>> -> memref<1x64x128xf32, #tpu.memory_space<hbm>>
      %dma_start3A_100 = tpu.memref_squeeze %dma_start3A_99 : memref<1x64x128xf32, #tpu.memory_space<hbm>> -> memref<64x128xf32, #tpu.memory_space<hbm>>
      tpu.enqueue_dma source(%arg8 : memref<64x128xf32, #tpu.memory_space<vmem>>) target(%dma_start3A_100 : memref<64x128xf32, #tpu.memory_space<hbm>>) target_semaphore(%run_scoped3A : memref<!tpu.dma_semaphore, #tpu.memory_space<semaphore_mem>>)
      %dma_wait3A = arith.constant 0 : i32
      %dma_wait3A_101 = tpu.memref_slice %arg5[%arg0, %add3A_95, %dma_wait3A] : memref<2x10240x128xf32, #tpu.memory_space<hbm>> -> memref<1x64x128xf32, #tpu.memory_space<hbm>>
      %dma_wait3A_102 = tpu.memref_squeeze %dma_wait3A_101 : memref<1x64x128xf32, #tpu.memory_space<hbm>> -> memref<64x128xf32, #tpu.memory_space<hbm>>
      %dma_wait3A_103 = arith.constant 0 : i32
      %dma_wait3A_104 = tpu.memref_slice %arg5[%arg0, %add3A_95, %dma_wait3A_103] : memref<2x10240x128xf32, #tpu.memory_space<hbm>> -> memref<1x64x128xf32, #tpu.memory_space<hbm>>
      %dma_wait3A_105 = tpu.memref_squeeze %dma_wait3A_104 : memref<1x64x128xf32, #tpu.memory_space<hbm>> -> memref<64x128xf32, #tpu.memory_space<hbm>>
      tpu.wait_dma2 semaphore(%run_scoped3A : memref<!tpu.dma_semaphore, #tpu.memory_space<semaphore_mem>>) src(%arg8 : memref<64x128xf32, #tpu.memory_space<vmem>>) dst(%dma_wait3A_105 : memref<64x128xf32, #tpu.memory_space<hbm>>)
      tpu.yield
    }) : () -> ()
    return
  }
}

module attributes {stable_mosaic.version = 14 : i64} {
  func.func @body(%arg0: memref<2x10240xf32, #tpu.memory_space<vmem>>, %arg1: memref<10240x1xf32, #tpu.memory_space<vmem>>) attributes {dimension_semantics = [], scalar_prefetch = 0 : i64, scratch_operands = 0 : i64, tpu.core_type = #tpu.core_type<tc>} {
    %get3A = arith.constant 0 : index
    %get3A_0 = arith.constant 0 : index
    %get3A_1 = vector.load %arg0[%get3A, %get3A_0] : memref<2x10240xf32, #tpu.memory_space<vmem>>, vector<1x10240xf32>
    %get3A_2 = vector.shape_cast %get3A_1 : vector<1x10240xf32> to vector<10240xf32>
    %get3A_3 = arith.constant 1 : index
    %get3A_4 = arith.constant 0 : index
    %get3A_5 = vector.load %arg0[%get3A_3, %get3A_4] : memref<2x10240xf32, #tpu.memory_space<vmem>>, vector<1x10240xf32>
    %get3A_6 = vector.shape_cast %get3A_5 : vector<1x10240xf32> to vector<10240xf32>
    %add3A = arith.addf %get3A_2, %get3A_6 : vector<10240xf32>
    %max3A = arith.constant 1.000000e+00 : f32
    %max3A_7 = vector.broadcast %max3A : f32 to vector<10240xf32>
    %max3A_8 = arith.maximumf %add3A, %max3A_7 : vector<10240xf32>
    %div3A = arith.constant 1.000000e+00 : f32
    %div3A_9 = vector.broadcast %div3A : f32 to vector<10240xf32>
    %div3A_10 = arith.divf %div3A_9, %max3A_8 : vector<10240xf32>
    %broadcast_in_dim3A = vector.shape_cast %div3A_10 : vector<10240xf32> to vector<10240x1xf32>
    %swap3A = arith.constant 0 : index
    %swap3A_11 = arith.constant 0 : index
    %swap3A_12 = vector.load %arg1[%swap3A, %swap3A_11] : memref<10240x1xf32, #tpu.memory_space<vmem>>, vector<10240x1xf32>
    tpu.vector_store %arg1[%swap3A, %swap3A_11], %broadcast_in_dim3A {strides = array<i32>} : memref<10240x1xf32, #tpu.memory_space<vmem>>, vector<10240x1xf32>,
    return
  }
}

module attributes {stable_mosaic.version = 14 : i64} {
  func.func @body(%arg0: i32, %arg1: memref<1000x128xf32, #tpu.memory_space<vmem>>, %arg2: memref<128x128xf32, #tpu.memory_space<vmem>>, %arg3: memref<128x128xf32, #tpu.memory_space<vmem>>, %arg4: memref<1000x128xf32, #tpu.memory_space<vmem>>, %arg5: memref<1000x128xf32, #tpu.memory_space<vmem>>) attributes {dimension_semantics = [#tpu.dimension_semantics<arbitrary>], iteration_bounds = array<i64: 10>, scalar_prefetch = 0 : i64, scratch_operands = 0 : i64, tpu.core_type = #tpu.core_type<tc>, window_params = [{transform_indices = @transform_0, window_bounds = array<i64: 1000, 128>}, {pipeline_mode = #tpu.pipeline_mode<synchronous>, transform_indices = @transform_1, window_bounds = array<i64: 128, 128>}, {pipeline_mode = #tpu.pipeline_mode<synchronous>, transform_indices = @transform_2, window_bounds = array<i64: 128, 128>}, {transform_indices = @transform_3, window_bounds = array<i64: 1000, 128>}, {transform_indices = @transform_4, window_bounds = array<i64: 1000, 128>}]} {
    %get3A = arith.constant 0 : index
    %get3A_0 = arith.constant 0 : index
    %get3A_1 = vector.load %arg1[%get3A, %get3A_0] : memref<1000x128xf32, #tpu.memory_space<vmem>>, vector<1000x128xf32>
    %get3A_2 = arith.constant 0 : index
    %get3A_3 = arith.constant 0 : index
    %get3A_4 = vector.load %arg2[%get3A_2, %get3A_3] : memref<128x128xf32, #tpu.memory_space<vmem>>, vector<128x128xf32>
    %dot_general3A = arith.constant dense<0.000000e+00> : vector<1000x128xf32>
    %dot_general3A_5 = tpu.matmul %get3A_1, %get3A_4, %dot_general3A {dimension_numbers = #tpu.dot_dimension_numbers<[1], [1], [0], [0], [0, 0, 1, 0], [], []>, transpose_lhs_hint = false} : vector<1000x128xf32>, vector<128x128xf32>, vector<1000x128xf32> -> vector<1000x128xf32>
    %swap3A = arith.constant 0 : index
    %swap3A_6 = arith.constant 0 : index
    %swap3A_7 = vector.load %arg4[%swap3A, %swap3A_6] : memref<1000x128xf32, #tpu.memory_space<vmem>>, vector<1000x128xf32>
    tpu.vector_store %arg4[%swap3A, %swap3A_6], %dot_general3A_5 {strides = array<i32>} : memref<1000x128xf32, #tpu.memory_space<vmem>>, vector<1000x128xf32>,
    %get3A_8 = arith.constant 0 : index
    %get3A_9 = arith.constant 0 : index
    %get3A_10 = vector.load %arg3[%get3A_8, %get3A_9] : memref<128x128xf32, #tpu.memory_space<vmem>>, vector<128x128xf32>
    %dot_general3A_11 = arith.constant dense<0.000000e+00> : vector<1000x128xf32>
    %dot_general3A_12 = tpu.matmul %get3A_1, %get3A_10, %dot_general3A_11 {dimension_numbers = #tpu.dot_dimension_numbers<[1], [1], [0], [0], [0, 0, 1, 0], [], []>, transpose_lhs_hint = false} : vector<1000x128xf32>, vector<128x128xf32>, vector<1000x128xf32> -> vector<1000x128xf32>
    %swap3A_13 = arith.constant 0 : index
    %swap3A_14 = arith.constant 0 : index
    %swap3A_15 = vector.load %arg5[%swap3A_13, %swap3A_14] : memref<1000x128xf32, #tpu.memory_space<vmem>>, vector<1000x128xf32>
    tpu.vector_store %arg5[%swap3A_13, %swap3A_14], %dot_general3A_12 {strides = array<i32>} : memref<1000x128xf32, #tpu.memory_space<vmem>>, vector<1000x128xf32>,
    return
  }
  func.func @transform_0(%arg0: i32) -> (i32, i32) {
    %c0_i32 = arith.constant 0 : i32
    %c0_i32_0 = arith.constant 0 : i32
    return %arg0, %c0_i32 : i32, i32
  }
  func.func @transform_1(%arg0: i32) -> (i32, i32) {
    %c0_i32 = arith.constant 0 : i32
    %c0_i32_0 = arith.constant 0 : i32
    %c0_i32_1 = arith.constant 0 : i32
    return %c0_i32, %c0_i32_0 : i32, i32
  }
  func.func @transform_2(%arg0: i32) -> (i32, i32) {
    %c0_i32 = arith.constant 0 : i32
    %c0_i32_0 = arith.constant 0 : i32
    %c0_i32_1 = arith.constant 0 : i32
    return %c0_i32, %c0_i32_0 : i32, i32
  }
  func.func @transform_3(%arg0: i32) -> (i32, i32) {
    %c0_i32 = arith.constant 0 : i32
    %c0_i32_0 = arith.constant 0 : i32
    return %arg0, %c0_i32 : i32, i32
  }
  func.func @transform_4(%arg0: i32) -> (i32, i32) {
    %c0_i32 = arith.constant 0 : i32
    %c0_i32_0 = arith.constant 0 : i32
    return %arg0, %c0_i32 : i32, i32
  }
}

module attributes {stable_mosaic.version = 14 : i64} {
  func.func @body(%arg0: i32, %arg1: memref<2x1000x128xf32, #tpu.memory_space<vmem>>, %arg2: memref<1000x1xf32, #tpu.memory_space<vmem>>, %arg3: memref<1x128xf32, #tpu.memory_space<vmem>>, %arg4: memref<1000x128xf32, #tpu.memory_space<vmem>>, %arg5: memref<128x128xf32, #tpu.memory_space<vmem>>, %arg6: memref<128x128xf32, #tpu.memory_space<vmem>>, %arg7: memref<1000x128xf32, #tpu.memory_space<vmem>>, %arg8: memref<1000x128xf32, #tpu.memory_space<vmem>>) attributes {dimension_semantics = [#tpu.dimension_semantics<arbitrary>], iteration_bounds = array<i64: 10>, scalar_prefetch = 0 : i64, scratch_operands = 0 : i64, tpu.core_type = #tpu.core_type<tc>, window_params = [{transform_indices = @transform_0, window_bounds = array<i64: 2, 1000, 128>}, {transform_indices = @transform_1, window_bounds = array<i64: 1000, 1>}, {pipeline_mode = #tpu.pipeline_mode<synchronous>, transform_indices = @transform_2, window_bounds = array<i64: 1, 128>}, {transform_indices = @transform_3, window_bounds = array<i64: 1000, 128>}, {pipeline_mode = #tpu.pipeline_mode<synchronous>, transform_indices = @transform_4, window_bounds = array<i64: 128, 128>}, {pipeline_mode = #tpu.pipeline_mode<synchronous>, transform_indices = @transform_5, window_bounds = array<i64: 128, 128>}, {transform_indices = @transform_6, window_bounds = array<i64: 1000, 128>}, {transform_indices = @transform_7, window_bounds = array<i64: 1000, 128>}]} {
    %get3A = arith.constant 0 : index
    %get3A_0 = arith.constant 0 : index
    %get3A_1 = arith.constant 0 : index
    %get3A_2 = vector.load %arg1[%get3A, %get3A_0, %get3A_1] : memref<2x1000x128xf32, #tpu.memory_space<vmem>>, vector<1x1000x128xf32>
    %get3A_3 = vector.shape_cast %get3A_2 : vector<1x1000x128xf32> to vector<1000x128xf32>
    %get3A_4 = arith.constant 1 : index
    %get3A_5 = arith.constant 0 : index
    %get3A_6 = arith.constant 0 : index
    %get3A_7 = vector.load %arg1[%get3A_4, %get3A_5, %get3A_6] : memref<2x1000x128xf32, #tpu.memory_space<vmem>>, vector<1x1000x128xf32>
    %get3A_8 = vector.shape_cast %get3A_7 : vector<1x1000x128xf32> to vector<1000x128xf32>
    %add3A = arith.addf %get3A_3, %get3A_8 : vector<1000x128xf32>
    %get3A_9 = arith.constant 0 : index
    %get3A_10 = arith.constant 0 : index
    %get3A_11 = vector.load %arg2[%get3A_9, %get3A_10] : memref<1000x1xf32, #tpu.memory_space<vmem>>, vector<1000x1xf32>
    %mul3A = vector.broadcast %get3A_11 : vector<1000x1xf32> to vector<1000x128xf32>
    %mul3A_12 = arith.mulf %add3A, %mul3A : vector<1000x128xf32>
    %get3A_13 = arith.constant 0 : index
    %get3A_14 = arith.constant 0 : index
    %get3A_15 = vector.load %arg3[%get3A_13, %get3A_14] : memref<1x128xf32, #tpu.memory_space<vmem>>, vector<1x128xf32>
    %add3A_16 = vector.broadcast %get3A_15 : vector<1x128xf32> to vector<1000x128xf32>
    %add3A_17 = arith.addf %mul3A_12, %add3A_16 : vector<1000x128xf32>
    %get3A_18 = arith.constant 0 : index
    %get3A_19 = arith.constant 0 : index
    %get3A_20 = vector.load %arg4[%get3A_18, %get3A_19] : memref<1000x128xf32, #tpu.memory_space<vmem>>, vector<1000x128xf32>
    %add3A_21 = arith.addf %add3A_17, %get3A_20 : vector<1000x128xf32>
    %max3A = arith.constant 0.000000e+00 : f32
    %max3A_22 = vector.broadcast %max3A : f32 to vector<1000x128xf32>
    %max3A_23 = arith.maximumf %add3A_21, %max3A_22 : vector<1000x128xf32>
    %get3A_24 = arith.constant 0 : index
    %get3A_25 = arith.constant 0 : index
    %get3A_26 = vector.load %arg5[%get3A_24, %get3A_25] : memref<128x128xf32, #tpu.memory_space<vmem>>, vector<128x128xf32>
    %dot_general3A = arith.constant dense<0.000000e+00> : vector<1000x128xf32>
    %dot_general3A_27 = tpu.matmul %max3A_23, %get3A_26, %dot_general3A {dimension_numbers = #tpu.dot_dimension_numbers<[1], [1], [0], [0], [0, 0, 1, 0], [], []>, transpose_lhs_hint = false} : vector<1000x128xf32>, vector<128x128xf32>, vector<1000x128xf32> -> vector<1000x128xf32>
    %swap3A = arith.constant 0 : index
    %swap3A_28 = arith.constant 0 : index
    %swap3A_29 = vector.load %arg7[%swap3A, %swap3A_28] : memref<1000x128xf32, #tpu.memory_space<vmem>>, vector<1000x128xf32>
    tpu.vector_store %arg7[%swap3A, %swap3A_28], %dot_general3A_27 {strides = array<i32>} : memref<1000x128xf32, #tpu.memory_space<vmem>>, vector<1000x128xf32>,
    %get3A_30 = arith.constant 0 : index
    %get3A_31 = arith.constant 0 : index
    %get3A_32 = vector.load %arg6[%get3A_30, %get3A_31] : memref<128x128xf32, #tpu.memory_space<vmem>>, vector<128x128xf32>
    %dot_general3A_33 = arith.constant dense<0.000000e+00> : vector<1000x128xf32>
    %dot_general3A_34 = tpu.matmul %max3A_23, %get3A_32, %dot_general3A_33 {dimension_numbers = #tpu.dot_dimension_numbers<[1], [1], [0], [0], [0, 0, 1, 0], [], []>, transpose_lhs_hint = false} : vector<1000x128xf32>, vector<128x128xf32>, vector<1000x128xf32> -> vector<1000x128xf32>
    %swap3A_35 = arith.constant 0 : index
    %swap3A_36 = arith.constant 0 : index
    %swap3A_37 = vector.load %arg8[%swap3A_35, %swap3A_36] : memref<1000x128xf32, #tpu.memory_space<vmem>>, vector<1000x128xf32>
    tpu.vector_store %arg8[%swap3A_35, %swap3A_36], %dot_general3A_34 {strides = array<i32>} : memref<1000x128xf32, #tpu.memory_space<vmem>>, vector<1000x128xf32>,
    return
  }
  func.func @transform_0(%arg0: i32) -> (i32, i32, i32) {
    %c0_i32 = arith.constant 0 : i32
    %c0_i32_0 = arith.constant 0 : i32
    %c0_i32_1 = arith.constant 0 : i32
    return %c0_i32, %arg0, %c0_i32_0 : i32, i32, i32
  }
  func.func @transform_1(%arg0: i32) -> (i32, i32) {
    %c0_i32 = arith.constant 0 : i32
    %c0_i32_0 = arith.constant 0 : i32
    return %arg0, %c0_i32 : i32, i32
  }
  func.func @transform_2(%arg0: i32) -> (i32, i32) {
    %c0_i32 = arith.constant 0 : i32
    %c0_i32_0 = arith.constant 0 : i32
    %c0_i32_1 = arith.constant 0 : i32
    return %c0_i32, %c0_i32_0 : i32, i32
  }
  func.func @transform_3(%arg0: i32) -> (i32, i32) {
    %c0_i32 = arith.constant 0 : i32
    %c0_i32_0 = arith.constant 0 : i32
    return %arg0, %c0_i32 : i32, i32
  }
  func.func @transform_4(%arg0: i32) -> (i32, i32) {
    %c0_i32 = arith.constant 0 : i32
    %c0_i32_0 = arith.constant 0 : i32
    %c0_i32_1 = arith.constant 0 : i32
    return %c0_i32, %c0_i32_0 : i32, i32
  }
  func.func @transform_5(%arg0: i32) -> (i32, i32) {
    %c0_i32 = arith.constant 0 : i32
    %c0_i32_0 = arith.constant 0 : i32
    %c0_i32_1 = arith.constant 0 : i32
    return %c0_i32, %c0_i32_0 : i32, i32
  }
  func.func @transform_6(%arg0: i32) -> (i32, i32) {
    %c0_i32 = arith.constant 0 : i32
    %c0_i32_0 = arith.constant 0 : i32
    return %arg0, %c0_i32 : i32, i32
  }
  func.func @transform_7(%arg0: i32) -> (i32, i32) {
    %c0_i32 = arith.constant 0 : i32
    %c0_i32_0 = arith.constant 0 : i32
    return %arg0, %c0_i32 : i32, i32
  }
}

module attributes {stable_mosaic.version = 14 : i64} {
  func.func @body(%arg0: i32, %arg1: memref<2x1000x128xf32, #tpu.memory_space<vmem>>, %arg2: memref<1000x1xf32, #tpu.memory_space<vmem>>, %arg3: memref<1x128xf32, #tpu.memory_space<vmem>>, %arg4: memref<1000x128xf32, #tpu.memory_space<vmem>>, %arg5: memref<1000x128xf32, #tpu.memory_space<vmem>>) attributes {dimension_semantics = [#tpu.dimension_semantics<arbitrary>], iteration_bounds = array<i64: 10>, scalar_prefetch = 0 : i64, scratch_operands = 0 : i64, tpu.core_type = #tpu.core_type<tc>, window_params = [{transform_indices = @transform_0, window_bounds = array<i64: 2, 1000, 128>}, {transform_indices = @transform_1, window_bounds = array<i64: 1000, 1>}, {pipeline_mode = #tpu.pipeline_mode<synchronous>, transform_indices = @transform_2, window_bounds = array<i64: 1, 128>}, {transform_indices = @transform_3, window_bounds = array<i64: 1000, 128>}, {transform_indices = @transform_4, window_bounds = array<i64: 1000, 128>}]} {
    %get3A = arith.constant 0 : index
    %get3A_0 = arith.constant 0 : index
    %get3A_1 = arith.constant 0 : index
    %get3A_2 = vector.load %arg1[%get3A, %get3A_0, %get3A_1] : memref<2x1000x128xf32, #tpu.memory_space<vmem>>, vector<1x1000x128xf32>
    %get3A_3 = vector.shape_cast %get3A_2 : vector<1x1000x128xf32> to vector<1000x128xf32>
    %get3A_4 = arith.constant 1 : index
    %get3A_5 = arith.constant 0 : index
    %get3A_6 = arith.constant 0 : index
    %get3A_7 = vector.load %arg1[%get3A_4, %get3A_5, %get3A_6] : memref<2x1000x128xf32, #tpu.memory_space<vmem>>, vector<1x1000x128xf32>
    %get3A_8 = vector.shape_cast %get3A_7 : vector<1x1000x128xf32> to vector<1000x128xf32>
    %add3A = arith.addf %get3A_3, %get3A_8 : vector<1000x128xf32>
    %get3A_9 = arith.constant 0 : index
    %get3A_10 = arith.constant 0 : index
    %get3A_11 = vector.load %arg2[%get3A_9, %get3A_10] : memref<1000x1xf32, #tpu.memory_space<vmem>>, vector<1000x1xf32>
    %mul3A = vector.broadcast %get3A_11 : vector<1000x1xf32> to vector<1000x128xf32>
    %mul3A_12 = arith.mulf %add3A, %mul3A : vector<1000x128xf32>
    %get3A_13 = arith.constant 0 : index
    %get3A_14 = arith.constant 0 : index
    %get3A_15 = vector.load %arg3[%get3A_13, %get3A_14] : memref<1x128xf32, #tpu.memory_space<vmem>>, vector<1x128xf32>
    %add3A_16 = vector.broadcast %get3A_15 : vector<1x128xf32> to vector<1000x128xf32>
    %add3A_17 = arith.addf %mul3A_12, %add3A_16 : vector<1000x128xf32>
    %get3A_18 = arith.constant 0 : index
    %get3A_19 = arith.constant 0 : index
    %get3A_20 = vector.load %arg4[%get3A_18, %get3A_19] : memref<1000x128xf32, #tpu.memory_space<vmem>>, vector<1000x128xf32>
    %add3A_21 = arith.addf %add3A_17, %get3A_20 : vector<1000x128xf32>
    %swap3A = arith.constant 0 : index
    %swap3A_22 = arith.constant 0 : index
    %swap3A_23 = vector.load %arg5[%swap3A, %swap3A_22] : memref<1000x128xf32, #tpu.memory_space<vmem>>, vector<1000x128xf32>
    tpu.vector_store %arg5[%swap3A, %swap3A_22], %add3A_21 {strides = array<i32>} : memref<1000x128xf32, #tpu.memory_space<vmem>>, vector<1000x128xf32>,
    return
  }
  func.func @transform_0(%arg0: i32) -> (i32, i32, i32) {
    %c0_i32 = arith.constant 0 : i32
    %c0_i32_0 = arith.constant 0 : i32
    %c0_i32_1 = arith.constant 0 : i32
    return %c0_i32, %arg0, %c0_i32_0 : i32, i32, i32
  }
  func.func @transform_1(%arg0: i32) -> (i32, i32) {
    %c0_i32 = arith.constant 0 : i32
    %c0_i32_0 = arith.constant 0 : i32
    return %arg0, %c0_i32 : i32, i32
  }
  func.func @transform_2(%arg0: i32) -> (i32, i32) {
    %c0_i32 = arith.constant 0 : i32
    %c0_i32_0 = arith.constant 0 : i32
    %c0_i32_1 = arith.constant 0 : i32
    return %c0_i32, %c0_i32_0 : i32, i32
  }
  func.func @transform_3(%arg0: i32) -> (i32, i32) {
    %c0_i32 = arith.constant 0 : i32
    %c0_i32_0 = arith.constant 0 : i32
    return %arg0, %c0_i32 : i32, i32
  }
  func.func @transform_4(%arg0: i32) -> (i32, i32) {
    %c0_i32 = arith.constant 0 : i32
    %c0_i32_0 = arith.constant 0 : i32
    return %arg0, %c0_i32 : i32, i32
  }
}

</mosaic_0001>

<sc_bundles>
// kernel: kernel.11.cloned.1.call-start
scs
__scs_entry_jumppad:
0x0: {  	(pc) =	sbr.rel $0x88, $3  }
0x1: {  	(tag) =	ssettag $0x0;
	lr =	simm.s32 $0x1  }
0x2: {  	[smem:$0x3F99] =	sst lr;
	_ =	strace $0xD0000000  }
0x3: {  	_ = 	snop  }
0x4: {  	_ = 	snop  }
0x5: {  	_ = 	snop  }
0x6: {  	_ = 	snop  }
0x7: {  	_ = 	snop  }
__scs_overlays_trampoline_lowered:
0x8: {  	[smem:$0x3FA8] =	sst s0  }
0x9: {  	[smem:$0x3FA9] =	sst s1  }
0xa: {  	[smem:$0x3FAA] =	sst s2  }
0xb: {  	[smem:$0x3FAB] =	sst s3  }
0xc: {  	[smem:$0x3FAC] =	sst s4  }
0xd: {  	[smem:$0x3FAD] =	sst s5  }
0xe: {  	[smem:$0x3FAE] =	sst s6  }
0xf: {  	[smem:$0x3FAF] =	sst s7  }
0x10: {  	[smem:$0x3FB0] =	sst s8  }
0x11: {  	[smem:$0x3FB1] =	sst s9;
	s0 =	simm.s32 @!p0 $0x0  }
0x12: {  	s1 =	sld [smem:$0x3F97];
	s0 =	simm.s32 @p0 $0x1  }
0x13: {  	[smem:$0x3FB2] =	sst s0;
	s0 =	simm.s32 @!p1 $0x0  }
0x14: {  	s2 =	sld [smem:$0x3F96];
	s0 =	simm.s32 @p1 $0x1  }
0x15: {  	[smem:$0x3FB3] =	sst s0;
	s0 =	simm.s32 @!p2 $0x0  }
0x16: {  	s3 =	sld [smem:$0x3FDB];
	s0 =	simm.s32 @p2 $0x1  }
0x17: {  	s4 =	simm.s32 $0x1BF5;
	[smem:$0x3FB5] =	sst s0  }
0x18: {  	s0 =	sld [smem:$0x3F98];
	_ =	swait.ge [sflag:s4], $0x0  }
0x19: {  	s7 =	sld [smem:$0x3F99]  }
0x1a: {  	s8 =	sadd.s32 $0xFFFFE003, lr  }
0x1b: {  	s9 =	sadd.s32 $0xFFFFFEF7, lr;
	s5 =	simm.s32 $0xFFFFFFFF;
	p2 =	slt.u32 s8, $0xFFFFF086  }
0x1c: {  	p1 =	slt.u32 s9, $0xF7A;
	s5 =	simm.s32 @!p2 $0x0  }
0x1d: {  	s5 =	simm.s32 @p1 $0x1;
	p0 =	seq.s32 s7, s2  }
0x1e: {  	s7 =	smul.u32 @!p0 $0xF7A, s2;
	p2 =	seq.s32 @!p0 s5, $0x0  }
0x1f: {  	s9 =	smul.u32 $0xF7A, s1;
	s8 =	simm.s32 @!p0 $0x1BF5;
	p2 =	por !p2, p0  }
0x20: {  	[sflag:s8] =	ssyncset.s32 @!p0 $0xFFFFF086;
	s6 =	sadd.s32 @!p0 s3, s7;
	s7 =	simm.s32 @!p0 $0x108  }
0x21: {  	s3 =	sadd.s32 s3, s9;
	s6 =	sadd.s32 @!p0 $0x88, s6;
	s7 =	simm.s32 @p2 $0x1082  }
0x22: {  	[simem:s7], [sflag:s8] =	dma.local @!p0 [hbm:s6], $0xF7A  }
0x23: {  	s9 =	sor.u32 $0xD0000000, s2;
	s6 =	simm.s32 $0x108;
	_ =	swait.ge @!p0 [sflag:s8], $0x0  }
0x24: {  	s3 =	sadd.s32 $0x88, s3;
	s6 =	simm.s32 @!p1 $0x1082;
	[sflag:s4] =	ssyncset.s32 $0xFFFFF086  }
0x25: {  	[simem:s6], [sflag:s4] =	dma.local [hbm:s3], $0xF7A  }
0x26: {  	[smem:$0x3F99] =	sst s1;
	(tag) =	ssettag s2;
	_ =	strace s9  }
0x27: {  	s1 =	sld [smem:$0x3FA9]  }
0x28: {  	s2 =	sld [smem:$0x3FAA]  }
0x29: {  	s4 =	sld [smem:$0x3FAC]  }
0x2a: {  	p0 =	seq.s32 s5, $0x0;
	s5 =	sld [smem:$0x3FAD]  }
0x2b: {  	s6 =	sld [smem:$0x3FAE]  }
0x2c: {  	s7 =	sld [smem:$0x3FAF]  }
0x2d: {  	s3 =	simm.s32 $0x108;
	s8 =	sld [smem:$0x3FB0]  }
0x2e: {  	s3 =	simm.s32 @!p0 $0x1082;
	s9 =	sld [smem:$0x3FB1]  }
0x2f: {  	lr =	sadd.s32 s0, s3;
	s0 =	sld [smem:$0x3FA8]  }
0x30: {  	s3 =	sld [smem:$0x3FAB]  }
0x31: {  	[smem:$0x3FB4] =	sst s10  }
0x32: {  	s10 =	sld [smem:$0x3FB2];
	_ =	sdelay $0x3  }
0x33: {  	p0 =	seq.s32 s10, $0x1;
	s10 =	sld [smem:$0x3FB4];
	_ =	sdelay $0x3  }
0x34: {  	[smem:$0x3FB4] =	sst s10  }
0x35: {  	s10 =	sld [smem:$0x3FB3];
	_ =	sdelay $0x3  }
0x36: {  	p1 =	seq.s32 s10, $0x1;
	s10 =	sld [smem:$0x3FB4];
	_ =	sdelay $0x3  }
0x37: {  	[smem:$0x3FB4] =	sst s10  }
0x38: {  	s10 =	sld [smem:$0x3FB5]  }
0x39: {  	_ = 	snop;
	(pc) =	sbr.ind lr, $3  }
0x3a: {  	_ = 	snop  }
0x3b: {  	_ = 	snop  }
0x3c: {  	p2 =	seq.s32 s10, $0x1;
	s10 =	sld [smem:$0x3FB4]  }
0x3d: {  	_ =	shalt  }
0x3e: {  	_ =	shalt  }
0x3f: {  	_ =	shalt  }
0x40: {  	_ =	shalt  }
0x41: {  	_ =	shalt  }
0x42: {  	_ =	shalt  }
0x43: {  	_ =	shalt  }
0x44: {  	_ =	shalt  }
0x45: {  	_ =	shalt  }
0x46: {  	_ =	shalt  }
0x47: {  	_ =	shalt  }
0x48: {  	_ =	shalt  }
0x49: {  	_ =	shalt  }
0x4a: {  	_ =	shalt  }
0x4b: {  	_ =	shalt  }
0x4c: {  	_ =	shalt  }
0x4d: {  	_ =	shalt  }
0x4e: {  	_ =	shalt  }
0x4f: {  	_ =	shalt  }
0x50: {  	_ =	shalt  }
0x51: {  	_ =	shalt  }
0x52: {  	_ =	shalt  }
0x53: {  	_ =	shalt  }
0x54: {  	_ =	shalt  }
0x55: {  	_ =	shalt  }
0x56: {  	_ =	shalt  }
0x57: {  	_ =	shalt  }
0x58: {  	_ =	shalt  }
0x59: {  	_ =	shalt  }
0x5a: {  	_ =	shalt  }
0x5b: {  	_ =	shalt  }
0x5c: {  	_ =	shalt  }
0x5d: {  	_ =	shalt  }
0x5e: {  	_ =	shalt  }
0x5f: {  	_ =	shalt  }
0x60: {  	_ =	shalt  }
0x61: {  	_ =	shalt  }
0x62: {  	_ =	shalt  }
0x63: {  	_ =	shalt  }
0x64: {  	_ =	shalt  }
0x65: {  	_ =	shalt  }
0x66: {  	_ =	shalt  }
0x67: {  	_ =	shalt  }
0x68: {  	_ =	shalt  }
0x69: {  	_ =	shalt  }
0x6a: {  	_ =	shalt  }
0x6b: {  	_ =	shalt  }
0x6c: {  	_ =	shalt  }
0x6d: {  	_ =	shalt  }
0x6e: {  	_ =	shalt  }
0x6f: {  	_ =	shalt  }
0x70: {  	_ =	shalt  }
0x71: {  	_ =	shalt  }
0x72: {  	_ =	shalt  }
0x73: {  	_ =	shalt  }
0x74: {  	_ =	shalt  }
0x75: {  	_ =	shalt  }
0x76: {  	_ =	shalt  }
0x77: {  	_ =	shalt  }
0x78: {  	_ =	shalt  }
0x79: {  	_ =	shalt  }
0x7a: {  	_ =	shalt  }
0x7b: {  	_ =	shalt  }
0x7c: {  	_ =	shalt  }
0x7d: {  	_ =	shalt  }
0x7e: {  	_ =	shalt  }
0x7f: {  	_ =	shalt  }
0x80: {  	_ =	shalt  }
0x81: {  	_ =	shalt  }
0x82: {  	_ =	shalt  }
0x83: {  	_ =	shalt  }
0x84: {  	_ =	shalt  }
0x85: {  	_ =	shalt  }
0x86: {  	_ =	shalt  }
0x87: {  	_ =	shalt  }
.Lfunc_end0:
.L_simem_size_0:
called_computation.1_lowered:
.L_overlay_start_0:
0x88: {  	s2 =	sld [smem:$0x3FD9]  }
0x89: {  	s3 =	sld [smem:$0x3FFE];
	_ =	sdelay $0x1  }
0x8a: {  	s1 =	srdreg.scid  }
0x8b: {  	s0 =	sand.u32 $0x1, s1  }
0x8c: {  	s17 =	sshll.u32 s0, $0xA;
	s2 =	sadd.s32 s3, s2  }
0x8d: {  	s2 =	sadd.s32 s2, s17  }
0x8e: {  	[smem:$0x3FC0] =	sst s2  }
0x8f: {  	_ = 	snop  }
0x90: {  	s2 =	sld [smem:$0x3FD0];
	(tm) =	ssettm $0x1  }
0x91: {  	s18 =	sld [smem:$0x3FFB];
	_ =	sdelay $0x3  }
0x92: {  	_ =	strace s18  }
0x93: {  	s3 =	sld [smem:$0x3FFC];
	_ =	sdelay $0x3  }
0x94: {  	_ =	strace s3  }
0x95: {  	s3 =	sld [smem:$0x3FFD];
	_ =	sdelay $0x3  }
0x96: {  	_ =	strace s3  }
0x97: {  	_ =	strace $0x8FFFFFFF  }
0x98: {  	s19 =	sld [smem:$0x3FDB];
	_ =	sdelay $0x1  }
0x99: {  	s4 =	simm.s32 $_scs_section_size  }
0x9a: {  	s5 =	simm.s32 $_size__tile_overlayer_lowered;
	s6 =	simm.s32 $_tile_overlayer_lowered  }
0x9b: {  	s22 =	simm.s32 $0x1BFF;
	s21 =	sshll.u32 s6, $0x1;
	s3 =	sadd.s32 s4, s19  }
0x9c: {  	s7 =	simm.s32 $0x0;
	s20 =	sshll.u32 s5, $0x1;
	s5 =	sadd.s32 s21, s3  }
0x9d: {  	[timem:s7], [sflag:s22] =	dma.local [hbm:s5], s20  }
0x9e: {  	_ =	swait.ge [sflag:s22], s20  }
0x9f: {  	s4 =	ssub.s32 $0x0, s20;
	[sflag:s22] =	ssyncset.done $0x0  }
0xa0: {  	[sflag:s22] =	ssyncadd.s32 s4;
	_ =	sdelay $0x1  }
0xa1: {  	s23 =	simm.s32 $0x1B8B  }
0xa2: {  	_ =	swait.ge [sflag:s23], $0x1  }
0xa3: {  	[sflag:s23] =	ssyncset.done $0x0  }
0xa4: {  	s25 =	simm.s32 $0x1B8E;
	s24 =	sld [smem:$0x3FFE];
	[sflag:s23] =	ssyncadd.s32 $0xFFFFFFFF  }
0xa5: {  	s26 =	simm.s32 $execute0_lowered;
	[smem:$0x3FD2] =	sst s25  }
0xa6: {  	s5 =	sshll.u32 s26, $0x1;
	_ =	strace $0x80000049;
	[dreg:$0x1] =	wrdreg $0xFFFFFFFF  }
0xa7: {  	s28 =	simm.s32 $_size_execute0_lowered;
	s3 =	sadd.s32 s3, s5;
	[dreg:$0x0] =	wrdreg $0x0  }
0xa8: {  	s5 =	sshll.u32 s28, $0x1;
	[dreg:$0x2] =	wrdreg s3  }
0xa9: {  	[dreg:$0x3] =	wrdreg s5  }
0xaa: {  	[dreg:$0x4] =	wrdreg $0xC0  }
0xab: {  	_ =	task [dreg:s7], $0x5FFFF  }
0xac: {  	[dreg:$0x1] =	wrdreg $0xFFFFFFFF  }
0xad: {  	[dreg:$0x0] =	wrdreg $0x60  }
0xae: {  	[dreg:$0x2] =	wrdreg s24  }
0xaf: {  	[dreg:$0x3] =	wrdreg s2  }
0xb0: {  	[dreg:$0x4] =	wrdreg $0x21000  }
0xb1: {  	[dreg:$0x5] =	wrdreg $0x9  }
0xb2: {  	_ =	task.clear_ibuf [dreg:s7], $0x6FFFF;
	_ =	strace $0x90000049  }
0xb3: {  	s29 =	simm.s32 $0x9;
	_ =	strace $0x8000004B  }
0xb4: {  	_ =	swait.ge [sflag:s29], $0x1  }
0xb5: {  	[sflag:s29] =	ssyncadd.s32 $0xFFFFFFFF  }
0xb6: {  	_ =	strace $0x9000004B  }
0xb7: {  	_ =	sfence  }
0xb8: {  	s30 =	sld [smem:$0x0];
	_ =	sdelay $0x2  }
0xb9: {  	s31 =	sshll.u32 s1, $0xD;
	s1 =	sshrl.u32 s1, $0x2  }
0xba: {  	s3 =	sand.u32 $0x4000, s31;
	s1 =	sadd.s32 s1, s30  }
0xbb: {  	s0 =	sor.u32 s3, s0;
	s1 =	sshll.u32 s1, $0x11  }
0xbc: {  	s0 =	sor.u32 s1, s0  }
0xbd: {  	s0 =	sadd.s32 $0x8F2B, s0  }
0xbe: {  	[sflag:s0] =	ssyncadd.remote.s32 $0x1  }
0xbf: {  	_ =	sfence.sel $0xFFFF  }
0xc0: {  	[dreg:$0x0] =	wrdreg $0xFFFFFFFF;
	(pc) =	sbr.abs _section_cstart, $3  }
0xc1: {  	[dreg:$0x1] =	wrdreg $0xFFFFFFFF  }
0xc2: {  	_ =	task.clear_ibuf [dreg:s7], $0x2FFFF;
	_ =	strace $0x9FFFFFFF  }
0xc3: {  	(tm) =	ssettm $0x7FFFFFFF  }
tec
execute0_lowered:
.L_overlay_start_1:
0x0: {  	(tag) =	ssettag $0x1  }
0x1: {  	s4 =	rddreg [dreg:$0x0]  }
0x2: {  	s0 =	srdreg.scid;
	s1 =	rddreg [dreg:$0x1]  }
0x3: {  	s14 =	stileid.u32;
	s2 =	rddreg [dreg:$0x2];
	s3 =	simm.s32 $0x0  }
0x4: {  	s29 =	simm.s32 $0x100;
	s30 =	simm.s32 $0x4;
	s5 =	smul.u32 $0x4E80, s14  }
0x5: {  	s31 =	simm.s32 $0x80;
	s0 =	sand.u32 $0x1, s0;
	s7 =	smul.u32 $0x14000, s14  }
0x6: {  	[smem:$0x7FF] =	sst s3;
	s6 =	smul.u32 $0x2740, s0;
	s16 =	ssub.s32 $0x2, s0  }
0x7: {  	s0 =	smul.u32 $0x140000, s0;
	s8 =	sshrl.u32 s16, $0x1;
	s9 =	sadd.s32 $0x4000, s7  }
0x8: {  	s12 =	sadd.s32 $0x6000, s7;
	s19 =	sadd.s32 $0x8000, s7;
	s20 =	sadd.s32 $0xA000, s7  }
0x9: {  	s21 =	sadd.s32 $0xC000, s7;
	s22 =	sadd.s32 $0xE000, s7;
	s23 =	sadd.s32 $0x10000, s7  }
0xa: {  	s5 =	sadd.s32 s6, s5;
	s6 =	ssub.s32 s16, s8;
	s8 =	sor.u32 $0x2000, s7  }
0xb: {  	s10 =	sadd.s32 s7, s0;
	s7 =	sadd.s32 $0x12000, s7;
	s18 =	sadd.s32 s0, s9  }
0xc: {  	s24 =	sadd.s32 s0, s12;
	s13 =	sadd.s32 s0, s19;
	s15 =	sadd.s32 s0, s21  }
0xd: {  	s16 =	sadd.s32 s0, s22;
	s19 =	sadd.s32 s19, s2;
	s21 =	sadd.s32 s21, s2  }
0xe: {  	s22 =	sadd.s32 s22, s2;
	s5 =	sshrl.u32 s5, $0x3;
	s11 =	sadd.s32 s0, s8  }
0xf: {  	s10 =	sshrl.u32 s10, $0x3;
	s25 =	sshrl.u32 s24, $0x3;
	s26 =	sshrl.u32 s13, $0x3  }
0x10: {  	s13 =	sadd.s32 s0, s20;
	s5 =	sadd.s32 s5, s4;
	s4 =	sadd.s32 $0x15A00, s4  }
0x11: {  	s20 =	sadd.s32 s20, s2;
	s11 =	sshrl.u32 s11, $0x3;
	s10 =	sadd.s32 s4, s10  }
0x12: {  	s17 =	sadd.s32 s4, s11;
	s11 =	sadd.s32 s4, s26;
	[dreg:$0x4] =	wrdreg s10  }
0x13: {  	s28 =	sadd.s32 $0xBC00, s5;
	[dreg:$0x5] =	wrdreg s17;
	s10 =	sshrl.u32 s18, $0x3  }
0x14: {  	[dreg:$0x8] =	wrdreg s11;
	s17 =	sshrl.u32 s15, $0x3;
	s18 =	sshrl.u32 s16, $0x3  }
0x15: {  	s15 =	smul.u32 $0x50000, s14;
	s16 =	sadd.s32 s8, s2;
	s10 =	sadd.s32 s4, s10  }
0x16: {  	s24 =	sadd.s32 s4, s18;
	s18 =	sadd.s32 s12, s2;
	[dreg:$0x6] =	wrdreg s10  }
0x17: {  	s12 =	simm.s32 $0x1;
	s10 =	sadd.s32 s4, s25;
	[dreg:$0xb] =	wrdreg s24  }
0x18: {  	s25 =	sadd.s32 s0, s23;
	s0 =	sadd.s32 s0, s7;
	s26 =	sshrl.u32 s15, $0x2  }
0x19: {  	s23 =	sadd.s32 s23, s2;
	s24 =	sadd.s32 s7, s2;
	[dreg:$0x7] =	wrdreg s10  }
0x1a: {  	s10 =	sshrl.u32 s13, $0x3;
	s13 =	sshrl.u32 s25, $0x3;
	s0 =	sshrl.u32 s0, $0x3  }
0x1b: {  	s15 =	sadd.s32 s26, s2;
	s25 =	smax.u32 s6, $0x1;
	s26 =	sadd.s32 $0x1E00, s5  }
0x1c: {  	s5 =	simm.s32 $0x2;
	s6 =	simm.s32 $0x0;
	s10 =	sadd.s32 s4, s10  }
0x1d: {  	s13 =	sadd.s32 s4, s13;
	[dreg:$0x9] =	wrdreg s10;
	s10 =	sadd.s32 s4, s17  }
0x1e: {  	s14 =	sadd.s32 s4, s0;
	s0 =	simm.s32 $0x40;
	[dreg:$0xa] =	wrdreg s10  }
0x1f: {  	v0 =	vimm.f32 $0.0e+00;
	s17 =	sadd.s32 s9, s2;
	s4 =	simm.s32 $0x3;
	_ =	strace $0x8000004A  }
.LBB2_1:
0x20: {  	s7 =	sand.u32 $0x7E00, s3  }
0x21: {  	s8 =	sand.u32 $0x70, s3;
	s9 =	sshrl.u32 s7, $0x2  }
0x22: {  	s7 =	simm.s32 $0x40;
	s9 =	sor.u32 s8, s9;
	s8 =	simm.s32 $0x0  }
.LBB2_2:
0x23: {  	p0 =	sne.s32 s7, $0x7FC0  }
0x24: {  	[tilespmem:s9+$0x100] =	vst v0;
	s8 =	sadd.s32 $0x10, s8;
	s9 =	smov.u32 s7;
	s7 =	sadd.s32 $0x40, s7  }
.Ltmp0:
0x25: {  	(pc) =	sbr.rel @p0 .LBB2_2-.Ltmp0, $4  }
0x26: {  	_ = 	snop  }
0x27: {  	s9 =	sand.u32 $0x7E00, s9  }
0x28: {  	s10 =	sand.u32 $0x70, s8;
	s9 =	sshrl.u32 s9, $0x2  }
0x29: {  	s9 =	sor.u32 s10, s9  }
0x2a: {  	[tilespmem:s9+$0x100] =	vst v0  }
0x2b: {  	[spmem:s15] =	stream.linear.scatter [tilespmem:s29], [sflag:$0x4], $0x2000, $0x38;
	[tilespmem:$0x16100] =	vst v63  }
0x2c: {  	_ =	swait.ge [sflag:s30], $0x2000  }
0x2d: {  	[sflag:s30] =	ssyncset.done $0x0  }
0x2e: {  	[sflag:s30] =	ssyncadd.s32 $0xFFFFE000  }
0x2f: {  	[spmem:s16] =	stream.linear.scatter [tilespmem:s29], [sflag:$0x4], $0x2000, $0x38;
	[tilespmem:$0x16100] =	vst v63  }
0x30: {  	_ =	swait.ge [sflag:s30], $0x2000  }
0x31: {  	[sflag:s30] =	ssyncset.done $0x0  }
0x32: {  	[sflag:s30] =	ssyncadd.s32 $0xFFFFE000  }
0x33: {  	[spmem:s17] =	stream.linear.scatter [tilespmem:s29], [sflag:$0x4], $0x2000, $0x38;
	[tilespmem:$0x16100] =	vst v63  }
0x34: {  	_ =	swait.ge [sflag:s30], $0x2000  }
0x35: {  	[sflag:s30] =	ssyncset.done $0x0  }
0x36: {  	[sflag:s30] =	ssyncadd.s32 $0xFFFFE000  }
0x37: {  	[spmem:s18] =	stream.linear.scatter [tilespmem:s29], [sflag:$0x4], $0x2000, $0x38;
	[tilespmem:$0x16100] =	vst v63  }
0x38: {  	_ =	swait.ge [sflag:s30], $0x2000  }
0x39: {  	[sflag:s30] =	ssyncset.done $0x0  }
0x3a: {  	[sflag:s30] =	ssyncadd.s32 $0xFFFFE000  }
0x3b: {  	[spmem:s19] =	stream.linear.scatter [tilespmem:s29], [sflag:$0x4], $0x2000, $0x38;
	[tilespmem:$0x16100] =	vst v63  }
0x3c: {  	_ =	swait.ge [sflag:s30], $0x2000  }
0x3d: {  	[sflag:s30] =	ssyncset.done $0x0  }
0x3e: {  	[sflag:s30] =	ssyncadd.s32 $0xFFFFE000  }
0x3f: {  	[spmem:s20] =	stream.linear.scatter [tilespmem:s29], [sflag:$0x4], $0x2000, $0x38;
	[tilespmem:$0x16100] =	vst v63  }
0x40: {  	_ =	swait.ge [sflag:s30], $0x2000  }
0x41: {  	[sflag:s30] =	ssyncset.done $0x0  }
0x42: {  	[sflag:s30] =	ssyncadd.s32 $0xFFFFE000  }
0x43: {  	[spmem:s21] =	stream.linear.scatter [tilespmem:s29], [sflag:$0x4], $0x2000, $0x38;
	[tilespmem:$0x16100] =	vst v63  }
0x44: {  	_ =	swait.ge [sflag:s30], $0x2000  }
0x45: {  	[sflag:s30] =	ssyncset.done $0x0  }
0x46: {  	[sflag:s30] =	ssyncadd.s32 $0xFFFFE000  }
0x47: {  	[spmem:s22] =	stream.linear.scatter [tilespmem:s29], [sflag:$0x4], $0x2000, $0x38;
	[tilespmem:$0x16100] =	vst v63  }
0x48: {  	_ =	swait.ge [sflag:s30], $0x2000  }
0x49: {  	[sflag:s30] =	ssyncset.done $0x0  }
0x4a: {  	[sflag:s30] =	ssyncadd.s32 $0xFFFFE000  }
0x4b: {  	[spmem:s23] =	stream.linear.scatter [tilespmem:s29], [sflag:$0x4], $0x2000, $0x38;
	[tilespmem:$0x16100] =	vst v63  }
0x4c: {  	_ =	swait.ge [sflag:s30], $0x2000  }
0x4d: {  	[sflag:s30] =	ssyncset.done $0x0  }
0x4e: {  	[sflag:s30] =	ssyncadd.s32 $0xFFFFE000  }
0x4f: {  	[spmem:s24] =	stream.linear.scatter [tilespmem:s29], [sflag:$0x4], $0x2000, $0x38;
	[tilespmem:$0x16100] =	vst v63  }
0x50: {  	_ =	swait.ge [sflag:s30], $0x2000  }
0x51: {  	[sflag:s30] =	ssyncset.done $0x0  }
0x52: {  	[sflag:s30] =	ssyncadd.s32 $0xFFFFE000  }
0x53: {  	s7 =	sadd.s32 $0x0, s28;
	[bflag:$0x0] =	sbarrier.arrive $0xFFFF  }
0x54: {  	[tilespmem:s3], [sflag:$0x1] =	stream.linear.gather [hbm4b:s7+s3], $0x40, $0x38;
	[tilespmem:$0x16100] =	vst v63  }
0x55: {  	s11 =	sadd.s32 $0x0, s26  }
0x56: {  	[tilespmem:s31], [sflag:$0x2] =	stream.linear.gather [hbm4b:s11+s3], $0x40, $0x38;
	[tilespmem:$0x16100] =	vst v63  }
0x57: {  	_ =	swait.ge [sflag:s12], $0x40  }
0x58: {  	[sflag:s12] =	ssyncset.done $0x0  }
0x59: {  	[sflag:s12] =	ssyncadd.s32 $0xFFFFFFC0  }
0x5a: {  	[tilespmem:s29], [sflag:$0x3] =	stream.indirect.gather [hbm4b:s1+s0], $0x80, s3, s0, $0xb8;
	[tilespmem:$0x16100] =	vst v63  }
0x5b: {  	_ =	swait.ge [sflag:s4], $0x2000  }
0x5c: {  	[sflag:s4] =	ssyncset.done $0x0  }
0x5d: {  	[sflag:s4] =	ssyncadd.s32 $0xFFFFE000  }
0x5e: {  	_ =	swait.ge [sflag:s5], $0x40  }
0x5f: {  	[sflag:s5] =	ssyncset.done $0x0  }
0x60: {  	[sflag:s5] =	ssyncadd.s32 $0xFFFFFFC0  }
0x61: {  	[spmem:s2] =	stream.indirect.scatter.add.f32 [tilespmem:s29], [sflag:$0x4], $0x80, s31, s0, $0xb8;
	[tilespmem:$0x16100] =	vst v63  }
0x62: {  	_ =	swait.ge [sflag:s30], $0x2000  }
0x63: {  	s8 =	simm.s32 $0x10;
	s7 =	simm.s32 $0x8;
	[sflag:s30] =	ssyncset.done $0x0  }
.LBB2_4:
0x64: {  	s9 =	sadd.s32 s7, s28  }
0x65: {  	[sflag:s30] =	ssyncadd.s32 $0xFFFFE000;
	s10 =	smov.u32 s8;
	s11 =	sadd.s32 $0x8, s8  }
0x66: {  	[tilespmem:s3], [sflag:$0x1] =	stream.linear.gather [hbm4b:s9+s3], $0x40, $0x38;
	[tilespmem:$0x16100] =	vst v63  }
0x67: {  	p0 =	sne.s32 s8, $0x4E0;
	s8 =	sadd.s32 s7, s26;
	s7 =	smov.u32 s10  }
0x68: {  	[tilespmem:s31], [sflag:$0x2] =	stream.linear.gather [hbm4b:s8+s3], $0x40, $0x38;
	[tilespmem:$0x16100] =	vst v63  }
0x69: {  	_ =	swait.ge [sflag:s12], $0x40  }
0x6a: {  	[sflag:s12] =	ssyncset.done $0x0  }
0x6b: {  	[sflag:s12] =	ssyncadd.s32 $0xFFFFFFC0  }
0x6c: {  	[tilespmem:s29], [sflag:$0x3] =	stream.indirect.gather [hbm4b:s1+s0], $0x80, s3, s0, $0xb8;
	[tilespmem:$0x16100] =	vst v63  }
0x6d: {  	_ =	swait.ge [sflag:s4], $0x2000  }
0x6e: {  	[sflag:s4] =	ssyncset.done $0x0  }
0x6f: {  	[sflag:s4] =	ssyncadd.s32 $0xFFFFE000  }
0x70: {  	_ =	swait.ge [sflag:s5], $0x40  }
.Ltmp1:
0x71: {  	[sflag:s5] =	ssyncset.done $0x0;
	(pc) =	sbr.rel @p0 .LBB2_4-.Ltmp1, $4  }
0x72: {  	[sflag:s5] =	ssyncadd.s32 $0xFFFFFFC0  }
0x73: {  	[spmem:s2] =	stream.indirect.scatter.add.f32 [tilespmem:s29], [sflag:$0x4], $0x80, s31, s0, $0xb8;
	[tilespmem:$0x16100] =	vst v63  }
0x74: {  	_ =	swait.ge [sflag:s30], $0x2000  }
0x75: {  	s8 =	smov.u32 s11;
	[sflag:s30] =	ssyncset.done $0x0  }
0x76: {  	s8 =	sadd.s32 s7, s28;
	[sflag:s30] =	ssyncadd.s32 $0xFFFFE000  }
0x77: {  	[tilespmem:s3], [sflag:$0x1] =	stream.linear.gather [hbm4b:s8+s3], $0x40, $0x38;
	[tilespmem:$0x16100] =	vst v63  }
0x78: {  	s11 =	sadd.s32 s7, s26  }
0x79: {  	[tilespmem:s31], [sflag:$0x2] =	stream.linear.gather [hbm4b:s11+s3], $0x40, $0x38;
	[tilespmem:$0x16100] =	vst v63  }
0x7a: {  	_ =	swait.ge [sflag:s12], $0x40  }
0x7b: {  	[sflag:s12] =	ssyncset.done $0x0  }
0x7c: {  	[sflag:s12] =	ssyncadd.s32 $0xFFFFFFC0  }
0x7d: {  	[tilespmem:s29], [sflag:$0x3] =	stream.indirect.gather [hbm4b:s1+s0], $0x80, s3, s0, $0xb8;
	[tilespmem:$0x16100] =	vst v63  }
0x7e: {  	_ =	swait.ge [sflag:s4], $0x2000  }
0x7f: {  	[sflag:s4] =	ssyncset.done $0x0  }
0x80: {  	[sflag:s4] =	ssyncadd.s32 $0xFFFFE000  }
0x81: {  	_ =	swait.ge [sflag:s5], $0x40  }
0x82: {  	[sflag:s5] =	ssyncset.done $0x0  }
0x83: {  	[sflag:s5] =	ssyncadd.s32 $0xFFFFFFC0  }
0x84: {  	[spmem:s2] =	stream.indirect.scatter.add.f32 [tilespmem:s29], [sflag:$0x4], $0x80, s31, s0, $0xb8;
	[tilespmem:$0x16100] =	vst v63  }
0x85: {  	_ =	swait.ge [sflag:s30], $0x2000  }
0x86: {  	[sflag:s30] =	ssyncset.done $0x0  }
0x87: {  	[sflag:s30] =	ssyncadd.s32 $0xFFFFE000  }
0x88: {  	[bflag:$0x0] =	sbarrier.arrive $0xFFFF  }
0x89: {  	[tilespmem:s29], [sflag:$0x4] =	stream.linear.gather [spmem:s15], $0x2000, $0x38;
	[tilespmem:$0x16100] =	vst v63  }
0x8a: {  	_ =	swait.ge [sflag:s30], $0x2000  }
0x8b: {  	[sflag:s30] =	ssyncset.done $0x0  }
0x8c: {  	s8 =	rddreg [dreg:$0x4];
	[sflag:s30] =	ssyncadd.s32 $0xFFFFE000  }
0x8d: {  	[hbm4b:s8+s3] =	stream.linear.scatter [tilespmem:s29], [sflag:$0x4], $0x2000, $0x38;
	[tilespmem:$0x16100] =	vst v63  }
0x8e: {  	_ =	swait.ge [sflag:s30], $0x2000  }
0x8f: {  	[sflag:s30] =	ssyncset.done $0x0  }
0x90: {  	[sflag:s30] =	ssyncadd.s32 $0xFFFFE000  }
0x91: {  	[tilespmem:s29], [sflag:$0x4] =	stream.linear.gather [spmem:s16], $0x2000, $0x38;
	[tilespmem:$0x16100] =	vst v63  }
0x92: {  	_ =	swait.ge [sflag:s30], $0x2000  }
0x93: {  	[sflag:s30] =	ssyncset.done $0x0  }
0x94: {  	s9 =	rddreg [dreg:$0x5];
	[sflag:s30] =	ssyncadd.s32 $0xFFFFE000  }
0x95: {  	[hbm4b:s9+s3] =	stream.linear.scatter [tilespmem:s29], [sflag:$0x4], $0x2000, $0x38;
	[tilespmem:$0x16100] =	vst v63  }
0x96: {  	_ =	swait.ge [sflag:s30], $0x2000  }
0x97: {  	[sflag:s30] =	ssyncset.done $0x0  }
0x98: {  	[sflag:s30] =	ssyncadd.s32 $0xFFFFE000  }
0x99: {  	[tilespmem:s29], [sflag:$0x4] =	stream.linear.gather [spmem:s17], $0x2000, $0x38;
	[tilespmem:$0x16100] =	vst v63  }
0x9a: {  	_ =	swait.ge [sflag:s30], $0x2000  }
0x9b: {  	[sflag:s30] =	ssyncset.done $0x0  }
0x9c: {  	s10 =	rddreg [dreg:$0x6];
	[sflag:s30] =	ssyncadd.s32 $0xFFFFE000  }
0x9d: {  	[hbm4b:s10+s3] =	stream.linear.scatter [tilespmem:s29], [sflag:$0x4], $0x2000, $0x38;
	[tilespmem:$0x16100] =	vst v63  }
0x9e: {  	_ =	swait.ge [sflag:s30], $0x2000  }
0x9f: {  	[sflag:s30] =	ssyncset.done $0x0  }
0xa0: {  	[sflag:s30] =	ssyncadd.s32 $0xFFFFE000  }
0xa1: {  	[tilespmem:s29], [sflag:$0x4] =	stream.linear.gather [spmem:s18], $0x2000, $0x38;
	[tilespmem:$0x16100] =	vst v63  }
0xa2: {  	_ =	swait.ge [sflag:s30], $0x2000  }
0xa3: {  	[sflag:s30] =	ssyncset.done $0x0  }
0xa4: {  	s11 =	rddreg [dreg:$0x7];
	[sflag:s30] =	ssyncadd.s32 $0xFFFFE000  }
0xa5: {  	[hbm4b:s11+s3] =	stream.linear.scatter [tilespmem:s29], [sflag:$0x4], $0x2000, $0x38;
	[tilespmem:$0x16100] =	vst v63  }
0xa6: {  	_ =	swait.ge [sflag:s30], $0x2000  }
0xa7: {  	[sflag:s30] =	ssyncset.done $0x0  }
0xa8: {  	[sflag:s30] =	ssyncadd.s32 $0xFFFFE000  }
0xa9: {  	[tilespmem:s29], [sflag:$0x4] =	stream.linear.gather [spmem:s19], $0x2000, $0x38;
	[tilespmem:$0x16100] =	vst v63  }
0xaa: {  	_ =	swait.ge [sflag:s30], $0x2000  }
0xab: {  	[sflag:s30] =	ssyncset.done $0x0  }
0xac: {  	s8 =	rddreg [dreg:$0x8];
	[sflag:s30] =	ssyncadd.s32 $0xFFFFE000  }
0xad: {  	[hbm4b:s8+s3] =	stream.linear.scatter [tilespmem:s29], [sflag:$0x4], $0x2000, $0x38;
	[tilespmem:$0x16100] =	vst v63  }
0xae: {  	_ =	swait.ge [sflag:s30], $0x2000  }
0xaf: {  	[sflag:s30] =	ssyncset.done $0x0  }
0xb0: {  	[sflag:s30] =	ssyncadd.s32 $0xFFFFE000  }
0xb1: {  	[tilespmem:s29], [sflag:$0x4] =	stream.linear.gather [spmem:s20], $0x2000, $0x38;
	[tilespmem:$0x16100] =	vst v63  }
0xb2: {  	_ =	swait.ge [sflag:s30], $0x2000  }
0xb3: {  	[sflag:s30] =	ssyncset.done $0x0  }
0xb4: {  	s9 =	rddreg [dreg:$0x9];
	[sflag:s30] =	ssyncadd.s32 $0xFFFFE000  }
0xb5: {  	[hbm4b:s9+s3] =	stream.linear.scatter [tilespmem:s29], [sflag:$0x4], $0x2000, $0x38;
	[tilespmem:$0x16100] =	vst v63  }
0xb6: {  	_ =	swait.ge [sflag:s30], $0x2000  }
0xb7: {  	[sflag:s30] =	ssyncset.done $0x0  }
0xb8: {  	[sflag:s30] =	ssyncadd.s32 $0xFFFFE000  }
0xb9: {  	[tilespmem:s29], [sflag:$0x4] =	stream.linear.gather [spmem:s21], $0x2000, $0x38;
	[tilespmem:$0x16100] =	vst v63  }
0xba: {  	_ =	swait.ge [sflag:s30], $0x2000  }
0xbb: {  	[sflag:s30] =	ssyncset.done $0x0  }
0xbc: {  	s10 =	rddreg [dreg:$0xa];
	[sflag:s30] =	ssyncadd.s32 $0xFFFFE000  }
0xbd: {  	[hbm4b:s10+s3] =	stream.linear.scatter [tilespmem:s29], [sflag:$0x4], $0x2000, $0x38;
	[tilespmem:$0x16100] =	vst v63  }
0xbe: {  	_ =	swait.ge [sflag:s30], $0x2000  }
0xbf: {  	[sflag:s30] =	ssyncset.done $0x0  }
0xc0: {  	[sflag:s30] =	ssyncadd.s32 $0xFFFFE000  }
0xc1: {  	[tilespmem:s29], [sflag:$0x4] =	stream.linear.gather [spmem:s22], $0x2000, $0x38;
	[tilespmem:$0x16100] =	vst v63  }
0xc2: {  	_ =	swait.ge [sflag:s30], $0x2000  }
0xc3: {  	[sflag:s30] =	ssyncset.done $0x0  }
0xc4: {  	s11 =	rddreg [dreg:$0xb];
	[sflag:s30] =	ssyncadd.s32 $0xFFFFE000  }
0xc5: {  	[hbm4b:s11+s3] =	stream.linear.scatter [tilespmem:s29], [sflag:$0x4], $0x2000, $0x38;
	[tilespmem:$0x16100] =	vst v63  }
0xc6: {  	_ =	swait.ge [sflag:s30], $0x2000  }
0xc7: {  	[sflag:s30] =	ssyncset.done $0x0  }
0xc8: {  	[sflag:s30] =	ssyncadd.s32 $0xFFFFE000  }
0xc9: {  	[tilespmem:s29], [sflag:$0x4] =	stream.linear.gather [spmem:s23], $0x2000, $0x38;
	[tilespmem:$0x16100] =	vst v63  }
0xca: {  	_ =	swait.ge [sflag:s30], $0x2000  }
0xcb: {  	[sflag:s30] =	ssyncset.done $0x0  }
0xcc: {  	[sflag:s30] =	ssyncadd.s32 $0xFFFFE000  }
0xcd: {  	[hbm4b:s13+s3] =	stream.linear.scatter [tilespmem:s29], [sflag:$0x4], $0x2000, $0x38;
	[tilespmem:$0x16100] =	vst v63  }
0xce: {  	_ =	swait.ge [sflag:s30], $0x2000  }
0xcf: {  	[sflag:s30] =	ssyncset.done $0x0  }
0xd0: {  	[sflag:s30] =	ssyncadd.s32 $0xFFFFE000  }
0xd1: {  	[tilespmem:s29], [sflag:$0x4] =	stream.linear.gather [spmem:s24], $0x2000, $0x38;
	[tilespmem:$0x16100] =	vst v63  }
0xd2: {  	s6 =	sadd.s32 $0x1, s6;
	_ =	swait.ge [sflag:s30], $0x2000  }
0xd3: {  	p0 =	sne.s32 s6, s25;
	[sflag:s30] =	ssyncset.done $0x0  }
.Ltmp2:
0xd4: {  	[sflag:s30] =	ssyncadd.s32 $0xFFFFE000;
	(pc) =	sbr.rel @p0 .LBB2_1-.Ltmp2, $4  }
0xd5: {  	[hbm4b:s14+s3] =	stream.linear.scatter [tilespmem:s29], [sflag:$0x4], $0x2000, $0x38;
	[tilespmem:$0x16100] =	vst v63  }
0xd6: {  	_ =	swait.ge [sflag:s30], $0x2000  }
0xd7: {  	[sflag:s30] =	ssyncset.done $0x0  }
0xd8: {  	[sflag:s30] =	ssyncadd.s32 $0xFFFFE000  }
0xd9: {  	_ =	sfence.sel $0x180000  }
0xda: {  	[bflag:$0x0] =	sbarrier.arrive $0xFFFF  }
0xdb: {  	_ =	strace $0x9000004A  }
0xdc: {  	s0 =	stileid.u32;
	[bflag:$0x2] =	sbarrier.arrive $0xFFFF  }
0xdd: {  	p0 =	sne.s32 s0, $0x0;
	s0 =	rddreg [dreg:$0x3]  }
0xde: {  	s0 =	sadd.s32 @!p0 $0x100000, s0  }
0xdf: {  	[sflag:s0] =	ssyncadd.tile.s32 @!p0 $0x1;
	_ =	shalt  }
.Lfunc_end2:
_tile_overlayer_lowered:
.L_overlay_start_2:
0xe0: {  	(tag) =	ssettag $0x2  }
0xe1: {  	s0 =	rddreg [dreg:$0x0];
	s2 =	stileid.u32  }
0xe2: {  	s1 =	rddreg [dreg:$0x1];
	p0 =	sne.s32 s2, $0x0  }
0xe3: {  	s3 =	rddreg [dreg:$0x2];
	[bflag:$0x3] =	sbarrier.arrive $0xFFFF;
	s2 =	simm.s32 @!p0 $0x1C04  }
0xe4: {  	[timem:s3], [sflag:s2] =	dma.local @!p0 [hbm:s0], s1  }
0xe5: {  	s0 =	simm.s32 @!p0 $0x4  }
0xe6: {  	_ =	swait.ge @!p0 [sflag:s0], s1  }
0xe7: {  	s1 =	ssub.s32 @!p0 $0x0, s1;
	[sflag:s0] =	ssyncset.done @!p0 $0x0  }
0xe8: {  	[sflag:s0] =	ssyncadd.s32 @!p0 s1  }
0xe9: {  	[bflag:$0x3] =	sbarrier.arrive $0xFFFF  }
0xea: {  	_ =	shalt  }

// kernel: kernel.8.cloned.1.call-start
scs
__scs_entry_jumppad:
0x0: {  	(pc) =	sbr.rel $0x88, $3  }
0x1: {  	(tag) =	ssettag $0x0;
	lr =	simm.s32 $0x1  }
0x2: {  	[smem:$0x3F99] =	sst lr;
	_ =	strace $0xD0000000  }
0x3: {  	_ = 	snop  }
0x4: {  	_ = 	snop  }
0x5: {  	_ = 	snop  }
0x6: {  	_ = 	snop  }
0x7: {  	_ = 	snop  }
__scs_overlays_trampoline_lowered:
0x8: {  	[smem:$0x3FA8] =	sst s0  }
0x9: {  	[smem:$0x3FA9] =	sst s1  }
0xa: {  	[smem:$0x3FAA] =	sst s2  }
0xb: {  	[smem:$0x3FAB] =	sst s3  }
0xc: {  	[smem:$0x3FAC] =	sst s4  }
0xd: {  	[smem:$0x3FAD] =	sst s5  }
0xe: {  	[smem:$0x3FAE] =	sst s6  }
0xf: {  	[smem:$0x3FAF] =	sst s7  }
0x10: {  	[smem:$0x3FB0] =	sst s8  }
0x11: {  	[smem:$0x3FB1] =	sst s9;
	s0 =	simm.s32 @!p0 $0x0  }
0x12: {  	s1 =	sld [smem:$0x3F97];
	s0 =	simm.s32 @p0 $0x1  }
0x13: {  	[smem:$0x3FB2] =	sst s0;
	s0 =	simm.s32 @!p1 $0x0  }
0x14: {  	s2 =	sld [smem:$0x3F96];
	s0 =	simm.s32 @p1 $0x1  }
0x15: {  	[smem:$0x3FB3] =	sst s0;
	s0 =	simm.s32 @!p2 $0x0  }
0x16: {  	s3 =	sld [smem:$0x3FDB];
	s0 =	simm.s32 @p2 $0x1  }
0x17: {  	s4 =	simm.s32 $0x1BF5;
	[smem:$0x3FB5] =	sst s0  }
0x18: {  	s0 =	sld [smem:$0x3F98];
	_ =	swait.ge [sflag:s4], $0x0  }
0x19: {  	s7 =	sld [smem:$0x3F99]  }
0x1a: {  	s8 =	sadd.s32 $0xFFFFE003, lr  }
0x1b: {  	s9 =	sadd.s32 $0xFFFFFEF7, lr;
	s5 =	simm.s32 $0xFFFFFFFF;
	p2 =	slt.u32 s8, $0xFFFFF086  }
0x1c: {  	p1 =	slt.u32 s9, $0xF7A;
	s5 =	simm.s32 @!p2 $0x0  }
0x1d: {  	s5 =	simm.s32 @p1 $0x1;
	p0 =	seq.s32 s7, s2  }
0x1e: {  	s7 =	smul.u32 @!p0 $0xF7A, s2;
	p2 =	seq.s32 @!p0 s5, $0x0  }
0x1f: {  	s9 =	smul.u32 $0xF7A, s1;
	s8 =	simm.s32 @!p0 $0x1BF5;
	p2 =	por !p2, p0  }
0x20: {  	[sflag:s8] =	ssyncset.s32 @!p0 $0xFFFFF086;
	s6 =	sadd.s32 @!p0 s3, s7;
	s7 =	simm.s32 @!p0 $0x108  }
0x21: {  	s3 =	sadd.s32 s3, s9;
	s6 =	sadd.s32 @!p0 $0x88, s6;
	s7 =	simm.s32 @p2 $0x1082  }
0x22: {  	[simem:s7], [sflag:s8] =	dma.local @!p0 [hbm:s6], $0xF7A  }
0x23: {  	s9 =	sor.u32 $0xD0000000, s2;
	s6 =	simm.s32 $0x108;
	_ =	swait.ge @!p0 [sflag:s8], $0x0  }
0x24: {  	s3 =	sadd.s32 $0x88, s3;
	s6 =	simm.s32 @!p1 $0x1082;
	[sflag:s4] =	ssyncset.s32 $0xFFFFF086  }
0x25: {  	[simem:s6], [sflag:s4] =	dma.local [hbm:s3], $0xF7A  }
0x26: {  	[smem:$0x3F99] =	sst s1;
	(tag) =	ssettag s2;
	_ =	strace s9  }
0x27: {  	s1 =	sld [smem:$0x3FA9]  }
0x28: {  	s2 =	sld [smem:$0x3FAA]  }
0x29: {  	s4 =	sld [smem:$0x3FAC]  }
0x2a: {  	p0 =	seq.s32 s5, $0x0;
	s5 =	sld [smem:$0x3FAD]  }
0x2b: {  	s6 =	sld [smem:$0x3FAE]  }
0x2c: {  	s7 =	sld [smem:$0x3FAF]  }
0x2d: {  	s3 =	simm.s32 $0x108;
	s8 =	sld [smem:$0x3FB0]  }
0x2e: {  	s3 =	simm.s32 @!p0 $0x1082;
	s9 =	sld [smem:$0x3FB1]  }
0x2f: {  	lr =	sadd.s32 s0, s3;
	s0 =	sld [smem:$0x3FA8]  }
0x30: {  	s3 =	sld [smem:$0x3FAB]  }
0x31: {  	[smem:$0x3FB4] =	sst s10  }
0x32: {  	s10 =	sld [smem:$0x3FB2];
	_ =	sdelay $0x3  }
0x33: {  	p0 =	seq.s32 s10, $0x1;
	s10 =	sld [smem:$0x3FB4];
	_ =	sdelay $0x3  }
0x34: {  	[smem:$0x3FB4] =	sst s10  }
0x35: {  	s10 =	sld [smem:$0x3FB3];
	_ =	sdelay $0x3  }
0x36: {  	p1 =	seq.s32 s10, $0x1;
	s10 =	sld [smem:$0x3FB4];
	_ =	sdelay $0x3  }
0x37: {  	[smem:$0x3FB4] =	sst s10  }
0x38: {  	s10 =	sld [smem:$0x3FB5]  }
0x39: {  	_ = 	snop;
	(pc) =	sbr.ind lr, $3  }
0x3a: {  	_ = 	snop  }
0x3b: {  	_ = 	snop  }
0x3c: {  	p2 =	seq.s32 s10, $0x1;
	s10 =	sld [smem:$0x3FB4]  }
0x3d: {  	_ =	shalt  }
0x3e: {  	_ =	shalt  }
0x3f: {  	_ =	shalt  }
0x40: {  	_ =	shalt  }
0x41: {  	_ =	shalt  }
0x42: {  	_ =	shalt  }
0x43: {  	_ =	shalt  }
0x44: {  	_ =	shalt  }
0x45: {  	_ =	shalt  }
0x46: {  	_ =	shalt  }
0x47: {  	_ =	shalt  }
0x48: {  	_ =	shalt  }
0x49: {  	_ =	shalt  }
0x4a: {  	_ =	shalt  }
0x4b: {  	_ =	shalt  }
0x4c: {  	_ =	shalt  }
0x4d: {  	_ =	shalt  }
0x4e: {  	_ =	shalt  }
0x4f: {  	_ =	shalt  }
0x50: {  	_ =	shalt  }
0x51: {  	_ =	shalt  }
0x52: {  	_ =	shalt  }
0x53: {  	_ =	shalt  }
0x54: {  	_ =	shalt  }
0x55: {  	_ =	shalt  }
0x56: {  	_ =	shalt  }
0x57: {  	_ =	shalt  }
0x58: {  	_ =	shalt  }
0x59: {  	_ =	shalt  }
0x5a: {  	_ =	shalt  }
0x5b: {  	_ =	shalt  }
0x5c: {  	_ =	shalt  }
0x5d: {  	_ =	shalt  }
0x5e: {  	_ =	shalt  }
0x5f: {  	_ =	shalt  }
0x60: {  	_ =	shalt  }
0x61: {  	_ =	shalt  }
0x62: {  	_ =	shalt  }
0x63: {  	_ =	shalt  }
0x64: {  	_ =	shalt  }
0x65: {  	_ =	shalt  }
0x66: {  	_ =	shalt  }
0x67: {  	_ =	shalt  }
0x68: {  	_ =	shalt  }
0x69: {  	_ =	shalt  }
0x6a: {  	_ =	shalt  }
0x6b: {  	_ =	shalt  }
0x6c: {  	_ =	shalt  }
0x6d: {  	_ =	shalt  }
0x6e: {  	_ =	shalt  }
0x6f: {  	_ =	shalt  }
0x70: {  	_ =	shalt  }
0x71: {  	_ =	shalt  }
0x72: {  	_ =	shalt  }
0x73: {  	_ =	shalt  }
0x74: {  	_ =	shalt  }
0x75: {  	_ =	shalt  }
0x76: {  	_ =	shalt  }
0x77: {  	_ =	shalt  }
0x78: {  	_ =	shalt  }
0x79: {  	_ =	shalt  }
0x7a: {  	_ =	shalt  }
0x7b: {  	_ =	shalt  }
0x7c: {  	_ =	shalt  }
0x7d: {  	_ =	shalt  }
0x7e: {  	_ =	shalt  }
0x7f: {  	_ =	shalt  }
0x80: {  	_ =	shalt  }
0x81: {  	_ =	shalt  }
0x82: {  	_ =	shalt  }
0x83: {  	_ =	shalt  }
0x84: {  	_ =	shalt  }
0x85: {  	_ =	shalt  }
0x86: {  	_ =	shalt  }
0x87: {  	_ =	shalt  }
.Lfunc_end0:
.L_simem_size_0:
called_computation_lowered:
.L_overlay_start_0:
0x88: {  	s2 =	sld [smem:$0x3FD9]  }
0x89: {  	s3 =	sld [smem:$0x3FFE];
	_ =	sdelay $0x1  }
0x8a: {  	s1 =	srdreg.scid  }
0x8b: {  	s0 =	sand.u32 $0x1, s1  }
0x8c: {  	s17 =	sshll.u32 s0, $0xA;
	s2 =	sadd.s32 s3, s2  }
0x8d: {  	s2 =	sadd.s32 s2, s17  }
0x8e: {  	[smem:$0x3FC0] =	sst s2  }
0x8f: {  	_ = 	snop  }
0x90: {  	s2 =	sld [smem:$0x3FD0];
	(tm) =	ssettm $0x1  }
0x91: {  	s18 =	sld [smem:$0x3FFB];
	_ =	sdelay $0x3  }
0x92: {  	_ =	strace s18  }
0x93: {  	s3 =	sld [smem:$0x3FFC];
	_ =	sdelay $0x3  }
0x94: {  	_ =	strace s3  }
0x95: {  	s3 =	sld [smem:$0x3FFD];
	_ =	sdelay $0x3  }
0x96: {  	_ =	strace s3  }
0x97: {  	_ =	strace $0x8FFFFFFF  }
0x98: {  	s19 =	sld [smem:$0x3FDB];
	_ =	sdelay $0x1  }
0x99: {  	s4 =	simm.s32 $_scs_section_size  }
0x9a: {  	s5 =	simm.s32 $_size__tile_overlayer_lowered;
	s6 =	simm.s32 $_tile_overlayer_lowered  }
0x9b: {  	s22 =	simm.s32 $0x1BFF;
	s21 =	sshll.u32 s6, $0x1;
	s3 =	sadd.s32 s4, s19  }
0x9c: {  	s7 =	simm.s32 $0x0;
	s20 =	sshll.u32 s5, $0x1;
	s5 =	sadd.s32 s21, s3  }
0x9d: {  	[timem:s7], [sflag:s22] =	dma.local [hbm:s5], s20  }
0x9e: {  	_ =	swait.ge [sflag:s22], s20  }
0x9f: {  	s4 =	ssub.s32 $0x0, s20;
	[sflag:s22] =	ssyncset.done $0x0  }
0xa0: {  	[sflag:s22] =	ssyncadd.s32 s4;
	_ =	sdelay $0x1  }
0xa1: {  	s23 =	simm.s32 $0x1B8B  }
0xa2: {  	_ =	swait.ge [sflag:s23], $0x1  }
0xa3: {  	[sflag:s23] =	ssyncset.done $0x0  }
0xa4: {  	s25 =	simm.s32 $0x1B8E;
	s24 =	sld [smem:$0x3FFE];
	[sflag:s23] =	ssyncadd.s32 $0xFFFFFFFF  }
0xa5: {  	s26 =	simm.s32 $execute0_lowered;
	[smem:$0x3FD2] =	sst s25  }
0xa6: {  	s5 =	sshll.u32 s26, $0x1;
	_ =	strace $0x80000046;
	[dreg:$0x1] =	wrdreg $0xFFFFFFFF  }
0xa7: {  	s28 =	simm.s32 $_size_execute0_lowered;
	s3 =	sadd.s32 s3, s5;
	[dreg:$0x0] =	wrdreg $0x0  }
0xa8: {  	s5 =	sshll.u32 s28, $0x1;
	[dreg:$0x2] =	wrdreg s3  }
0xa9: {  	[dreg:$0x3] =	wrdreg s5  }
0xaa: {  	[dreg:$0x4] =	wrdreg $0xC0  }
0xab: {  	_ =	task [dreg:s7], $0x5FFFF  }
0xac: {  	[dreg:$0x1] =	wrdreg $0xFFFFFFFF  }
0xad: {  	[dreg:$0x0] =	wrdreg $0x60  }
0xae: {  	[dreg:$0x2] =	wrdreg s24  }
0xaf: {  	[dreg:$0x3] =	wrdreg s2  }
0xb0: {  	[dreg:$0x4] =	wrdreg $0x21000  }
0xb1: {  	[dreg:$0x5] =	wrdreg $0x164000  }
0xb2: {  	[dreg:$0x6] =	wrdreg $0x9  }
0xb3: {  	_ =	task.clear_ibuf [dreg:s7], $0x7FFFF;
	_ =	strace $0x90000046  }
0xb4: {  	s29 =	simm.s32 $0x9;
	_ =	strace $0x80000048  }
0xb5: {  	_ =	swait.ge [sflag:s29], $0x1  }
0xb6: {  	[sflag:s29] =	ssyncadd.s32 $0xFFFFFFFF  }
0xb7: {  	_ =	strace $0x90000048  }
0xb8: {  	_ =	sfence  }
0xb9: {  	s30 =	sld [smem:$0x0];
	_ =	sdelay $0x2  }
0xba: {  	s31 =	sshll.u32 s1, $0xD;
	s1 =	sshrl.u32 s1, $0x2  }
0xbb: {  	s3 =	sand.u32 $0x4000, s31;
	s1 =	sadd.s32 s1, s30  }
0xbc: {  	s0 =	sor.u32 s3, s0;
	s1 =	sshll.u32 s1, $0x11  }
0xbd: {  	s0 =	sor.u32 s1, s0  }
0xbe: {  	s0 =	sadd.s32 $0x8F2B, s0  }
0xbf: {  	[sflag:s0] =	ssyncadd.remote.s32 $0x1  }
0xc0: {  	_ =	sfence.sel $0xFFFF  }
0xc1: {  	[dreg:$0x0] =	wrdreg $0xFFFFFFFF;
	(pc) =	sbr.abs _section_cstart, $3  }
0xc2: {  	[dreg:$0x1] =	wrdreg $0xFFFFFFFF  }
0xc3: {  	_ =	task.clear_ibuf [dreg:s7], $0x2FFFF;
	_ =	strace $0x9FFFFFFF  }
0xc4: {  	(tm) =	ssettm $0x7FFFFFFF  }
0xc5: {  	_ =	shalt  }
tec
execute0_lowered:
.L_overlay_start_1:
0x0: {  	(tag) =	ssettag $0x1  }
0x1: {  	s11 =	stileid.u32  }
0x2: {  	s0 =	srdreg.scid;
	s16 =	smul.u32 $0x4E80, s11  }
0x3: {  	s4 =	rddreg [dreg:$0x0];
	s17 =	smul.u32 $0x500, s11  }
0x4: {  	s1 =	simm.s32 $0x0;
	s3 =	sand.u32 $0x1, s0;
	s9 =	smul.u32 $0x50000, s11  }
0x5: {  	[smem:$0x7FF] =	sst s1;
	s5 =	sadd.s32 $0x16400, s4;
	s2 =	smul.u32 $0x2740, s3  }
0x6: {  	s19 =	smul.u32 $0x14000, s11;
	s6 =	sshll.u32 s3, $0x7;
	s7 =	ssub.s32 $0x2, s3  }
0x7: {  	s3 =	smul.u32 $0x140000, s3;
	s6 =	sor.u32 s6, s17;
	s0 =	sadd.s32 s2, s16  }
0x8: {  	s2 =	smul.u32 $0x280, s11;
	s6 =	sshrl.u32 s6, $0x3;
	s0 =	sshrl.u32 s0, $0x3  }
0x9: {  	s8 =	sshrl.u32 s7, $0x1;
	s0 =	sadd.s32 s0, s4;
	s4 =	sadd.s32 s6, s4  }
0xa: {  	s6 =	ssub.s32 s7, s8;
	s18 =	sshll.u32 s2, $0x7;
	s8 =	sshrl.u32 s9, $0x2  }
0xb: {  	s9 =	sadd.s32 s19, s3;
	s10 =	sor.u32 $0x2000, s18;
	s12 =	sadd.s32 $0x4000, s18  }
0xc: {  	s14 =	sadd.s32 $0x6000, s18;
	s15 =	sadd.s32 $0x8000, s18;
	s21 =	sadd.s32 $0xA000, s18  }
0xd: {  	s22 =	sadd.s32 $0xC000, s18;
	s23 =	sadd.s32 $0xE000, s18;
	s24 =	sadd.s32 $0x10000, s18  }
0xe: {  	s7 =	sadd.s32 $0x12000, s18;
	s9 =	sshrl.u32 s9, $0x3;
	s30 =	sadd.s32 $0x1E00, s0  }
0xf: {  	s31 =	sadd.s32 $0xBC00, s0;
	s0 =	simm.s32 $0x4;
	s20 =	sadd.s32 s3, s10  }
0x10: {  	s9 =	sadd.s32 s5, s9;
	s26 =	sadd.s32 s3, s12;
	s29 =	sadd.s32 s3, s14  }
0x11: {  	s13 =	sadd.s32 s3, s15;
	s17 =	sadd.s32 s3, s21;
	s19 =	sadd.s32 s3, s22  }
0x12: {  	[dreg:$0x5] =	wrdreg s9;
	s25 =	sshrl.u32 s20, $0x3;
	s28 =	sshrl.u32 s26, $0x3  }
0x13: {  	s11 =	sshrl.u32 s29, $0x3;
	s16 =	sshrl.u32 s13, $0x3;
	s18 =	sshrl.u32 s17, $0x3  }
0x14: {  	s13 =	sadd.s32 s3, s24;
	s9 =	sadd.s32 s5, s25;
	s25 =	sadd.s32 s3, s23  }
0x15: {  	s3 =	sadd.s32 s3, s7;
	[dreg:$0x6] =	wrdreg s9;
	s9 =	sadd.s32 s5, s28  }
0x16: {  	s3 =	sshrl.u32 s3, $0x3;
	[dreg:$0x7] =	wrdreg s9;
	s9 =	sadd.s32 s5, s11  }
0x17: {  	s20 =	sshrl.u32 s19, $0x3;
	s3 =	sadd.s32 s5, s3;
	[dreg:$0x8] =	wrdreg s9  }
0x18: {  	s9 =	sadd.s32 s5, s16;
	s16 =	sshrl.u32 s13, $0x3;
	s13 =	rddreg [dreg:$0x3]  }
0x19: {  	s29 =	smax.u32 s6, $0x1;
	s11 =	sshrl.u32 s25, $0x3;
	[dreg:$0xe] =	wrdreg s3  }
0x1a: {  	s6 =	simm.s32 $0x3;
	s11 =	sadd.s32 s5, s11;
	[dreg:$0x9] =	wrdreg s9  }
0x1b: {  	s28 =	sadd.s32 $0x15A00, s4;
	s4 =	simm.s32 $0x1;
	[dreg:$0xc] =	wrdreg s11  }
0x1c: {  	s3 =	simm.s32 $0x80;
	s9 =	sadd.s32 s5, s18;
	s11 =	rddreg [dreg:$0x2]  }
0x1d: {  	s16 =	sadd.s32 s5, s16;
	[dreg:$0xa] =	wrdreg s9;
	s9 =	sadd.s32 s5, s20  }
0x1e: {  	[dreg:$0xd] =	wrdreg s16;
	s26 =	sadd.s32 s8, s11;
	s17 =	sadd.s32 s10, s11  }
0x1f: {  	s18 =	sadd.s32 s12, s11;
	s19 =	sadd.s32 s14, s11;
	s20 =	sadd.s32 s15, s11  }
0x20: {  	s21 =	sadd.s32 s21, s11;
	s22 =	sadd.s32 s22, s11;
	s23 =	sadd.s32 s23, s11  }
0x21: {  	s24 =	sadd.s32 s24, s11;
	s25 =	sadd.s32 s7, s11;
	[dreg:$0xb] =	wrdreg s9  }
0x22: {  	s12 =	simm.s32 $0x100;
	s16 =	simm.s32 $0x16180;
	s9 =	rddreg [dreg:$0x1]  }
0x23: {  	s5 =	simm.s32 $0x40;
	_ =	strace $0x80000047;
	[dreg:$0x11] =	wrdreg s26  }
0x24: {  	s7 =	simm.s32 $0x2;
	s8 =	simm.s32 $0x16100;
	[dreg:$0xf] =	wrdreg s28  }
0x25: {  	v0 =	vimm.f32 $0.0e+00;
	v1 =	vimm.f32 $1.000000000e+00;
	s10 =	simm.s32 $0x0;
	s26 =	sadd.s32 s2, s13;
	[dreg:$0x10] =	wrdreg s29  }
.LBB2_1:
0x26: {  	s14 =	sand.u32 $0x7E00, s1  }
0x27: {  	s15 =	sand.u32 $0x70, s1;
	s28 =	sshrl.u32 s14, $0x2  }
0x28: {  	s14 =	simm.s32 $0x40;
	s28 =	sor.u32 s15, s28;
	s15 =	simm.s32 $0x0  }
.LBB2_2:
0x29: {  	p0 =	sne.s32 s14, $0x7FC0  }
0x2a: {  	[tilespmem:s28+$0x100] =	vst v0;
	s15 =	sadd.s32 $0x10, s15;
	s28 =	smov.u32 s14;
	s14 =	sadd.s32 $0x40, s14  }
.Ltmp0:
0x2b: {  	(pc) =	sbr.rel @p0 .LBB2_2-.Ltmp0, $4  }
0x2c: {  	_ = 	snop  }
0x2d: {  	s28 =	sand.u32 $0x7E00, s28  }
0x2e: {  	s29 =	sand.u32 $0x70, s15;
	s28 =	sshrl.u32 s28, $0x2  }
0x2f: {  	s28 =	sor.u32 s29, s28  }
0x30: {  	[tilespmem:s28+$0x100] =	vst v0;
	s2 =	rddreg [dreg:$0x11]  }
0x31: {  	[spmem:s2] =	stream.linear.scatter [tilespmem:s12], [sflag:$0x4], $0x2000, $0x38;
	[tilespmem:$0x16680] =	vst v63  }
0x32: {  	_ =	swait.ge [sflag:s0], $0x2000  }
0x33: {  	[sflag:s0] =	ssyncset.done $0x0  }
0x34: {  	[sflag:s0] =	ssyncadd.s32 $0xFFFFE000  }
0x35: {  	[spmem:s17] =	stream.linear.scatter [tilespmem:s12], [sflag:$0x4], $0x2000, $0x38;
	[tilespmem:$0x16680] =	vst v63  }
0x36: {  	_ =	swait.ge [sflag:s0], $0x2000  }
0x37: {  	[sflag:s0] =	ssyncset.done $0x0  }
0x38: {  	[sflag:s0] =	ssyncadd.s32 $0xFFFFE000  }
0x39: {  	[spmem:s18] =	stream.linear.scatter [tilespmem:s12], [sflag:$0x4], $0x2000, $0x38;
	[tilespmem:$0x16680] =	vst v63  }
0x3a: {  	_ =	swait.ge [sflag:s0], $0x2000  }
0x3b: {  	[sflag:s0] =	ssyncset.done $0x0  }
0x3c: {  	[sflag:s0] =	ssyncadd.s32 $0xFFFFE000  }
0x3d: {  	[spmem:s19] =	stream.linear.scatter [tilespmem:s12], [sflag:$0x4], $0x2000, $0x38;
	[tilespmem:$0x16680] =	vst v63  }
0x3e: {  	_ =	swait.ge [sflag:s0], $0x2000  }
0x3f: {  	[sflag:s0] =	ssyncset.done $0x0  }
0x40: {  	[sflag:s0] =	ssyncadd.s32 $0xFFFFE000  }
0x41: {  	[spmem:s20] =	stream.linear.scatter [tilespmem:s12], [sflag:$0x4], $0x2000, $0x38;
	[tilespmem:$0x16680] =	vst v63  }
0x42: {  	_ =	swait.ge [sflag:s0], $0x2000  }
0x43: {  	[sflag:s0] =	ssyncset.done $0x0  }
0x44: {  	[sflag:s0] =	ssyncadd.s32 $0xFFFFE000  }
0x45: {  	[spmem:s21] =	stream.linear.scatter [tilespmem:s12], [sflag:$0x4], $0x2000, $0x38;
	[tilespmem:$0x16680] =	vst v63  }
0x46: {  	_ =	swait.ge [sflag:s0], $0x2000  }
0x47: {  	[sflag:s0] =	ssyncset.done $0x0  }
0x48: {  	[sflag:s0] =	ssyncadd.s32 $0xFFFFE000  }
0x49: {  	[spmem:s22] =	stream.linear.scatter [tilespmem:s12], [sflag:$0x4], $0x2000, $0x38;
	[tilespmem:$0x16680] =	vst v63  }
0x4a: {  	_ =	swait.ge [sflag:s0], $0x2000  }
0x4b: {  	[sflag:s0] =	ssyncset.done $0x0  }
0x4c: {  	[sflag:s0] =	ssyncadd.s32 $0xFFFFE000  }
0x4d: {  	[spmem:s23] =	stream.linear.scatter [tilespmem:s12], [sflag:$0x4], $0x2000, $0x38;
	[tilespmem:$0x16680] =	vst v63  }
0x4e: {  	_ =	swait.ge [sflag:s0], $0x2000  }
0x4f: {  	[sflag:s0] =	ssyncset.done $0x0  }
0x50: {  	[sflag:s0] =	ssyncadd.s32 $0xFFFFE000  }
0x51: {  	[spmem:s24] =	stream.linear.scatter [tilespmem:s12], [sflag:$0x4], $0x2000, $0x38;
	[tilespmem:$0x16680] =	vst v63  }
0x52: {  	_ =	swait.ge [sflag:s0], $0x2000  }
0x53: {  	[sflag:s0] =	ssyncset.done $0x0  }
0x54: {  	[sflag:s0] =	ssyncadd.s32 $0xFFFFE000  }
0x55: {  	[spmem:s25] =	stream.linear.scatter [tilespmem:s12], [sflag:$0x4], $0x2000, $0x38;
	[tilespmem:$0x16680] =	vst v63  }
0x56: {  	_ =	swait.ge [sflag:s0], $0x2000  }
0x57: {  	[sflag:s0] =	ssyncset.done $0x0  }
0x58: {  	[sflag:s0] =	ssyncadd.s32 $0xFFFFE000  }
0x59: {  	[tilespmem:$0x16100] =	vst v1  }
0x5a: {  	[tilespmem:$0x16110] =	vst v1  }
0x5b: {  	[tilespmem:$0x16120] =	vst v1  }
0x5c: {  	[tilespmem:$0x16130] =	vst v1  }
0x5d: {  	[tilespmem:$0x16180] =	vst v0  }
0x5e: {  	[tilespmem:$0x16190] =	vst v0  }
0x5f: {  	[tilespmem:$0x161A0] =	vst v0  }
0x60: {  	[tilespmem:$0x161B0] =	vst v0  }
0x61: {  	[tilespmem:$0x161C0] =	vst v0  }
0x62: {  	[tilespmem:$0x161D0] =	vst v0  }
0x63: {  	[tilespmem:$0x161E0] =	vst v0  }
0x64: {  	[tilespmem:$0x161F0] =	vst v0  }
0x65: {  	[tilespmem:$0x16200] =	vst v0  }
0x66: {  	[tilespmem:$0x16210] =	vst v0  }
0x67: {  	[tilespmem:$0x16220] =	vst v0  }
0x68: {  	[tilespmem:$0x16230] =	vst v0  }
0x69: {  	[tilespmem:$0x16240] =	vst v0  }
0x6a: {  	[tilespmem:$0x16250] =	vst v0  }
0x6b: {  	[tilespmem:$0x16260] =	vst v0  }
0x6c: {  	[tilespmem:$0x16270] =	vst v0  }
0x6d: {  	[tilespmem:$0x16280] =	vst v0  }
0x6e: {  	[tilespmem:$0x16290] =	vst v0  }
0x6f: {  	[tilespmem:$0x162A0] =	vst v0  }
0x70: {  	[tilespmem:$0x162B0] =	vst v0  }
0x71: {  	[tilespmem:$0x162C0] =	vst v0  }
0x72: {  	[tilespmem:$0x162D0] =	vst v0  }
0x73: {  	[tilespmem:$0x162E0] =	vst v0  }
0x74: {  	[tilespmem:$0x162F0] =	vst v0  }
0x75: {  	[tilespmem:$0x16300] =	vst v0  }
0x76: {  	[tilespmem:$0x16310] =	vst v0  }
0x77: {  	[tilespmem:$0x16320] =	vst v0  }
0x78: {  	[tilespmem:$0x16330] =	vst v0  }
0x79: {  	[tilespmem:$0x16340] =	vst v0  }
0x7a: {  	[tilespmem:$0x16350] =	vst v0  }
0x7b: {  	[tilespmem:$0x16360] =	vst v0  }
0x7c: {  	[tilespmem:$0x16370] =	vst v0  }
0x7d: {  	[tilespmem:$0x16380] =	vst v0  }
0x7e: {  	[tilespmem:$0x16390] =	vst v0  }
0x7f: {  	[tilespmem:$0x163A0] =	vst v0  }
0x80: {  	[tilespmem:$0x163B0] =	vst v0  }
0x81: {  	[tilespmem:$0x163C0] =	vst v0  }
0x82: {  	[tilespmem:$0x163D0] =	vst v0  }
0x83: {  	[tilespmem:$0x163E0] =	vst v0  }
0x84: {  	[tilespmem:$0x163F0] =	vst v0  }
0x85: {  	[spmem:s26] =	stream.linear.scatter [tilespmem:s16], [sflag:$0x4], $0x280, $0x38;
	[tilespmem:$0x16680] =	vst v63  }
0x86: {  	_ =	swait.ge [sflag:s0], $0x280  }
0x87: {  	[sflag:s0] =	ssyncset.done $0x0  }
0x88: {  	[sflag:s0] =	ssyncadd.s32 $0xFFFFFD80  }
0x89: {  	s14 =	sadd.s32 $0x0, s31;
	[bflag:$0x0] =	sbarrier.arrive $0xFFFF  }
0x8a: {  	[tilespmem:s1], [sflag:$0x1] =	stream.linear.gather [hbm4b:s14+s1], $0x40, $0x38;
	[tilespmem:$0x16680] =	vst v63  }
0x8b: {  	s29 =	sadd.s32 $0x0, s30  }
0x8c: {  	[tilespmem:s3], [sflag:$0x2] =	stream.linear.gather [hbm4b:s29+s1], $0x40, $0x38;
	[tilespmem:$0x16680] =	vst v63  }
0x8d: {  	_ =	swait.ge [sflag:s4], $0x40  }
0x8e: {  	[sflag:s4] =	ssyncset.done $0x0  }
0x8f: {  	[sflag:s4] =	ssyncadd.s32 $0xFFFFFFC0  }
0x90: {  	[tilespmem:s12], [sflag:$0x3] =	stream.indirect.gather [hbm4b:s9+s5], $0x80, s1, s5, $0xb8;
	[tilespmem:$0x16680] =	vst v63  }
0x91: {  	_ =	swait.ge [sflag:s6], $0x2000  }
0x92: {  	[sflag:s6] =	ssyncset.done $0x0  }
0x93: {  	[sflag:s6] =	ssyncadd.s32 $0xFFFFE000  }
0x94: {  	_ =	swait.ge [sflag:s7], $0x40  }
0x95: {  	[sflag:s7] =	ssyncset.done $0x0  }
0x96: {  	[sflag:s7] =	ssyncadd.s32 $0xFFFFFFC0  }
0x97: {  	[spmem:s11] =	stream.indirect.scatter.add.f32 [tilespmem:s12], [sflag:$0x4], $0x80, s3, s5, $0xb8;
	[tilespmem:$0x16680] =	vst v63  }
0x98: {  	_ =	swait.ge [sflag:s0], $0x2000  }
0x99: {  	[sflag:s0] =	ssyncset.done $0x0  }
0x9a: {  	[sflag:s0] =	ssyncadd.s32 $0xFFFFE000  }
0x9b: {  	[spmem:s13] =	stream.indirect.scatter.add.f32 [tilespmem:s8], [sflag:$0x4], $0x1, s3, s5, $0xb8;
	[tilespmem:$0x16680] =	vst v63  }
0x9c: {  	_ =	swait.ge [sflag:s0], $0x40  }
0x9d: {  	s15 =	simm.s32 $0x10;
	s14 =	simm.s32 $0x8;
	[sflag:s0] =	ssyncset.done $0x0  }
.LBB2_4:
0x9e: {  	s28 =	sadd.s32 s14, s31  }
0x9f: {  	[sflag:s0] =	ssyncadd.s32 $0xFFFFFFC0;
	s29 =	smov.u32 s15;
	s2 =	sadd.s32 $0x8, s15  }
0xa0: {  	[tilespmem:s1], [sflag:$0x1] =	stream.linear.gather [hbm4b:s28+s1], $0x40, $0x38;
	[tilespmem:$0x16680] =	vst v63  }
0xa1: {  	p0 =	sne.s32 s15, $0x4E0;
	s15 =	sadd.s32 s14, s30;
	s14 =	smov.u32 s29  }
0xa2: {  	[tilespmem:s3], [sflag:$0x2] =	stream.linear.gather [hbm4b:s15+s1], $0x40, $0x38;
	[tilespmem:$0x16680] =	vst v63  }
0xa3: {  	_ =	swait.ge [sflag:s4], $0x40  }
0xa4: {  	[sflag:s4] =	ssyncset.done $0x0  }
0xa5: {  	[sflag:s4] =	ssyncadd.s32 $0xFFFFFFC0  }
0xa6: {  	[tilespmem:s12], [sflag:$0x3] =	stream.indirect.gather [hbm4b:s9+s5], $0x80, s1, s5, $0xb8;
	[tilespmem:$0x16680] =	vst v63  }
0xa7: {  	_ =	swait.ge [sflag:s6], $0x2000  }
0xa8: {  	[sflag:s6] =	ssyncset.done $0x0  }
0xa9: {  	[sflag:s6] =	ssyncadd.s32 $0xFFFFE000  }
0xaa: {  	_ =	swait.ge [sflag:s7], $0x40  }
0xab: {  	[sflag:s7] =	ssyncset.done $0x0  }
0xac: {  	[sflag:s7] =	ssyncadd.s32 $0xFFFFFFC0  }
0xad: {  	[spmem:s11] =	stream.indirect.scatter.add.f32 [tilespmem:s12], [sflag:$0x4], $0x80, s3, s5, $0xb8;
	[tilespmem:$0x16680] =	vst v63  }
0xae: {  	_ =	swait.ge [sflag:s0], $0x2000  }
.Ltmp1:
0xaf: {  	[sflag:s0] =	ssyncset.done $0x0;
	(pc) =	sbr.rel @p0 .LBB2_4-.Ltmp1, $4  }
0xb0: {  	[sflag:s0] =	ssyncadd.s32 $0xFFFFE000  }
0xb1: {  	[spmem:s13] =	stream.indirect.scatter.add.f32 [tilespmem:s8], [sflag:$0x4], $0x1, s3, s5, $0xb8;
	[tilespmem:$0x16680] =	vst v63  }
0xb2: {  	_ =	swait.ge [sflag:s0], $0x40  }
0xb3: {  	s15 =	smov.u32 s2;
	[sflag:s0] =	ssyncset.done $0x0  }
0xb4: {  	s2 =	sadd.s32 s14, s31;
	[sflag:s0] =	ssyncadd.s32 $0xFFFFFFC0  }
0xb5: {  	[tilespmem:s1], [sflag:$0x1] =	stream.linear.gather [hbm4b:s2+s1], $0x40, $0x38;
	[tilespmem:$0x16680] =	vst v63  }
0xb6: {  	s29 =	sadd.s32 s14, s30  }
0xb7: {  	[tilespmem:s3], [sflag:$0x2] =	stream.linear.gather [hbm4b:s29+s1], $0x40, $0x38;
	[tilespmem:$0x16680] =	vst v63  }
0xb8: {  	_ =	swait.ge [sflag:s4], $0x40  }
0xb9: {  	[sflag:s4] =	ssyncset.done $0x0  }
0xba: {  	[sflag:s4] =	ssyncadd.s32 $0xFFFFFFC0  }
0xbb: {  	[tilespmem:s12], [sflag:$0x3] =	stream.indirect.gather [hbm4b:s9+s5], $0x80, s1, s5, $0xb8;
	[tilespmem:$0x16680] =	vst v63  }
0xbc: {  	_ =	swait.ge [sflag:s6], $0x2000  }
0xbd: {  	[sflag:s6] =	ssyncset.done $0x0  }
0xbe: {  	[sflag:s6] =	ssyncadd.s32 $0xFFFFE000  }
0xbf: {  	_ =	swait.ge [sflag:s7], $0x40  }
0xc0: {  	[sflag:s7] =	ssyncset.done $0x0  }
0xc1: {  	[sflag:s7] =	ssyncadd.s32 $0xFFFFFFC0  }
0xc2: {  	[spmem:s11] =	stream.indirect.scatter.add.f32 [tilespmem:s12], [sflag:$0x4], $0x80, s3, s5, $0xb8;
	[tilespmem:$0x16680] =	vst v63  }
0xc3: {  	_ =	swait.ge [sflag:s0], $0x2000  }
0xc4: {  	[sflag:s0] =	ssyncset.done $0x0  }
0xc5: {  	[sflag:s0] =	ssyncadd.s32 $0xFFFFE000  }
0xc6: {  	[spmem:s13] =	stream.indirect.scatter.add.f32 [tilespmem:s8], [sflag:$0x4], $0x1, s3, s5, $0xb8;
	[tilespmem:$0x16680] =	vst v63  }
0xc7: {  	_ =	swait.ge [sflag:s0], $0x40  }
0xc8: {  	[sflag:s0] =	ssyncset.done $0x0  }
0xc9: {  	[sflag:s0] =	ssyncadd.s32 $0xFFFFFFC0  }
0xca: {  	[bflag:$0x0] =	sbarrier.arrive $0xFFFF  }
0xcb: {  	s14 =	rddreg [dreg:$0x11]  }
0xcc: {  	[tilespmem:s12], [sflag:$0x4] =	stream.linear.gather [spmem:s14], $0x2000, $0x38;
	[tilespmem:$0x16680] =	vst v63  }
0xcd: {  	_ =	swait.ge [sflag:s0], $0x2000  }
0xce: {  	[sflag:s0] =	ssyncset.done $0x0  }
0xcf: {  	s15 =	rddreg [dreg:$0x5];
	[sflag:s0] =	ssyncadd.s32 $0xFFFFE000  }
0xd0: {  	[hbm4b:s15+s1] =	stream.linear.scatter [tilespmem:s12], [sflag:$0x4], $0x2000, $0x38;
	[tilespmem:$0x16680] =	vst v63  }
0xd1: {  	_ =	swait.ge [sflag:s0], $0x2000  }
0xd2: {  	[sflag:s0] =	ssyncset.done $0x0  }
0xd3: {  	[sflag:s0] =	ssyncadd.s32 $0xFFFFE000  }
0xd4: {  	[tilespmem:s12], [sflag:$0x4] =	stream.linear.gather [spmem:s17], $0x2000, $0x38;
	[tilespmem:$0x16680] =	vst v63  }
0xd5: {  	_ =	swait.ge [sflag:s0], $0x2000  }
0xd6: {  	[sflag:s0] =	ssyncset.done $0x0  }
0xd7: {  	s16 =	rddreg [dreg:$0x6];
	[sflag:s0] =	ssyncadd.s32 $0xFFFFE000  }
0xd8: {  	[hbm4b:s16+s1] =	stream.linear.scatter [tilespmem:s12], [sflag:$0x4], $0x2000, $0x38;
	[tilespmem:$0x16680] =	vst v63  }
0xd9: {  	_ =	swait.ge [sflag:s0], $0x2000  }
0xda: {  	[sflag:s0] =	ssyncset.done $0x0  }
0xdb: {  	[sflag:s0] =	ssyncadd.s32 $0xFFFFE000  }
0xdc: {  	[tilespmem:s12], [sflag:$0x4] =	stream.linear.gather [spmem:s18], $0x2000, $0x38;
	[tilespmem:$0x16680] =	vst v63  }
0xdd: {  	_ =	swait.ge [sflag:s0], $0x2000  }
0xde: {  	[sflag:s0] =	ssyncset.done $0x0  }
0xdf: {  	s28 =	rddreg [dreg:$0x7];
	[sflag:s0] =	ssyncadd.s32 $0xFFFFE000  }
0xe0: {  	[hbm4b:s28+s1] =	stream.linear.scatter [tilespmem:s12], [sflag:$0x4], $0x2000, $0x38;
	[tilespmem:$0x16680] =	vst v63  }
0xe1: {  	_ =	swait.ge [sflag:s0], $0x2000  }
0xe2: {  	[sflag:s0] =	ssyncset.done $0x0  }
0xe3: {  	[sflag:s0] =	ssyncadd.s32 $0xFFFFE000  }
0xe4: {  	[tilespmem:s12], [sflag:$0x4] =	stream.linear.gather [spmem:s19], $0x2000, $0x38;
	[tilespmem:$0x16680] =	vst v63  }
0xe5: {  	_ =	swait.ge [sflag:s0], $0x2000  }
0xe6: {  	[sflag:s0] =	ssyncset.done $0x0  }
0xe7: {  	s29 =	rddreg [dreg:$0x8];
	[sflag:s0] =	ssyncadd.s32 $0xFFFFE000  }
0xe8: {  	[hbm4b:s29+s1] =	stream.linear.scatter [tilespmem:s12], [sflag:$0x4], $0x2000, $0x38;
	[tilespmem:$0x16680] =	vst v63  }
0xe9: {  	_ =	swait.ge [sflag:s0], $0x2000  }
0xea: {  	[sflag:s0] =	ssyncset.done $0x0  }
0xeb: {  	[sflag:s0] =	ssyncadd.s32 $0xFFFFE000  }
0xec: {  	[tilespmem:s12], [sflag:$0x4] =	stream.linear.gather [spmem:s20], $0x2000, $0x38;
	[tilespmem:$0x16680] =	vst v63  }
0xed: {  	_ =	swait.ge [sflag:s0], $0x2000  }
0xee: {  	[sflag:s0] =	ssyncset.done $0x0  }
0xef: {  	s14 =	rddreg [dreg:$0x9];
	[sflag:s0] =	ssyncadd.s32 $0xFFFFE000  }
0xf0: {  	[hbm4b:s14+s1] =	stream.linear.scatter [tilespmem:s12], [sflag:$0x4], $0x2000, $0x38;
	[tilespmem:$0x16680] =	vst v63  }
0xf1: {  	_ =	swait.ge [sflag:s0], $0x2000  }
0xf2: {  	[sflag:s0] =	ssyncset.done $0x0  }
0xf3: {  	[sflag:s0] =	ssyncadd.s32 $0xFFFFE000  }
0xf4: {  	[tilespmem:s12], [sflag:$0x4] =	stream.linear.gather [spmem:s21], $0x2000, $0x38;
	[tilespmem:$0x16680] =	vst v63  }
0xf5: {  	_ =	swait.ge [sflag:s0], $0x2000  }
0xf6: {  	[sflag:s0] =	ssyncset.done $0x0  }
0xf7: {  	s15 =	rddreg [dreg:$0xa];
	[sflag:s0] =	ssyncadd.s32 $0xFFFFE000  }
0xf8: {  	[hbm4b:s15+s1] =	stream.linear.scatter [tilespmem:s12], [sflag:$0x4], $0x2000, $0x38;
	[tilespmem:$0x16680] =	vst v63  }
0xf9: {  	_ =	swait.ge [sflag:s0], $0x2000  }
0xfa: {  	[sflag:s0] =	ssyncset.done $0x0  }
0xfb: {  	[sflag:s0] =	ssyncadd.s32 $0xFFFFE000  }
0xfc: {  	[tilespmem:s12], [sflag:$0x4] =	stream.linear.gather [spmem:s22], $0x2000, $0x38;
	[tilespmem:$0x16680] =	vst v63  }
0xfd: {  	_ =	swait.ge [sflag:s0], $0x2000  }
0xfe: {  	[sflag:s0] =	ssyncset.done $0x0  }
0xff: {  	s16 =	rddreg [dreg:$0xb];
	[sflag:s0] =	ssyncadd.s32 $0xFFFFE000  }
0x100: {  	[hbm4b:s16+s1] =	stream.linear.scatter [tilespmem:s12], [sflag:$0x4], $0x2000, $0x38;
	[tilespmem:$0x16680] =	vst v63  }
0x101: {  	_ =	swait.ge [sflag:s0], $0x2000  }
0x102: {  	[sflag:s0] =	ssyncset.done $0x0  }
0x103: {  	[sflag:s0] =	ssyncadd.s32 $0xFFFFE000  }
0x104: {  	[tilespmem:s12], [sflag:$0x4] =	stream.linear.gather [spmem:s23], $0x2000, $0x38;
	[tilespmem:$0x16680] =	vst v63  }
0x105: {  	_ =	swait.ge [sflag:s0], $0x2000  }
0x106: {  	[sflag:s0] =	ssyncset.done $0x0  }
0x107: {  	s28 =	rddreg [dreg:$0xc];
	[sflag:s0] =	ssyncadd.s32 $0xFFFFE000  }
0x108: {  	[hbm4b:s28+s1] =	stream.linear.scatter [tilespmem:s12], [sflag:$0x4], $0x2000, $0x38;
	[tilespmem:$0x16680] =	vst v63  }
0x109: {  	_ =	swait.ge [sflag:s0], $0x2000  }
0x10a: {  	[sflag:s0] =	ssyncset.done $0x0  }
0x10b: {  	[sflag:s0] =	ssyncadd.s32 $0xFFFFE000  }
0x10c: {  	[tilespmem:s12], [sflag:$0x4] =	stream.linear.gather [spmem:s24], $0x2000, $0x38;
	[tilespmem:$0x16680] =	vst v63  }
0x10d: {  	_ =	swait.ge [sflag:s0], $0x2000  }
0x10e: {  	[sflag:s0] =	ssyncset.done $0x0  }
0x10f: {  	s29 =	rddreg [dreg:$0xd];
	[sflag:s0] =	ssyncadd.s32 $0xFFFFE000  }
0x110: {  	[hbm4b:s29+s1] =	stream.linear.scatter [tilespmem:s12], [sflag:$0x4], $0x2000, $0x38;
	[tilespmem:$0x16680] =	vst v63  }
0x111: {  	_ =	swait.ge [sflag:s0], $0x2000  }
0x112: {  	[sflag:s0] =	ssyncset.done $0x0  }
0x113: {  	[sflag:s0] =	ssyncadd.s32 $0xFFFFE000  }
0x114: {  	[tilespmem:s12], [sflag:$0x4] =	stream.linear.gather [spmem:s25], $0x2000, $0x38;
	[tilespmem:$0x16680] =	vst v63  }
0x115: {  	_ =	swait.ge [sflag:s0], $0x2000  }
0x116: {  	[sflag:s0] =	ssyncset.done $0x0  }
0x117: {  	s14 =	rddreg [dreg:$0xe];
	[sflag:s0] =	ssyncadd.s32 $0xFFFFE000  }
0x118: {  	[hbm4b:s14+s1] =	stream.linear.scatter [tilespmem:s12], [sflag:$0x4], $0x2000, $0x38;
	[tilespmem:$0x16680] =	vst v63  }
0x119: {  	_ =	swait.ge [sflag:s0], $0x2000  }
0x11a: {  	[sflag:s0] =	ssyncset.done $0x0  }
0x11b: {  	s15 =	simm.s32 $0x16180;
	[sflag:s0] =	ssyncadd.s32 $0xFFFFE000  }
0x11c: {  	[tilespmem:s15], [sflag:$0x4] =	stream.linear.gather [spmem:s26], $0x280, $0x38;
	[tilespmem:$0x16680] =	vst v63  }
0x11d: {  	_ =	swait.ge [sflag:s0], $0x280  }
0x11e: {  	[sflag:s0] =	ssyncset.done $0x0  }
0x11f: {  	s28 =	rddreg [dreg:$0xf];
	[sflag:s0] =	ssyncadd.s32 $0xFFFFFD80  }
0x120: {  	[hbm4b:s28+s3] =	stream.strided.scatter [tilespmem:s15], [sflag:$0x4], $0x280, s12, s3, $0x38;
	[tilespmem:$0x16680] =	vst v63  }
0x121: {  	_ =	swait.ge [sflag:s0], $0x280  }
0x122: {  	s10 =	sadd.s32 $0x1, s10;
	s29 =	rddreg [dreg:$0x10]  }
0x123: {  	p0 =	sne.s32 s10, s29  }
.Ltmp2:
0x124: {  	_ = 	snop;
	(pc) =	sbr.rel @p0 .LBB2_1-.Ltmp2, $3  }
0x125: {  	_ =	sdelay $0x1  }
0x126: {  	[sflag:s0] =	ssyncset.done $0x0  }
0x127: {  	s16 =	simm.s32 $0x16180;
	[sflag:s0] =	ssyncadd.s32 $0xFFFFFD80  }
0x128: {  	_ =	sfence.sel $0x180000  }
0x129: {  	[bflag:$0x0] =	sbarrier.arrive $0xFFFF  }
0x12a: {  	_ =	strace $0x90000047  }
0x12b: {  	s0 =	stileid.u32;
	[bflag:$0x2] =	sbarrier.arrive $0xFFFF  }
0x12c: {  	p0 =	sne.s32 s0, $0x0;
	s0 =	rddreg [dreg:$0x4]  }
0x12d: {  	s0 =	sadd.s32 @!p0 $0x100000, s0  }
0x12e: {  	[sflag:s0] =	ssyncadd.tile.s32 @!p0 $0x1;
	_ =	shalt  }
.Lfunc_end2:
_tile_overlayer_lowered:
.L_overlay_start_2:
0x12f: {  	(tag) =	ssettag $0x2  }
0x130: {  	s0 =	rddreg [dreg:$0x0];
	s2 =	stileid.u32  }
0x131: {  	s1 =	rddreg [dreg:$0x1];
	p0 =	sne.s32 s2, $0x0  }
0x132: {  	s3 =	rddreg [dreg:$0x2];
	[bflag:$0x3] =	sbarrier.arrive $0xFFFF;
	s2 =	simm.s32 @!p0 $0x1C04  }
0x133: {  	[timem:s3], [sflag:s2] =	dma.local @!p0 [hbm:s0], s1  }
0x134: {  	s0 =	simm.s32 @!p0 $0x4  }
0x135: {  	_ =	swait.ge @!p0 [sflag:s0], s1  }
0x136: {  	s1 =	ssub.s32 @!p0 $0x0, s1;
	[sflag:s0] =	ssyncset.done @!p0 $0x0  }
0x137: {  	[sflag:s0] =	ssyncadd.s32 @!p0 s1  }
0x138: {  	[bflag:$0x3] =	sbarrier.arrive $0xFFFF  }
0x139: {  	_ =	shalt  }

</sc_bundles>
